<compile_context>
chip_gen: v7x
topology: tpu7x:2x2x1
jax: 0.10.2.dev20260603
libtpu: 0.0.44.dev20260713+nightly
codegen_flags: <defaults>
</compile_context>

<pallas_src>
import functools

import jax
import jax.numpy as jnp
from jax import lax
from jax.experimental import pallas as pl
from jax.experimental.pallas import tpu as pltpu
from jax.experimental.pallas import tpu_sc as plsc

_N = 10000
_E = 320000
_NC = 2
_NS = 16
_NW = _NC * _NS
_EPT = _E // _NW
_RPT = _N // _NS
_DEGK = 16


def _mesh():
    return plsc.VectorSubcoreMesh(
        core_axis_name="c", subcore_axis_name="s", num_cores=_NC, num_subcores=_NS
    )


def _fill2d(ref, rows, d, value):
    vec = jnp.full((16,), value, jnp.float32)
    nl = d // 16

    def body(i, carry):
        r = i // nl
        c = i - r * nl
        ref[r, pl.ds(c * 16, 16)] = vec
        return carry

    lax.fori_loop(0, rows * nl, body, 0)


def _zero_my_slice(acc_sh, zbuf, sid, d, chunk):
    _fill2d(zbuf, chunk, d, 0.0)
    base = sid * _RPT
    off = 0
    while off + chunk <= _RPT:
        pltpu.sync_copy(zbuf, acc_sh.at[pl.ds(base + off, chunk)])
        off += chunk
    if off < _RPT:
        rem = _RPT - off
        pltpu.sync_copy(zbuf.at[pl.ds(0, rem)], acc_sh.at[pl.ds(base + off, rem)])


def _make_deg_kernel(chunk):
    nch = _EPT // chunk

    @functools.partial(
        pl.kernel,
        out_type=jax.ShapeDtypeStruct((_NC, _N, _DEGK), jnp.float32),
        mesh=_mesh(),
        scratch_types=[
            pltpu.VMEM((_EPT,), jnp.int32),
            pltpu.VMEM((chunk, _DEGK), jnp.float32),
            pltpu.VMEM((chunk, _DEGK), jnp.float32),
            pltpu.VMEM_SHARED((_N, _DEGK), jnp.float32),
            pltpu.SemaphoreType.DMA,
        ],
        compiler_params=pltpu.CompilerParams(use_tc_tiling_on_sc=False),
    )
    def deg_kernel(edge_hbm, out_hbm, dst_v, ones_v, zbuf_v, acc_sh, sem_s):
        cid = lax.axis_index("c")
        sid = lax.axis_index("s")
        wid = cid * _NS + sid

        _zero_my_slice(acc_sh, zbuf_v, sid, _DEGK, chunk)
        _fill2d(ones_v, chunk, _DEGK, 1.0)
        pltpu.sync_copy(edge_hbm.at[1, pl.ds(wid * _EPT, _EPT)], dst_v)
        plsc.subcore_barrier()

        def s_start(k):
            pltpu.async_copy(
                ones_v, acc_sh.at[dst_v.at[pl.ds(k * chunk, chunk)]], sem_s, add=True
            )

        def s_wait():
            pltpu.make_async_copy(
                ones_v, acc_sh.at[dst_v.at[pl.ds(0, chunk)]], sem_s
            ).wait()

        s_start(0)
        s_start(1)

        def body(k, carry):
            s_wait()
            s_start(k + 2)
            return carry

        lax.fori_loop(0, nch - 2, body, 0)
        s_wait()
        s_wait()

        plsc.subcore_barrier()
        base = sid * _RPT
        pltpu.sync_copy(
            acc_sh.at[pl.ds(base, _RPT)], out_hbm.at[cid, pl.ds(base, _RPT)]
        )

    return deg_kernel


def _make_prop_kernel(d, chunk, gc, nb):
    nch = _EPT // chunk
    ng = nch // gc
    gce = gc * chunk

    @functools.partial(
        pl.kernel,
        out_type=jax.ShapeDtypeStruct((_NC, _N, d), jnp.float32),
        mesh=_mesh(),
        scratch_types=[
            pltpu.VMEM((gce,), jnp.int32),
            pltpu.VMEM((gce,), jnp.int32),
            pltpu.VMEM((nb, chunk, d), jnp.float32),
            pltpu.VMEM_SHARED((_N, d), jnp.float32),
            pltpu.SemaphoreType.DMA,
            pltpu.SemaphoreType.DMA,
        ],
        compiler_params=pltpu.CompilerParams(use_tc_tiling_on_sc=False),
    )
    def prop_kernel(g_hbm, edge_hbm, out_hbm, src_v, dst_v, rows_v, acc_sh, sem_g, sem_s):
        cid = lax.axis_index("c")
        sid = lax.axis_index("s")
        wid = cid * _NS + sid

        _zero_my_slice(acc_sh, rows_v.at[0], sid, d, chunk)
        plsc.subcore_barrier()

        def g_start(k, b):
            pltpu.make_async_copy(
                g_hbm.at[src_v.at[pl.ds(k * chunk, chunk)]], rows_v.at[b], sem_g
            ).start()

        def g_wait():
            pltpu.make_async_copy(
                g_hbm.at[src_v.at[pl.ds(0, chunk)]], rows_v.at[0], sem_g
            ).wait()

        def s_start(k, b):
            pltpu.async_copy(
                rows_v.at[b],
                acc_sh.at[dst_v.at[pl.ds(k * chunk, chunk)]],
                sem_s,
                add=True,
            )

        def s_wait():
            pltpu.make_async_copy(
                rows_v.at[0], acc_sh.at[dst_v.at[pl.ds(0, chunk)]], sem_s
            ).wait()

        def group_body(gi, carry):
            base = wid * _EPT + gi * gce
            pltpu.sync_copy(edge_hbm.at[0, pl.ds(base, gce)], src_v)
            pltpu.sync_copy(edge_hbm.at[1, pl.ds(base, gce)], dst_v)
            for j in range(nb - 1):
                g_start(j, j)

            def ring(kb, c2):
                for ph in range(nb):
                    k = nb * kb + ph
                    g_wait()
                    s_start(k, ph)
                    if ph == 0:
                        @pl.when(kb > 0)
                        def _():
                            s_wait()
                    else:
                        s_wait()

                    @pl.when(k < gc - (nb - 1))
                    def _():
                        g_start(k + nb - 1, (ph + nb - 1) % nb)

                return c2

            lax.fori_loop(0, gc // nb, ring, 0)
            s_wait()
            return carry

        lax.fori_loop(0, ng, group_body, 0)

        plsc.subcore_barrier()
        base = sid * _RPT
        pltpu.sync_copy(
            acc_sh.at[pl.ds(base, _RPT)], out_hbm.at[cid, pl.ds(base, _RPT)]
        )

    return prop_kernel


_deg_call = _make_deg_kernel(80)
_prop128 = _make_prop_kernel(128, 40, 250, 5)
_prop16 = _make_prop_kernel(16, 400, 25, 5)

_ROWBLK = 2000
_NBLK = _N // _ROWBLK


def _dinv_block(dg_ref):
    degs = dg_ref[0] + dg_ref[1]
    deg = degs[:, 0:1]
    return lax.rsqrt(jnp.maximum(deg + 1.0, 1.0))


def _tc_mm_scale(x, w1, degp):
    def body(x_ref, w_ref, dg_ref, o_ref):
        p = jnp.dot(x_ref[...], w_ref[...], preferred_element_type=jnp.float32)
        o_ref[...] = p * _dinv_block(dg_ref)

    return pl.pallas_call(
        body,
        grid=(_NBLK,),
        in_specs=[
            pl.BlockSpec((_ROWBLK, 128), lambda i: (i, 0)),
            pl.BlockSpec((128, 128), lambda i: (0, 0)),
            pl.BlockSpec((_NC, _ROWBLK, _DEGK), lambda i: (0, i, 0)),
        ],
        out_specs=pl.BlockSpec((_ROWBLK, 128), lambda i: (i, 0)),
        out_shape=jax.ShapeDtypeStruct((_N, 128), jnp.float32),
    )(x, w1, degp)


def _tc_layer1(acc1, g1, degp, b1_2d, w2, w3):
    def body(a_ref, g_ref, dg_ref, b1_ref, w2_ref, w3_ref, o_ref):
        dinv = _dinv_block(dg_ref)
        h1 = jnp.maximum((a_ref[0] + a_ref[1] + g_ref[...]) * dinv + b1_ref[...], 0.0)
        w23 = jnp.dot(w2_ref[...], w3_ref[...], preferred_element_type=jnp.float32)
        o_ref[...] = jnp.dot(h1, w23, preferred_element_type=jnp.float32) * dinv

    return pl.pallas_call(
        body,
        grid=(_NBLK,),
        in_specs=[
            pl.BlockSpec((_NC, _ROWBLK, 128), lambda i: (0, i, 0)),
            pl.BlockSpec((_ROWBLK, 128), lambda i: (i, 0)),
            pl.BlockSpec((_NC, _ROWBLK, _DEGK), lambda i: (0, i, 0)),
            pl.BlockSpec((1, 128), lambda i: (0, 0)),
            pl.BlockSpec((128, 64), lambda i: (0, 0)),
            pl.BlockSpec((64, 16), lambda i: (0, 0)),
        ],
        out_specs=pl.BlockSpec((_ROWBLK, 16), lambda i: (i, 0)),
        out_shape=jax.ShapeDtypeStruct((_N, 16), jnp.float32),
    )(acc1, g1, degp, b1_2d, w2, w3)


def _tc_layer2(acc2, g2, degp, b2_2d, w3, b3_2d):
    def body(a_ref, g_ref, dg_ref, b2_ref, w3_ref, b3_ref, o_ref):
        dinv = _dinv_block(dg_ref)
        bias = jnp.dot(b2_ref[...], w3_ref[...], preferred_element_type=jnp.float32)
        z = (a_ref[0] + a_ref[1] + g_ref[...]) * dinv + bias + b3_ref[...]
        o_ref[...] = 1.0 / (1.0 + jnp.exp(-z))

    return pl.pallas_call(
        body,
        grid=(_NBLK,),
        in_specs=[
            pl.BlockSpec((_NC, _ROWBLK, 16), lambda i: (0, i, 0)),
            pl.BlockSpec((_ROWBLK, 16), lambda i: (i, 0)),
            pl.BlockSpec((_NC, _ROWBLK, _DEGK), lambda i: (0, i, 0)),
            pl.BlockSpec((1, 64), lambda i: (0, 0)),
            pl.BlockSpec((64, 16), lambda i: (0, 0)),
            pl.BlockSpec((1, 16), lambda i: (0, 0)),
        ],
        out_specs=pl.BlockSpec((_ROWBLK, 16), lambda i: (i, 0)),
        out_shape=jax.ShapeDtypeStruct((_N, 16), jnp.float32),
    )(acc2, g2, degp, b2_2d, w3, b3_2d)


def kernel(x, edge_index, W1, b1, W2, b2, W3, b3):
    b1_2d = b1.reshape(1, 128)
    b2_2d = b2.reshape(1, 64)
    b3_2d = b3.reshape(1, 16)

    degp = _deg_call(edge_index)
    g1 = _tc_mm_scale(x, W1, degp)
    acc1 = _prop128(g1, edge_index)
    g2 = _tc_layer1(acc1, g1, degp, b1_2d, W2, W3)
    acc2 = _prop16(g2, edge_index)
    return _tc_layer2(acc2, g2, degp, b2_2d, W3, b3_2d)

# --- scband reference (transcript-rebuilt; emitter-appended) ---
"""Pipeline reference for scband-net-1984274891245 (READ-ONLY COPY).

The authoritative reference and input builder live on the scoring server;
editing this copy changes nothing except your own understanding.
"""

import jax, jax.numpy as jnp
import numpy as np

N = 10000
E = 320000
DIN = 128
DH = 128
DOUT = 64
NUM_LABELS = 16


def setup_inputs(seed: int = 0) -> dict:
    key = jax.random.key(seed)
    ks = jax.random.split(key, 8)
    x = jax.random.normal(ks[0], (N, DIN), dtype=jnp.float32)
    edge_index = jax.random.randint(ks[1], (2, E), 0, N, dtype=jnp.int32)
    W1 = jax.random.normal(ks[2], (DIN, DH), dtype=jnp.float32) * (1.0 / np.sqrt(DIN))
    b1 = jnp.zeros((DH,), dtype=jnp.float32)
    W2 = jax.random.normal(ks[3], (DH, DOUT), dtype=jnp.float32) * (1.0 / np.sqrt(DH))
    b2 = jnp.zeros((DOUT,), dtype=jnp.float32)
    W3 = jax.random.normal(ks[4], (DOUT, NUM_LABELS), dtype=jnp.float32) * (1.0 / np.sqrt(DOUT))
    b3 = jnp.zeros((NUM_LABELS,), dtype=jnp.float32)
    return {"x": x, "edge_index": edge_index, "W1": W1, "b1": b1, "W2": W2, "b2": b2, "W3": W3, "b3": b3}


def _gcn_conv(x, edge_index, W, b, num_nodes):
    # GCNConv: x' = D^{-1/2} (A + I) D^{-1/2} (X W) + b
    src = edge_index[0]
    dst = edge_index[1]
    loop = jnp.arange(num_nodes, dtype=src.dtype)
    src = jnp.concatenate([src, loop])
    dst = jnp.concatenate([dst, loop])
    deg = jnp.zeros((num_nodes,), dtype=x.dtype).at[dst].add(1.0)
    dinv = jax.lax.rsqrt(jnp.clip(deg, 1.0, None))
    h = x @ W
    norm = dinv[src] * dinv[dst]
    msgs = h[src] * norm[:, None]
    out = jax.ops.segment_sum(msgs, dst, num_segments=num_nodes)
    return out + b


def reference(x, edge_index, W1, b1, W2, b2, W3, b3):
    # dropout (p=0.5) is active only in training mode; reference is eval-mode -> identity
    h = _gcn_conv(x, edge_index, W1, b1, N)
    h = jax.nn.relu(h)
    h = _gcn_conv(h, edge_index, W2, b2, N)
    h = h @ W3 + b3
    return jax.nn.sigmoid(h)

if __name__ == "__main__":
    import jax
    _d = setup_inputs()
    print(jax.jit(kernel)(*tuple(_d.values())))

</pallas_src>

<mosaic_0001>
#map = affine_map<(d0, d1) -> (0, 0)>
#map1 = affine_map<(d0, d1) -> (0, 0, 0)>
module attributes {stable_mosaic.version = 14 : i64} {
  func.func @prop_kernel(%arg0: i32, %arg1: i32, %arg2: memref<10000x128xf32, #tpu.memory_space<hbm>>, %arg3: memref<2x320000xi32, #tpu.memory_space<hbm>>, %arg4: memref<2x10000x128xf32, #tpu.memory_space<hbm>>, %arg5: memref<10000xi32, #tpu.memory_space<vmem>>, %arg6: memref<10000xi32, #tpu.memory_space<vmem>>, %arg7: memref<5x40x128xf32, #tpu.memory_space<vmem>>, %arg8: memref<10000x128xf32, #tpu.memory_space<vmem_shared>>, %arg9: memref<!tpu.dma_semaphore, #tpu.memory_space<semaphore_mem>>, %arg10: memref<!tpu.dma_semaphore, #tpu.memory_space<semaphore_mem>>) attributes {dimension_semantics = [#tpu.dimension_semantics<core_parallel>, #tpu.dimension_semantics<subcore_parallel>], iteration_bounds = array<i64: 2, 16>, scalar_prefetch = 0 : i64, scratch_operands = 6 : i64, tpu.core_type = #tpu.core_type<sc_vector_subcore>, window_params = [{transform_indices = #map}, {transform_indices = #map}, {transform_indices = #map1}]} {
    %mul3A = arith.constant 16 : i32
    %mul3A_0 = arith.muli %arg0, %mul3A : i32
    %add3A = arith.addi %mul3A_0, %arg1 : i32
    %broadcast_in_dim3A = arith.constant 0.000000e+00 : f32
    %broadcast_in_dim3A_1 = vector.broadcast %broadcast_in_dim3A : f32 to vector<16xf32>
    %scan3A = arith.constant 0 : i32
    %scan3A_2 = arith.constant 0 : i32
    %scan3A_3 = arith.constant 0 : i32
    %scan3A_4 = arith.constant 320 : i32
    %scan3A_5 = arith.addi %scan3A_3, %scan3A_4 : i32
    %scan3A_6 = arith.constant 1 : i32
    scf.for %scan3A_124 = %scan3A_3 to %scan3A_5 step %scan3A_6  : i32 {
      %jit3A = arith.constant 8 : i32
      %div3A = arith.divsi %scan3A_124, %jit3A : i32
      %sign3A = arith.constant 0 : i32
      %sign3A_125 = arith.cmpi sgt, %scan3A_124, %sign3A : i32
      %sign3A_126 = arith.extui %sign3A_125 : i1 to i32
      %sign3A_127 = arith.constant 0 : i32
      %sign3A_128 = arith.cmpi slt, %scan3A_124, %sign3A_127 : i32
      %sign3A_129 = arith.extui %sign3A_128 : i1 to i32
      %sign3A_130 = arith.subi %sign3A_126, %sign3A_129 : i32
      %sign3A_131 = arith.constant 0 : i32
      %sign3A_132 = arith.cmpi sgt, %jit3A, %sign3A_131 : i32
      %sign3A_133 = arith.extui %sign3A_132 : i1 to i32
      %sign3A_134 = arith.constant 0 : i32
      %sign3A_135 = arith.cmpi slt, %jit3A, %sign3A_134 : i32
      %sign3A_136 = arith.extui %sign3A_135 : i1 to i32
      %sign3A_137 = arith.subi %sign3A_133, %sign3A_136 : i32
      %ne3A = arith.cmpi ne, %sign3A_130, %sign3A_137 : i32
      %rem3A = arith.remsi %scan3A_124, %jit3A : i32
      %ne3A_138 = arith.constant 0 : i32
      %ne3A_139 = arith.cmpi ne, %rem3A, %ne3A_138 : i32
      %and3A = arith.andi %ne3A, %ne3A_139 : i1
      %sub3A = arith.constant 1 : i32
      %sub3A_140 = arith.subi %div3A, %sub3A : i32
      %select_n3A = arith.select %and3A, %sub3A_140, %div3A : i32
      %mul3A_141 = arith.constant 8 : i32
      %mul3A_142 = arith.muli %select_n3A, %mul3A_141 : i32
      %sub3A_143 = arith.subi %scan3A_124, %mul3A_142 : i32
      %mul3A_144 = arith.constant 16 : i32
      %mul3A_145 = arith.muli %sub3A_143, %mul3A_144 : i32
      %swap3A = arith.constant 0 : i32
      %swap3A_146 = arith.constant 0 : i32
      %swap3A_147 = tpu.memref_slice %arg7[%scan3A_2, %swap3A, %swap3A_146] : memref<5x40x128xf32, #tpu.memory_space<vmem>> -> memref<1x40x128xf32, #tpu.memory_space<vmem>>
      %swap3A_148 = tpu.memref_squeeze %swap3A_147 : memref<1x40x128xf32, #tpu.memory_space<vmem>> -> memref<40x128xf32, #tpu.memory_space<vmem>>
      %swap3A_149 = arith.index_cast %select_n3A : i32 to index
      %swap3A_150 = arith.index_cast %mul3A_145 : i32 to index
      %swap3A_151 = tpu.vector_load %swap3A_148[%swap3A_149, %swap3A_150] {strides = array<i32>} : memref<40x128xf32, #tpu.memory_space<vmem>>, vector<1x16xf32>,
      %swap3A_152 = vector.shape_cast %swap3A_151 : vector<1x16xf32> to vector<16xf32>
      %swap3A_153 = vector.shape_cast %broadcast_in_dim3A_1 : vector<16xf32> to vector<1x16xf32>
      tpu.vector_store %swap3A_148[%swap3A_149, %swap3A_150], %swap3A_153 {strides = array<i32>} : memref<40x128xf32, #tpu.memory_space<vmem>>, vector<1x16xf32>,
    }
    %scan3A_7 = arith.constant 320 : i32
    %mul3A_8 = arith.constant 625 : i32
    %mul3A_9 = arith.muli %arg1, %mul3A_8 : i32
    %add3A_10 = arith.constant 0 : i32
    %add3A_11 = arith.addi %mul3A_9, %add3A_10 : i32
    %run_scoped3A = arith.constant 0 : i32
    "tpu.region"() ({
      %run_scoped3A_124 = tpu.sem_alloc : memref<!tpu.dma_semaphore, #tpu.memory_space<semaphore_mem>>
      %dma_start3A_125 = arith.constant 0 : i32
      %dma_start3A_126 = arith.constant 0 : i32
      %dma_start3A_127 = tpu.memref_slice %arg7[%run_scoped3A, %dma_start3A_125, %dma_start3A_126] : memref<5x40x128xf32, #tpu.memory_space<vmem>> -> memref<1x40x128xf32, #tpu.memory_space<vmem>>
      %dma_start3A_128 = tpu.memref_squeeze %dma_start3A_127 : memref<1x40x128xf32, #tpu.memory_space<vmem>> -> memref<40x128xf32, #tpu.memory_space<vmem>>
      %dma_start3A_129 = arith.constant 0 : i32
      %dma_start3A_130 = tpu.memref_slice %arg8[%add3A_11, %dma_start3A_129] : memref<10000x128xf32, #tpu.memory_space<vmem_shared>> -> memref<40x128xf32, #tpu.memory_space<vmem_shared>>
      %dma_start3A_131 = arith.constant 0 : i32
      %dma_start3A_132 = tpu.memref_slice %arg8[%add3A_11, %dma_start3A_131] : memref<10000x128xf32, #tpu.memory_space<vmem_shared>> -> memref<40x128xf32, #tpu.memory_space<vmem_shared>>
      %dma_start3A_133 = arith.constant 0 : i32
      %dma_start3A_134 = arith.constant 0 : i32
      %dma_start3A_135 = tpu.memref_slice %arg7[%run_scoped3A, %dma_start3A_133, %dma_start3A_134] : memref<5x40x128xf32, #tpu.memory_space<vmem>> -> memref<1x40x128xf32, #tpu.memory_space<vmem>>
      %dma_start3A_136 = tpu.memref_squeeze %dma_start3A_135 : memref<1x40x128xf32, #tpu.memory_space<vmem>> -> memref<40x128xf32, #tpu.memory_space<vmem>>
      tpu.enqueue_dma source(%dma_start3A_136 : memref<40x128xf32, #tpu.memory_space<vmem>>) target(%dma_start3A_132 : memref<40x128xf32, #tpu.memory_space<vmem_shared>>) target_semaphore(%run_scoped3A_124 : memref<!tpu.dma_semaphore, #tpu.memory_space<semaphore_mem>>)
      %dma_wait3A_137 = arith.constant 0 : i32
      %dma_wait3A_138 = arith.constant 0 : i32
      %dma_wait3A_139 = tpu.memref_slice %arg7[%run_scoped3A, %dma_wait3A_137, %dma_wait3A_138] : memref<5x40x128xf32, #tpu.memory_space<vmem>> -> memref<1x40x128xf32, #tpu.memory_space<vmem>>
      %dma_wait3A_140 = tpu.memref_squeeze %dma_wait3A_139 : memref<1x40x128xf32, #tpu.memory_space<vmem>> -> memref<40x128xf32, #tpu.memory_space<vmem>>
      %dma_wait3A_141 = arith.constant 0 : i32
      %dma_wait3A_142 = tpu.memref_slice %arg8[%add3A_11, %dma_wait3A_141] : memref<10000x128xf32, #tpu.memory_space<vmem_shared>> -> memref<40x128xf32, #tpu.memory_space<vmem_shared>>
      %dma_wait3A_143 = arith.constant 0 : i32
      %dma_wait3A_144 = tpu.memref_slice %arg8[%add3A_11, %dma_wait3A_143] : memref<10000x128xf32, #tpu.memory_space<vmem_shared>> -> memref<40x128xf32, #tpu.memory_space<vmem_shared>>
      %dma_wait3A_145 = arith.constant 0 : i32
      %dma_wait3A_146 = arith.constant 0 : i32
      %dma_wait3A_147 = tpu.memref_slice %arg7[%run_scoped3A, %dma_wait3A_145, %dma_wait3A_146] : memref<5x40x128xf32, #tpu.memory_space<vmem>> -> memref<1x40x128xf32, #tpu.memory_space<vmem>>
      %dma_wait3A_148 = tpu.memref_squeeze %dma_wait3A_147 : memref<1x40x128xf32, #tpu.memory_space<vmem>> -> memref<40x128xf32, #tpu.memory_space<vmem>>
      tpu.wait_dma2 semaphore(%run_scoped3A_124 : memref<!tpu.dma_semaphore, #tpu.memory_space<semaphore_mem>>) src(%dma_wait3A_148 : memref<40x128xf32, #tpu.memory_space<vmem>>) dst(%dma_wait3A_144 : memref<40x128xf32, #tpu.memory_space<vmem_shared>>)
      tpu.yield
    }) : () -> ()
    %add3A_12 = arith.constant 40 : i32
    %add3A_13 = arith.addi %mul3A_9, %add3A_12 : i32
    %run_scoped3A_14 = arith.constant 0 : i32
    "tpu.region"() ({
      %run_scoped3A_124 = tpu.sem_alloc : memref<!tpu.dma_semaphore, #tpu.memory_space<semaphore_mem>>
      %dma_start3A_125 = arith.constant 0 : i32
      %dma_start3A_126 = arith.constant 0 : i32
      %dma_start3A_127 = tpu.memref_slice %arg7[%run_scoped3A_14, %dma_start3A_125, %dma_start3A_126] : memref<5x40x128xf32, #tpu.memory_space<vmem>> -> memref<1x40x128xf32, #tpu.memory_space<vmem>>
      %dma_start3A_128 = tpu.memref_squeeze %dma_start3A_127 : memref<1x40x128xf32, #tpu.memory_space<vmem>> -> memref<40x128xf32, #tpu.memory_space<vmem>>
      %dma_start3A_129 = arith.constant 0 : i32
      %dma_start3A_130 = tpu.memref_slice %arg8[%add3A_13, %dma_start3A_129] : memref<10000x128xf32, #tpu.memory_space<vmem_shared>> -> memref<40x128xf32, #tpu.memory_space<vmem_shared>>
      %dma_start3A_131 = arith.constant 0 : i32
      %dma_start3A_132 = tpu.memref_slice %arg8[%add3A_13, %dma_start3A_131] : memref<10000x128xf32, #tpu.memory_space<vmem_shared>> -> memref<40x128xf32, #tpu.memory_space<vmem_shared>>
      %dma_start3A_133 = arith.constant 0 : i32
      %dma_start3A_134 = arith.constant 0 : i32
      %dma_start3A_135 = tpu.memref_slice %arg7[%run_scoped3A_14, %dma_start3A_133, %dma_start3A_134] : memref<5x40x128xf32, #tpu.memory_space<vmem>> -> memref<1x40x128xf32, #tpu.memory_space<vmem>>
      %dma_start3A_136 = tpu.memref_squeeze %dma_start3A_135 : memref<1x40x128xf32, #tpu.memory_space<vmem>> -> memref<40x128xf32, #tpu.memory_space<vmem>>
      tpu.enqueue_dma source(%dma_start3A_136 : memref<40x128xf32, #tpu.memory_space<vmem>>) target(%dma_start3A_132 : memref<40x128xf32, #tpu.memory_space<vmem_shared>>) target_semaphore(%run_scoped3A_124 : memref<!tpu.dma_semaphore, #tpu.memory_space<semaphore_mem>>)
      %dma_wait3A_137 = arith.constant 0 : i32
      %dma_wait3A_138 = arith.constant 0 : i32
      %dma_wait3A_139 = tpu.memref_slice %arg7[%run_scoped3A_14, %dma_wait3A_137, %dma_wait3A_138] : memref<5x40x128xf32, #tpu.memory_space<vmem>> -> memref<1x40x128xf32, #tpu.memory_space<vmem>>
      %dma_wait3A_140 = tpu.memref_squeeze %dma_wait3A_139 : memref<1x40x128xf32, #tpu.memory_space<vmem>> -> memref<40x128xf32, #tpu.memory_space<vmem>>
      %dma_wait3A_141 = arith.constant 0 : i32
      %dma_wait3A_142 = tpu.memref_slice %arg8[%add3A_13, %dma_wait3A_141] : memref<10000x128xf32, #tpu.memory_space<vmem_shared>> -> memref<40x128xf32, #tpu.memory_space<vmem_shared>>
      %dma_wait3A_143 = arith.constant 0 : i32
      %dma_wait3A_144 = tpu.memref_slice %arg8[%add3A_13, %dma_wait3A_143] : memref<10000x128xf32, #tpu.memory_space<vmem_shared>> -> memref<40x128xf32, #tpu.memory_space<vmem_shared>>
      %dma_wait3A_145 = arith.constant 0 : i32
      %dma_wait3A_146 = arith.constant 0 : i32
      %dma_wait3A_147 = tpu.memref_slice %arg7[%run_scoped3A_14, %dma_wait3A_145, %dma_wait3A_146] : memref<5x40x128xf32, #tpu.memory_space<vmem>> -> memref<1x40x128xf32, #tpu.memory_space<vmem>>
      %dma_wait3A_148 = tpu.memref_squeeze %dma_wait3A_147 : memref<1x40x128xf32, #tpu.memory_space<vmem>> -> memref<40x128xf32, #tpu.memory_space<vmem>>
      tpu.wait_dma2 semaphore(%run_scoped3A_124 : memref<!tpu.dma_semaphore, #tpu.memory_space<semaphore_mem>>) src(%dma_wait3A_148 : memref<40x128xf32, #tpu.memory_space<vmem>>) dst(%dma_wait3A_144 : memref<40x128xf32, #tpu.memory_space<vmem_shared>>)
      tpu.yield
    }) : () -> ()
    %add3A_15 = arith.constant 80 : i32
    %add3A_16 = arith.addi %mul3A_9, %add3A_15 : i32
    %run_scoped3A_17 = arith.constant 0 : i32
    "tpu.region"() ({
      %run_scoped3A_124 = tpu.sem_alloc : memref<!tpu.dma_semaphore, #tpu.memory_space<semaphore_mem>>
      %dma_start3A_125 = arith.constant 0 : i32
      %dma_start3A_126 = arith.constant 0 : i32
      %dma_start3A_127 = tpu.memref_slice %arg7[%run_scoped3A_17, %dma_start3A_125, %dma_start3A_126] : memref<5x40x128xf32, #tpu.memory_space<vmem>> -> memref<1x40x128xf32, #tpu.memory_space<vmem>>
      %dma_start3A_128 = tpu.memref_squeeze %dma_start3A_127 : memref<1x40x128xf32, #tpu.memory_space<vmem>> -> memref<40x128xf32, #tpu.memory_space<vmem>>
      %dma_start3A_129 = arith.constant 0 : i32
      %dma_start3A_130 = tpu.memref_slice %arg8[%add3A_16, %dma_start3A_129] : memref<10000x128xf32, #tpu.memory_space<vmem_shared>> -> memref<40x128xf32, #tpu.memory_space<vmem_shared>>
      %dma_start3A_131 = arith.constant 0 : i32
      %dma_start3A_132 = tpu.memref_slice %arg8[%add3A_16, %dma_start3A_131] : memref<10000x128xf32, #tpu.memory_space<vmem_shared>> -> memref<40x128xf32, #tpu.memory_space<vmem_shared>>
      %dma_start3A_133 = arith.constant 0 : i32
      %dma_start3A_134 = arith.constant 0 : i32
      %dma_start3A_135 = tpu.memref_slice %arg7[%run_scoped3A_17, %dma_start3A_133, %dma_start3A_134] : memref<5x40x128xf32, #tpu.memory_space<vmem>> -> memref<1x40x128xf32, #tpu.memory_space<vmem>>
      %dma_start3A_136 = tpu.memref_squeeze %dma_start3A_135 : memref<1x40x128xf32, #tpu.memory_space<vmem>> -> memref<40x128xf32, #tpu.memory_space<vmem>>
      tpu.enqueue_dma source(%dma_start3A_136 : memref<40x128xf32, #tpu.memory_space<vmem>>) target(%dma_start3A_132 : memref<40x128xf32, #tpu.memory_space<vmem_shared>>) target_semaphore(%run_scoped3A_124 : memref<!tpu.dma_semaphore, #tpu.memory_space<semaphore_mem>>)
      %dma_wait3A_137 = arith.constant 0 : i32
      %dma_wait3A_138 = arith.constant 0 : i32
      %dma_wait3A_139 = tpu.memref_slice %arg7[%run_scoped3A_17, %dma_wait3A_137, %dma_wait3A_138] : memref<5x40x128xf32, #tpu.memory_space<vmem>> -> memref<1x40x128xf32, #tpu.memory_space<vmem>>
      %dma_wait3A_140 = tpu.memref_squeeze %dma_wait3A_139 : memref<1x40x128xf32, #tpu.memory_space<vmem>> -> memref<40x128xf32, #tpu.memory_space<vmem>>
      %dma_wait3A_141 = arith.constant 0 : i32
      %dma_wait3A_142 = tpu.memref_slice %arg8[%add3A_16, %dma_wait3A_141] : memref<10000x128xf32, #tpu.memory_space<vmem_shared>> -> memref<40x128xf32, #tpu.memory_space<vmem_shared>>
      %dma_wait3A_143 = arith.constant 0 : i32
      %dma_wait3A_144 = tpu.memref_slice %arg8[%add3A_16, %dma_wait3A_143] : memref<10000x128xf32, #tpu.memory_space<vmem_shared>> -> memref<40x128xf32, #tpu.memory_space<vmem_shared>>
      %dma_wait3A_145 = arith.constant 0 : i32
      %dma_wait3A_146 = arith.constant 0 : i32
      %dma_wait3A_147 = tpu.memref_slice %arg7[%run_scoped3A_17, %dma_wait3A_145, %dma_wait3A_146] : memref<5x40x128xf32, #tpu.memory_space<vmem>> -> memref<1x40x128xf32, #tpu.memory_space<vmem>>
      %dma_wait3A_148 = tpu.memref_squeeze %dma_wait3A_147 : memref<1x40x128xf32, #tpu.memory_space<vmem>> -> memref<40x128xf32, #tpu.memory_space<vmem>>
      tpu.wait_dma2 semaphore(%run_scoped3A_124 : memref<!tpu.dma_semaphore, #tpu.memory_space<semaphore_mem>>) src(%dma_wait3A_148 : memref<40x128xf32, #tpu.memory_space<vmem>>) dst(%dma_wait3A_144 : memref<40x128xf32, #tpu.memory_space<vmem_shared>>)
      tpu.yield
    }) : () -> ()
    %add3A_18 = arith.constant 120 : i32
    %add3A_19 = arith.addi %mul3A_9, %add3A_18 : i32
    %run_scoped3A_20 = arith.constant 0 : i32
    "tpu.region"() ({
      %run_scoped3A_124 = tpu.sem_alloc : memref<!tpu.dma_semaphore, #tpu.memory_space<semaphore_mem>>
      %dma_start3A_125 = arith.constant 0 : i32
      %dma_start3A_126 = arith.constant 0 : i32
      %dma_start3A_127 = tpu.memref_slice %arg7[%run_scoped3A_20, %dma_start3A_125, %dma_start3A_126] : memref<5x40x128xf32, #tpu.memory_space<vmem>> -> memref<1x40x128xf32, #tpu.memory_space<vmem>>
      %dma_start3A_128 = tpu.memref_squeeze %dma_start3A_127 : memref<1x40x128xf32, #tpu.memory_space<vmem>> -> memref<40x128xf32, #tpu.memory_space<vmem>>
      %dma_start3A_129 = arith.constant 0 : i32
      %dma_start3A_130 = tpu.memref_slice %arg8[%add3A_19, %dma_start3A_129] : memref<10000x128xf32, #tpu.memory_space<vmem_shared>> -> memref<40x128xf32, #tpu.memory_space<vmem_shared>>
      %dma_start3A_131 = arith.constant 0 : i32
      %dma_start3A_132 = tpu.memref_slice %arg8[%add3A_19, %dma_start3A_131] : memref<10000x128xf32, #tpu.memory_space<vmem_shared>> -> memref<40x128xf32, #tpu.memory_space<vmem_shared>>
      %dma_start3A_133 = arith.constant 0 : i32
      %dma_start3A_134 = arith.constant 0 : i32
      %dma_start3A_135 = tpu.memref_slice %arg7[%run_scoped3A_20, %dma_start3A_133, %dma_start3A_134] : memref<5x40x128xf32, #tpu.memory_space<vmem>> -> memref<1x40x128xf32, #tpu.memory_space<vmem>>
      %dma_start3A_136 = tpu.memref_squeeze %dma_start3A_135 : memref<1x40x128xf32, #tpu.memory_space<vmem>> -> memref<40x128xf32, #tpu.memory_space<vmem>>
      tpu.enqueue_dma source(%dma_start3A_136 : memref<40x128xf32, #tpu.memory_space<vmem>>) target(%dma_start3A_132 : memref<40x128xf32, #tpu.memory_space<vmem_shared>>) target_semaphore(%run_scoped3A_124 : memref<!tpu.dma_semaphore, #tpu.memory_space<semaphore_mem>>)
      %dma_wait3A_137 = arith.constant 0 : i32
      %dma_wait3A_138 = arith.constant 0 : i32
      %dma_wait3A_139 = tpu.memref_slice %arg7[%run_scoped3A_20, %dma_wait3A_137, %dma_wait3A_138] : memref<5x40x128xf32, #tpu.memory_space<vmem>> -> memref<1x40x128xf32, #tpu.memory_space<vmem>>
      %dma_wait3A_140 = tpu.memref_squeeze %dma_wait3A_139 : memref<1x40x128xf32, #tpu.memory_space<vmem>> -> memref<40x128xf32, #tpu.memory_space<vmem>>
      %dma_wait3A_141 = arith.constant 0 : i32
      %dma_wait3A_142 = tpu.memref_slice %arg8[%add3A_19, %dma_wait3A_141] : memref<10000x128xf32, #tpu.memory_space<vmem_shared>> -> memref<40x128xf32, #tpu.memory_space<vmem_shared>>
      %dma_wait3A_143 = arith.constant 0 : i32
      %dma_wait3A_144 = tpu.memref_slice %arg8[%add3A_19, %dma_wait3A_143] : memref<10000x128xf32, #tpu.memory_space<vmem_shared>> -> memref<40x128xf32, #tpu.memory_space<vmem_shared>>
      %dma_wait3A_145 = arith.constant 0 : i32
      %dma_wait3A_146 = arith.constant 0 : i32
      %dma_wait3A_147 = tpu.memref_slice %arg7[%run_scoped3A_20, %dma_wait3A_145, %dma_wait3A_146] : memref<5x40x128xf32, #tpu.memory_space<vmem>> -> memref<1x40x128xf32, #tpu.memory_space<vmem>>
      %dma_wait3A_148 = tpu.memref_squeeze %dma_wait3A_147 : memref<1x40x128xf32, #tpu.memory_space<vmem>> -> memref<40x128xf32, #tpu.memory_space<vmem>>
      tpu.wait_dma2 semaphore(%run_scoped3A_124 : memref<!tpu.dma_semaphore, #tpu.memory_space<semaphore_mem>>) src(%dma_wait3A_148 : memref<40x128xf32, #tpu.memory_space<vmem>>) dst(%dma_wait3A_144 : memref<40x128xf32, #tpu.memory_space<vmem_shared>>)
      tpu.yield
    }) : () -> ()
    %add3A_21 = arith.constant 160 : i32
    %add3A_22 = arith.addi %mul3A_9, %add3A_21 : i32
    %run_scoped3A_23 = arith.constant 0 : i32
    "tpu.region"() ({
      %run_scoped3A_124 = tpu.sem_alloc : memref<!tpu.dma_semaphore, #tpu.memory_space<semaphore_mem>>
      %dma_start3A_125 = arith.constant 0 : i32
      %dma_start3A_126 = arith.constant 0 : i32
      %dma_start3A_127 = tpu.memref_slice %arg7[%run_scoped3A_23, %dma_start3A_125, %dma_start3A_126] : memref<5x40x128xf32, #tpu.memory_space<vmem>> -> memref<1x40x128xf32, #tpu.memory_space<vmem>>
      %dma_start3A_128 = tpu.memref_squeeze %dma_start3A_127 : memref<1x40x128xf32, #tpu.memory_space<vmem>> -> memref<40x128xf32, #tpu.memory_space<vmem>>
      %dma_start3A_129 = arith.constant 0 : i32
      %dma_start3A_130 = tpu.memref_slice %arg8[%add3A_22, %dma_start3A_129] : memref<10000x128xf32, #tpu.memory_space<vmem_shared>> -> memref<40x128xf32, #tpu.memory_space<vmem_shared>>
      %dma_start3A_131 = arith.constant 0 : i32
      %dma_start3A_132 = tpu.memref_slice %arg8[%add3A_22, %dma_start3A_131] : memref<10000x128xf32, #tpu.memory_space<vmem_shared>> -> memref<40x128xf32, #tpu.memory_space<vmem_shared>>
      %dma_start3A_133 = arith.constant 0 : i32
      %dma_start3A_134 = arith.constant 0 : i32
      %dma_start3A_135 = tpu.memref_slice %arg7[%run_scoped3A_23, %dma_start3A_133, %dma_start3A_134] : memref<5x40x128xf32, #tpu.memory_space<vmem>> -> memref<1x40x128xf32, #tpu.memory_space<vmem>>
      %dma_start3A_136 = tpu.memref_squeeze %dma_start3A_135 : memref<1x40x128xf32, #tpu.memory_space<vmem>> -> memref<40x128xf32, #tpu.memory_space<vmem>>
      tpu.enqueue_dma source(%dma_start3A_136 : memref<40x128xf32, #tpu.memory_space<vmem>>) target(%dma_start3A_132 : memref<40x128xf32, #tpu.memory_space<vmem_shared>>) target_semaphore(%run_scoped3A_124 : memref<!tpu.dma_semaphore, #tpu.memory_space<semaphore_mem>>)
      %dma_wait3A_137 = arith.constant 0 : i32
      %dma_wait3A_138 = arith.constant 0 : i32
      %dma_wait3A_139 = tpu.memref_slice %arg7[%run_scoped3A_23, %dma_wait3A_137, %dma_wait3A_138] : memref<5x40x128xf32, #tpu.memory_space<vmem>> -> memref<1x40x128xf32, #tpu.memory_space<vmem>>
      %dma_wait3A_140 = tpu.memref_squeeze %dma_wait3A_139 : memref<1x40x128xf32, #tpu.memory_space<vmem>> -> memref<40x128xf32, #tpu.memory_space<vmem>>
      %dma_wait3A_141 = arith.constant 0 : i32
      %dma_wait3A_142 = tpu.memref_slice %arg8[%add3A_22, %dma_wait3A_141] : memref<10000x128xf32, #tpu.memory_space<vmem_shared>> -> memref<40x128xf32, #tpu.memory_space<vmem_shared>>
      %dma_wait3A_143 = arith.constant 0 : i32
      %dma_wait3A_144 = tpu.memref_slice %arg8[%add3A_22, %dma_wait3A_143] : memref<10000x128xf32, #tpu.memory_space<vmem_shared>> -> memref<40x128xf32, #tpu.memory_space<vmem_shared>>
      %dma_wait3A_145 = arith.constant 0 : i32
      %dma_wait3A_146 = arith.constant 0 : i32
      %dma_wait3A_147 = tpu.memref_slice %arg7[%run_scoped3A_23, %dma_wait3A_145, %dma_wait3A_146] : memref<5x40x128xf32, #tpu.memory_space<vmem>> -> memref<1x40x128xf32, #tpu.memory_space<vmem>>
      %dma_wait3A_148 = tpu.memref_squeeze %dma_wait3A_147 : memref<1x40x128xf32, #tpu.memory_space<vmem>> -> memref<40x128xf32, #tpu.memory_space<vmem>>
      tpu.wait_dma2 semaphore(%run_scoped3A_124 : memref<!tpu.dma_semaphore, #tpu.memory_space<semaphore_mem>>) src(%dma_wait3A_148 : memref<40x128xf32, #tpu.memory_space<vmem>>) dst(%dma_wait3A_144 : memref<40x128xf32, #tpu.memory_space<vmem_shared>>)
      tpu.yield
    }) : () -> ()
    %add3A_24 = arith.constant 200 : i32
    %add3A_25 = arith.addi %mul3A_9, %add3A_24 : i32
    %run_scoped3A_26 = arith.constant 0 : i32
    "tpu.region"() ({
      %run_scoped3A_124 = tpu.sem_alloc : memref<!tpu.dma_semaphore, #tpu.memory_space<semaphore_mem>>
      %dma_start3A_125 = arith.constant 0 : i32
      %dma_start3A_126 = arith.constant 0 : i32
      %dma_start3A_127 = tpu.memref_slice %arg7[%run_scoped3A_26, %dma_start3A_125, %dma_start3A_126] : memref<5x40x128xf32, #tpu.memory_space<vmem>> -> memref<1x40x128xf32, #tpu.memory_space<vmem>>
      %dma_start3A_128 = tpu.memref_squeeze %dma_start3A_127 : memref<1x40x128xf32, #tpu.memory_space<vmem>> -> memref<40x128xf32, #tpu.memory_space<vmem>>
      %dma_start3A_129 = arith.constant 0 : i32
      %dma_start3A_130 = tpu.memref_slice %arg8[%add3A_25, %dma_start3A_129] : memref<10000x128xf32, #tpu.memory_space<vmem_shared>> -> memref<40x128xf32, #tpu.memory_space<vmem_shared>>
      %dma_start3A_131 = arith.constant 0 : i32
      %dma_start3A_132 = tpu.memref_slice %arg8[%add3A_25, %dma_start3A_131] : memref<10000x128xf32, #tpu.memory_space<vmem_shared>> -> memref<40x128xf32, #tpu.memory_space<vmem_shared>>
      %dma_start3A_133 = arith.constant 0 : i32
      %dma_start3A_134 = arith.constant 0 : i32
      %dma_start3A_135 = tpu.memref_slice %arg7[%run_scoped3A_26, %dma_start3A_133, %dma_start3A_134] : memref<5x40x128xf32, #tpu.memory_space<vmem>> -> memref<1x40x128xf32, #tpu.memory_space<vmem>>
      %dma_start3A_136 = tpu.memref_squeeze %dma_start3A_135 : memref<1x40x128xf32, #tpu.memory_space<vmem>> -> memref<40x128xf32, #tpu.memory_space<vmem>>
      tpu.enqueue_dma source(%dma_start3A_136 : memref<40x128xf32, #tpu.memory_space<vmem>>) target(%dma_start3A_132 : memref<40x128xf32, #tpu.memory_space<vmem_shared>>) target_semaphore(%run_scoped3A_124 : memref<!tpu.dma_semaphore, #tpu.memory_space<semaphore_mem>>)
      %dma_wait3A_137 = arith.constant 0 : i32
      %dma_wait3A_138 = arith.constant 0 : i32
      %dma_wait3A_139 = tpu.memref_slice %arg7[%run_scoped3A_26, %dma_wait3A_137, %dma_wait3A_138] : memref<5x40x128xf32, #tpu.memory_space<vmem>> -> memref<1x40x128xf32, #tpu.memory_space<vmem>>
      %dma_wait3A_140 = tpu.memref_squeeze %dma_wait3A_139 : memref<1x40x128xf32, #tpu.memory_space<vmem>> -> memref<40x128xf32, #tpu.memory_space<vmem>>
      %dma_wait3A_141 = arith.constant 0 : i32
      %dma_wait3A_142 = tpu.memref_slice %arg8[%add3A_25, %dma_wait3A_141] : memref<10000x128xf32, #tpu.memory_space<vmem_shared>> -> memref<40x128xf32, #tpu.memory_space<vmem_shared>>
      %dma_wait3A_143 = arith.constant 0 : i32
      %dma_wait3A_144 = tpu.memref_slice %arg8[%add3A_25, %dma_wait3A_143] : memref<10000x128xf32, #tpu.memory_space<vmem_shared>> -> memref<40x128xf32, #tpu.memory_space<vmem_shared>>
      %dma_wait3A_145 = arith.constant 0 : i32
      %dma_wait3A_146 = arith.constant 0 : i32
      %dma_wait3A_147 = tpu.memref_slice %arg7[%run_scoped3A_26, %dma_wait3A_145, %dma_wait3A_146] : memref<5x40x128xf32, #tpu.memory_space<vmem>> -> memref<1x40x128xf32, #tpu.memory_space<vmem>>
      %dma_wait3A_148 = tpu.memref_squeeze %dma_wait3A_147 : memref<1x40x128xf32, #tpu.memory_space<vmem>> -> memref<40x128xf32, #tpu.memory_space<vmem>>
      tpu.wait_dma2 semaphore(%run_scoped3A_124 : memref<!tpu.dma_semaphore, #tpu.memory_space<semaphore_mem>>) src(%dma_wait3A_148 : memref<40x128xf32, #tpu.memory_space<vmem>>) dst(%dma_wait3A_144 : memref<40x128xf32, #tpu.memory_space<vmem_shared>>)
      tpu.yield
    }) : () -> ()
    %add3A_27 = arith.constant 240 : i32
    %add3A_28 = arith.addi %mul3A_9, %add3A_27 : i32
    %run_scoped3A_29 = arith.constant 0 : i32
    "tpu.region"() ({
      %run_scoped3A_124 = tpu.sem_alloc : memref<!tpu.dma_semaphore, #tpu.memory_space<semaphore_mem>>
      %dma_start3A_125 = arith.constant 0 : i32
      %dma_start3A_126 = arith.constant 0 : i32
      %dma_start3A_127 = tpu.memref_slice %arg7[%run_scoped3A_29, %dma_start3A_125, %dma_start3A_126] : memref<5x40x128xf32, #tpu.memory_space<vmem>> -> memref<1x40x128xf32, #tpu.memory_space<vmem>>
      %dma_start3A_128 = tpu.memref_squeeze %dma_start3A_127 : memref<1x40x128xf32, #tpu.memory_space<vmem>> -> memref<40x128xf32, #tpu.memory_space<vmem>>
      %dma_start3A_129 = arith.constant 0 : i32
      %dma_start3A_130 = tpu.memref_slice %arg8[%add3A_28, %dma_start3A_129] : memref<10000x128xf32, #tpu.memory_space<vmem_shared>> -> memref<40x128xf32, #tpu.memory_space<vmem_shared>>
      %dma_start3A_131 = arith.constant 0 : i32
      %dma_start3A_132 = tpu.memref_slice %arg8[%add3A_28, %dma_start3A_131] : memref<10000x128xf32, #tpu.memory_space<vmem_shared>> -> memref<40x128xf32, #tpu.memory_space<vmem_shared>>
      %dma_start3A_133 = arith.constant 0 : i32
      %dma_start3A_134 = arith.constant 0 : i32
      %dma_start3A_135 = tpu.memref_slice %arg7[%run_scoped3A_29, %dma_start3A_133, %dma_start3A_134] : memref<5x40x128xf32, #tpu.memory_space<vmem>> -> memref<1x40x128xf32, #tpu.memory_space<vmem>>
      %dma_start3A_136 = tpu.memref_squeeze %dma_start3A_135 : memref<1x40x128xf32, #tpu.memory_space<vmem>> -> memref<40x128xf32, #tpu.memory_space<vmem>>
      tpu.enqueue_dma source(%dma_start3A_136 : memref<40x128xf32, #tpu.memory_space<vmem>>) target(%dma_start3A_132 : memref<40x128xf32, #tpu.memory_space<vmem_shared>>) target_semaphore(%run_scoped3A_124 : memref<!tpu.dma_semaphore, #tpu.memory_space<semaphore_mem>>)
      %dma_wait3A_137 = arith.constant 0 : i32
      %dma_wait3A_138 = arith.constant 0 : i32
      %dma_wait3A_139 = tpu.memref_slice %arg7[%run_scoped3A_29, %dma_wait3A_137, %dma_wait3A_138] : memref<5x40x128xf32, #tpu.memory_space<vmem>> -> memref<1x40x128xf32, #tpu.memory_space<vmem>>
      %dma_wait3A_140 = tpu.memref_squeeze %dma_wait3A_139 : memref<1x40x128xf32, #tpu.memory_space<vmem>> -> memref<40x128xf32, #tpu.memory_space<vmem>>
      %dma_wait3A_141 = arith.constant 0 : i32
      %dma_wait3A_142 = tpu.memref_slice %arg8[%add3A_28, %dma_wait3A_141] : memref<10000x128xf32, #tpu.memory_space<vmem_shared>> -> memref<40x128xf32, #tpu.memory_space<vmem_shared>>
      %dma_wait3A_143 = arith.constant 0 : i32
      %dma_wait3A_144 = tpu.memref_slice %arg8[%add3A_28, %dma_wait3A_143] : memref<10000x128xf32, #tpu.memory_space<vmem_shared>> -> memref<40x128xf32, #tpu.memory_space<vmem_shared>>
      %dma_wait3A_145 = arith.constant 0 : i32
      %dma_wait3A_146 = arith.constant 0 : i32
      %dma_wait3A_147 = tpu.memref_slice %arg7[%run_scoped3A_29, %dma_wait3A_145, %dma_wait3A_146] : memref<5x40x128xf32, #tpu.memory_space<vmem>> -> memref<1x40x128xf32, #tpu.memory_space<vmem>>
      %dma_wait3A_148 = tpu.memref_squeeze %dma_wait3A_147 : memref<1x40x128xf32, #tpu.memory_space<vmem>> -> memref<40x128xf32, #tpu.memory_space<vmem>>
      tpu.wait_dma2 semaphore(%run_scoped3A_124 : memref<!tpu.dma_semaphore, #tpu.memory_space<semaphore_mem>>) src(%dma_wait3A_148 : memref<40x128xf32, #tpu.memory_space<vmem>>) dst(%dma_wait3A_144 : memref<40x128xf32, #tpu.memory_space<vmem_shared>>)
      tpu.yield
    }) : () -> ()
    %add3A_30 = arith.constant 280 : i32
    %add3A_31 = arith.addi %mul3A_9, %add3A_30 : i32
    %run_scoped3A_32 = arith.constant 0 : i32
    "tpu.region"() ({
      %run_scoped3A_124 = tpu.sem_alloc : memref<!tpu.dma_semaphore, #tpu.memory_space<semaphore_mem>>
      %dma_start3A_125 = arith.constant 0 : i32
      %dma_start3A_126 = arith.constant 0 : i32
      %dma_start3A_127 = tpu.memref_slice %arg7[%run_scoped3A_32, %dma_start3A_125, %dma_start3A_126] : memref<5x40x128xf32, #tpu.memory_space<vmem>> -> memref<1x40x128xf32, #tpu.memory_space<vmem>>
      %dma_start3A_128 = tpu.memref_squeeze %dma_start3A_127 : memref<1x40x128xf32, #tpu.memory_space<vmem>> -> memref<40x128xf32, #tpu.memory_space<vmem>>
      %dma_start3A_129 = arith.constant 0 : i32
      %dma_start3A_130 = tpu.memref_slice %arg8[%add3A_31, %dma_start3A_129] : memref<10000x128xf32, #tpu.memory_space<vmem_shared>> -> memref<40x128xf32, #tpu.memory_space<vmem_shared>>
      %dma_start3A_131 = arith.constant 0 : i32
      %dma_start3A_132 = tpu.memref_slice %arg8[%add3A_31, %dma_start3A_131] : memref<10000x128xf32, #tpu.memory_space<vmem_shared>> -> memref<40x128xf32, #tpu.memory_space<vmem_shared>>
      %dma_start3A_133 = arith.constant 0 : i32
      %dma_start3A_134 = arith.constant 0 : i32
      %dma_start3A_135 = tpu.memref_slice %arg7[%run_scoped3A_32, %dma_start3A_133, %dma_start3A_134] : memref<5x40x128xf32, #tpu.memory_space<vmem>> -> memref<1x40x128xf32, #tpu.memory_space<vmem>>
      %dma_start3A_136 = tpu.memref_squeeze %dma_start3A_135 : memref<1x40x128xf32, #tpu.memory_space<vmem>> -> memref<40x128xf32, #tpu.memory_space<vmem>>
      tpu.enqueue_dma source(%dma_start3A_136 : memref<40x128xf32, #tpu.memory_space<vmem>>) target(%dma_start3A_132 : memref<40x128xf32, #tpu.memory_space<vmem_shared>>) target_semaphore(%run_scoped3A_124 : memref<!tpu.dma_semaphore, #tpu.memory_space<semaphore_mem>>)
      %dma_wait3A_137 = arith.constant 0 : i32
      %dma_wait3A_138 = arith.constant 0 : i32
      %dma_wait3A_139 = tpu.memref_slice %arg7[%run_scoped3A_32, %dma_wait3A_137, %dma_wait3A_138] : memref<5x40x128xf32, #tpu.memory_space<vmem>> -> memref<1x40x128xf32, #tpu.memory_space<vmem>>
      %dma_wait3A_140 = tpu.memref_squeeze %dma_wait3A_139 : memref<1x40x128xf32, #tpu.memory_space<vmem>> -> memref<40x128xf32, #tpu.memory_space<vmem>>
      %dma_wait3A_141 = arith.constant 0 : i32
      %dma_wait3A_142 = tpu.memref_slice %arg8[%add3A_31, %dma_wait3A_141] : memref<10000x128xf32, #tpu.memory_space<vmem_shared>> -> memref<40x128xf32, #tpu.memory_space<vmem_shared>>
      %dma_wait3A_143 = arith.constant 0 : i32
      %dma_wait3A_144 = tpu.memref_slice %arg8[%add3A_31, %dma_wait3A_143] : memref<10000x128xf32, #tpu.memory_space<vmem_shared>> -> memref<40x128xf32, #tpu.memory_space<vmem_shared>>
      %dma_wait3A_145 = arith.constant 0 : i32
      %dma_wait3A_146 = arith.constant 0 : i32
      %dma_wait3A_147 = tpu.memref_slice %arg7[%run_scoped3A_32, %dma_wait3A_145, %dma_wait3A_146] : memref<5x40x128xf32, #tpu.memory_space<vmem>> -> memref<1x40x128xf32, #tpu.memory_space<vmem>>
      %dma_wait3A_148 = tpu.memref_squeeze %dma_wait3A_147 : memref<1x40x128xf32, #tpu.memory_space<vmem>> -> memref<40x128xf32, #tpu.memory_space<vmem>>
      tpu.wait_dma2 semaphore(%run_scoped3A_124 : memref<!tpu.dma_semaphore, #tpu.memory_space<semaphore_mem>>) src(%dma_wait3A_148 : memref<40x128xf32, #tpu.memory_space<vmem>>) dst(%dma_wait3A_144 : memref<40x128xf32, #tpu.memory_space<vmem_shared>>)
      tpu.yield
    }) : () -> ()
    %add3A_33 = arith.constant 320 : i32
    %add3A_34 = arith.addi %mul3A_9, %add3A_33 : i32
    %run_scoped3A_35 = arith.constant 0 : i32
    "tpu.region"() ({
      %run_scoped3A_124 = tpu.sem_alloc : memref<!tpu.dma_semaphore, #tpu.memory_space<semaphore_mem>>
      %dma_start3A_125 = arith.constant 0 : i32
      %dma_start3A_126 = arith.constant 0 : i32
      %dma_start3A_127 = tpu.memref_slice %arg7[%run_scoped3A_35, %dma_start3A_125, %dma_start3A_126] : memref<5x40x128xf32, #tpu.memory_space<vmem>> -> memref<1x40x128xf32, #tpu.memory_space<vmem>>
      %dma_start3A_128 = tpu.memref_squeeze %dma_start3A_127 : memref<1x40x128xf32, #tpu.memory_space<vmem>> -> memref<40x128xf32, #tpu.memory_space<vmem>>
      %dma_start3A_129 = arith.constant 0 : i32
      %dma_start3A_130 = tpu.memref_slice %arg8[%add3A_34, %dma_start3A_129] : memref<10000x128xf32, #tpu.memory_space<vmem_shared>> -> memref<40x128xf32, #tpu.memory_space<vmem_shared>>
      %dma_start3A_131 = arith.constant 0 : i32
      %dma_start3A_132 = tpu.memref_slice %arg8[%add3A_34, %dma_start3A_131] : memref<10000x128xf32, #tpu.memory_space<vmem_shared>> -> memref<40x128xf32, #tpu.memory_space<vmem_shared>>
      %dma_start3A_133 = arith.constant 0 : i32
      %dma_start3A_134 = arith.constant 0 : i32
      %dma_start3A_135 = tpu.memref_slice %arg7[%run_scoped3A_35, %dma_start3A_133, %dma_start3A_134] : memref<5x40x128xf32, #tpu.memory_space<vmem>> -> memref<1x40x128xf32, #tpu.memory_space<vmem>>
      %dma_start3A_136 = tpu.memref_squeeze %dma_start3A_135 : memref<1x40x128xf32, #tpu.memory_space<vmem>> -> memref<40x128xf32, #tpu.memory_space<vmem>>
      tpu.enqueue_dma source(%dma_start3A_136 : memref<40x128xf32, #tpu.memory_space<vmem>>) target(%dma_start3A_132 : memref<40x128xf32, #tpu.memory_space<vmem_shared>>) target_semaphore(%run_scoped3A_124 : memref<!tpu.dma_semaphore, #tpu.memory_space<semaphore_mem>>)
      %dma_wait3A_137 = arith.constant 0 : i32
      %dma_wait3A_138 = arith.constant 0 : i32
      %dma_wait3A_139 = tpu.memref_slice %arg7[%run_scoped3A_35, %dma_wait3A_137, %dma_wait3A_138] : memref<5x40x128xf32, #tpu.memory_space<vmem>> -> memref<1x40x128xf32, #tpu.memory_space<vmem>>
      %dma_wait3A_140 = tpu.memref_squeeze %dma_wait3A_139 : memref<1x40x128xf32, #tpu.memory_space<vmem>> -> memref<40x128xf32, #tpu.memory_space<vmem>>
      %dma_wait3A_141 = arith.constant 0 : i32
      %dma_wait3A_142 = tpu.memref_slice %arg8[%add3A_34, %dma_wait3A_141] : memref<10000x128xf32, #tpu.memory_space<vmem_shared>> -> memref<40x128xf32, #tpu.memory_space<vmem_shared>>
      %dma_wait3A_143 = arith.constant 0 : i32
      %dma_wait3A_144 = tpu.memref_slice %arg8[%add3A_34, %dma_wait3A_143] : memref<10000x128xf32, #tpu.memory_space<vmem_shared>> -> memref<40x128xf32, #tpu.memory_space<vmem_shared>>
      %dma_wait3A_145 = arith.constant 0 : i32
      %dma_wait3A_146 = arith.constant 0 : i32
      %dma_wait3A_147 = tpu.memref_slice %arg7[%run_scoped3A_35, %dma_wait3A_145, %dma_wait3A_146] : memref<5x40x128xf32, #tpu.memory_space<vmem>> -> memref<1x40x128xf32, #tpu.memory_space<vmem>>
      %dma_wait3A_148 = tpu.memref_squeeze %dma_wait3A_147 : memref<1x40x128xf32, #tpu.memory_space<vmem>> -> memref<40x128xf32, #tpu.memory_space<vmem>>
      tpu.wait_dma2 semaphore(%run_scoped3A_124 : memref<!tpu.dma_semaphore, #tpu.memory_space<semaphore_mem>>) src(%dma_wait3A_148 : memref<40x128xf32, #tpu.memory_space<vmem>>) dst(%dma_wait3A_144 : memref<40x128xf32, #tpu.memory_space<vmem_shared>>)
      tpu.yield
    }) : () -> ()
    %add3A_36 = arith.constant 360 : i32
    %add3A_37 = arith.addi %mul3A_9, %add3A_36 : i32
    %run_scoped3A_38 = arith.constant 0 : i32
    "tpu.region"() ({
      %run_scoped3A_124 = tpu.sem_alloc : memref<!tpu.dma_semaphore, #tpu.memory_space<semaphore_mem>>
      %dma_start3A_125 = arith.constant 0 : i32
      %dma_start3A_126 = arith.constant 0 : i32
      %dma_start3A_127 = tpu.memref_slice %arg7[%run_scoped3A_38, %dma_start3A_125, %dma_start3A_126] : memref<5x40x128xf32, #tpu.memory_space<vmem>> -> memref<1x40x128xf32, #tpu.memory_space<vmem>>
      %dma_start3A_128 = tpu.memref_squeeze %dma_start3A_127 : memref<1x40x128xf32, #tpu.memory_space<vmem>> -> memref<40x128xf32, #tpu.memory_space<vmem>>
      %dma_start3A_129 = arith.constant 0 : i32
      %dma_start3A_130 = tpu.memref_slice %arg8[%add3A_37, %dma_start3A_129] : memref<10000x128xf32, #tpu.memory_space<vmem_shared>> -> memref<40x128xf32, #tpu.memory_space<vmem_shared>>
      %dma_start3A_131 = arith.constant 0 : i32
      %dma_start3A_132 = tpu.memref_slice %arg8[%add3A_37, %dma_start3A_131] : memref<10000x128xf32, #tpu.memory_space<vmem_shared>> -> memref<40x128xf32, #tpu.memory_space<vmem_shared>>
      %dma_start3A_133 = arith.constant 0 : i32
      %dma_start3A_134 = arith.constant 0 : i32
      %dma_start3A_135 = tpu.memref_slice %arg7[%run_scoped3A_38, %dma_start3A_133, %dma_start3A_134] : memref<5x40x128xf32, #tpu.memory_space<vmem>> -> memref<1x40x128xf32, #tpu.memory_space<vmem>>
      %dma_start3A_136 = tpu.memref_squeeze %dma_start3A_135 : memref<1x40x128xf32, #tpu.memory_space<vmem>> -> memref<40x128xf32, #tpu.memory_space<vmem>>
      tpu.enqueue_dma source(%dma_start3A_136 : memref<40x128xf32, #tpu.memory_space<vmem>>) target(%dma_start3A_132 : memref<40x128xf32, #tpu.memory_space<vmem_shared>>) target_semaphore(%run_scoped3A_124 : memref<!tpu.dma_semaphore, #tpu.memory_space<semaphore_mem>>)
      %dma_wait3A_137 = arith.constant 0 : i32
      %dma_wait3A_138 = arith.constant 0 : i32
      %dma_wait3A_139 = tpu.memref_slice %arg7[%run_scoped3A_38, %dma_wait3A_137, %dma_wait3A_138] : memref<5x40x128xf32, #tpu.memory_space<vmem>> -> memref<1x40x128xf32, #tpu.memory_space<vmem>>
      %dma_wait3A_140 = tpu.memref_squeeze %dma_wait3A_139 : memref<1x40x128xf32, #tpu.memory_space<vmem>> -> memref<40x128xf32, #tpu.memory_space<vmem>>
      %dma_wait3A_141 = arith.constant 0 : i32
      %dma_wait3A_142 = tpu.memref_slice %arg8[%add3A_37, %dma_wait3A_141] : memref<10000x128xf32, #tpu.memory_space<vmem_shared>> -> memref<40x128xf32, #tpu.memory_space<vmem_shared>>
      %dma_wait3A_143 = arith.constant 0 : i32
      %dma_wait3A_144 = tpu.memref_slice %arg8[%add3A_37, %dma_wait3A_143] : memref<10000x128xf32, #tpu.memory_space<vmem_shared>> -> memref<40x128xf32, #tpu.memory_space<vmem_shared>>
      %dma_wait3A_145 = arith.constant 0 : i32
      %dma_wait3A_146 = arith.constant 0 : i32
      %dma_wait3A_147 = tpu.memref_slice %arg7[%run_scoped3A_38, %dma_wait3A_145, %dma_wait3A_146] : memref<5x40x128xf32, #tpu.memory_space<vmem>> -> memref<1x40x128xf32, #tpu.memory_space<vmem>>
      %dma_wait3A_148 = tpu.memref_squeeze %dma_wait3A_147 : memref<1x40x128xf32, #tpu.memory_space<vmem>> -> memref<40x128xf32, #tpu.memory_space<vmem>>
      tpu.wait_dma2 semaphore(%run_scoped3A_124 : memref<!tpu.dma_semaphore, #tpu.memory_space<semaphore_mem>>) src(%dma_wait3A_148 : memref<40x128xf32, #tpu.memory_space<vmem>>) dst(%dma_wait3A_144 : memref<40x128xf32, #tpu.memory_space<vmem_shared>>)
      tpu.yield
    }) : () -> ()
    %add3A_39 = arith.constant 400 : i32
    %add3A_40 = arith.addi %mul3A_9, %add3A_39 : i32
    %run_scoped3A_41 = arith.constant 0 : i32
    "tpu.region"() ({
      %run_scoped3A_124 = tpu.sem_alloc : memref<!tpu.dma_semaphore, #tpu.memory_space<semaphore_mem>>
      %dma_start3A_125 = arith.constant 0 : i32
      %dma_start3A_126 = arith.constant 0 : i32
      %dma_start3A_127 = tpu.memref_slice %arg7[%run_scoped3A_41, %dma_start3A_125, %dma_start3A_126] : memref<5x40x128xf32, #tpu.memory_space<vmem>> -> memref<1x40x128xf32, #tpu.memory_space<vmem>>
      %dma_start3A_128 = tpu.memref_squeeze %dma_start3A_127 : memref<1x40x128xf32, #tpu.memory_space<vmem>> -> memref<40x128xf32, #tpu.memory_space<vmem>>
      %dma_start3A_129 = arith.constant 0 : i32
      %dma_start3A_130 = tpu.memref_slice %arg8[%add3A_40, %dma_start3A_129] : memref<10000x128xf32, #tpu.memory_space<vmem_shared>> -> memref<40x128xf32, #tpu.memory_space<vmem_shared>>
      %dma_start3A_131 = arith.constant 0 : i32
      %dma_start3A_132 = tpu.memref_slice %arg8[%add3A_40, %dma_start3A_131] : memref<10000x128xf32, #tpu.memory_space<vmem_shared>> -> memref<40x128xf32, #tpu.memory_space<vmem_shared>>
      %dma_start3A_133 = arith.constant 0 : i32
      %dma_start3A_134 = arith.constant 0 : i32
      %dma_start3A_135 = tpu.memref_slice %arg7[%run_scoped3A_41, %dma_start3A_133, %dma_start3A_134] : memref<5x40x128xf32, #tpu.memory_space<vmem>> -> memref<1x40x128xf32, #tpu.memory_space<vmem>>
      %dma_start3A_136 = tpu.memref_squeeze %dma_start3A_135 : memref<1x40x128xf32, #tpu.memory_space<vmem>> -> memref<40x128xf32, #tpu.memory_space<vmem>>
      tpu.enqueue_dma source(%dma_start3A_136 : memref<40x128xf32, #tpu.memory_space<vmem>>) target(%dma_start3A_132 : memref<40x128xf32, #tpu.memory_space<vmem_shared>>) target_semaphore(%run_scoped3A_124 : memref<!tpu.dma_semaphore, #tpu.memory_space<semaphore_mem>>)
      %dma_wait3A_137 = arith.constant 0 : i32
      %dma_wait3A_138 = arith.constant 0 : i32
      %dma_wait3A_139 = tpu.memref_slice %arg7[%run_scoped3A_41, %dma_wait3A_137, %dma_wait3A_138] : memref<5x40x128xf32, #tpu.memory_space<vmem>> -> memref<1x40x128xf32, #tpu.memory_space<vmem>>
      %dma_wait3A_140 = tpu.memref_squeeze %dma_wait3A_139 : memref<1x40x128xf32, #tpu.memory_space<vmem>> -> memref<40x128xf32, #tpu.memory_space<vmem>>
      %dma_wait3A_141 = arith.constant 0 : i32
      %dma_wait3A_142 = tpu.memref_slice %arg8[%add3A_40, %dma_wait3A_141] : memref<10000x128xf32, #tpu.memory_space<vmem_shared>> -> memref<40x128xf32, #tpu.memory_space<vmem_shared>>
      %dma_wait3A_143 = arith.constant 0 : i32
      %dma_wait3A_144 = tpu.memref_slice %arg8[%add3A_40, %dma_wait3A_143] : memref<10000x128xf32, #tpu.memory_space<vmem_shared>> -> memref<40x128xf32, #tpu.memory_space<vmem_shared>>
      %dma_wait3A_145 = arith.constant 0 : i32
      %dma_wait3A_146 = arith.constant 0 : i32
      %dma_wait3A_147 = tpu.memref_slice %arg7[%run_scoped3A_41, %dma_wait3A_145, %dma_wait3A_146] : memref<5x40x128xf32, #tpu.memory_space<vmem>> -> memref<1x40x128xf32, #tpu.memory_space<vmem>>
      %dma_wait3A_148 = tpu.memref_squeeze %dma_wait3A_147 : memref<1x40x128xf32, #tpu.memory_space<vmem>> -> memref<40x128xf32, #tpu.memory_space<vmem>>
      tpu.wait_dma2 semaphore(%run_scoped3A_124 : memref<!tpu.dma_semaphore, #tpu.memory_space<semaphore_mem>>) src(%dma_wait3A_148 : memref<40x128xf32, #tpu.memory_space<vmem>>) dst(%dma_wait3A_144 : memref<40x128xf32, #tpu.memory_space<vmem_shared>>)
      tpu.yield
    }) : () -> ()
    %add3A_42 = arith.constant 440 : i32
    %add3A_43 = arith.addi %mul3A_9, %add3A_42 : i32
    %run_scoped3A_44 = arith.constant 0 : i32
    "tpu.region"() ({
      %run_scoped3A_124 = tpu.sem_alloc : memref<!tpu.dma_semaphore, #tpu.memory_space<semaphore_mem>>
      %dma_start3A_125 = arith.constant 0 : i32
      %dma_start3A_126 = arith.constant 0 : i32
      %dma_start3A_127 = tpu.memref_slice %arg7[%run_scoped3A_44, %dma_start3A_125, %dma_start3A_126] : memref<5x40x128xf32, #tpu.memory_space<vmem>> -> memref<1x40x128xf32, #tpu.memory_space<vmem>>
      %dma_start3A_128 = tpu.memref_squeeze %dma_start3A_127 : memref<1x40x128xf32, #tpu.memory_space<vmem>> -> memref<40x128xf32, #tpu.memory_space<vmem>>
      %dma_start3A_129 = arith.constant 0 : i32
      %dma_start3A_130 = tpu.memref_slice %arg8[%add3A_43, %dma_start3A_129] : memref<10000x128xf32, #tpu.memory_space<vmem_shared>> -> memref<40x128xf32, #tpu.memory_space<vmem_shared>>
      %dma_start3A_131 = arith.constant 0 : i32
      %dma_start3A_132 = tpu.memref_slice %arg8[%add3A_43, %dma_start3A_131] : memref<10000x128xf32, #tpu.memory_space<vmem_shared>> -> memref<40x128xf32, #tpu.memory_space<vmem_shared>>
      %dma_start3A_133 = arith.constant 0 : i32
      %dma_start3A_134 = arith.constant 0 : i32
      %dma_start3A_135 = tpu.memref_slice %arg7[%run_scoped3A_44, %dma_start3A_133, %dma_start3A_134] : memref<5x40x128xf32, #tpu.memory_space<vmem>> -> memref<1x40x128xf32, #tpu.memory_space<vmem>>
      %dma_start3A_136 = tpu.memref_squeeze %dma_start3A_135 : memref<1x40x128xf32, #tpu.memory_space<vmem>> -> memref<40x128xf32, #tpu.memory_space<vmem>>
      tpu.enqueue_dma source(%dma_start3A_136 : memref<40x128xf32, #tpu.memory_space<vmem>>) target(%dma_start3A_132 : memref<40x128xf32, #tpu.memory_space<vmem_shared>>) target_semaphore(%run_scoped3A_124 : memref<!tpu.dma_semaphore, #tpu.memory_space<semaphore_mem>>)
      %dma_wait3A_137 = arith.constant 0 : i32
      %dma_wait3A_138 = arith.constant 0 : i32
      %dma_wait3A_139 = tpu.memref_slice %arg7[%run_scoped3A_44, %dma_wait3A_137, %dma_wait3A_138] : memref<5x40x128xf32, #tpu.memory_space<vmem>> -> memref<1x40x128xf32, #tpu.memory_space<vmem>>
      %dma_wait3A_140 = tpu.memref_squeeze %dma_wait3A_139 : memref<1x40x128xf32, #tpu.memory_space<vmem>> -> memref<40x128xf32, #tpu.memory_space<vmem>>
      %dma_wait3A_141 = arith.constant 0 : i32
      %dma_wait3A_142 = tpu.memref_slice %arg8[%add3A_43, %dma_wait3A_141] : memref<10000x128xf32, #tpu.memory_space<vmem_shared>> -> memref<40x128xf32, #tpu.memory_space<vmem_shared>>
      %dma_wait3A_143 = arith.constant 0 : i32
      %dma_wait3A_144 = tpu.memref_slice %arg8[%add3A_43, %dma_wait3A_143] : memref<10000x128xf32, #tpu.memory_space<vmem_shared>> -> memref<40x128xf32, #tpu.memory_space<vmem_shared>>
      %dma_wait3A_145 = arith.constant 0 : i32
      %dma_wait3A_146 = arith.constant 0 : i32
      %dma_wait3A_147 = tpu.memref_slice %arg7[%run_scoped3A_44, %dma_wait3A_145, %dma_wait3A_146] : memref<5x40x128xf32, #tpu.memory_space<vmem>> -> memref<1x40x128xf32, #tpu.memory_space<vmem>>
      %dma_wait3A_148 = tpu.memref_squeeze %dma_wait3A_147 : memref<1x40x128xf32, #tpu.memory_space<vmem>> -> memref<40x128xf32, #tpu.memory_space<vmem>>
      tpu.wait_dma2 semaphore(%run_scoped3A_124 : memref<!tpu.dma_semaphore, #tpu.memory_space<semaphore_mem>>) src(%dma_wait3A_148 : memref<40x128xf32, #tpu.memory_space<vmem>>) dst(%dma_wait3A_144 : memref<40x128xf32, #tpu.memory_space<vmem_shared>>)
      tpu.yield
    }) : () -> ()
    %add3A_45 = arith.constant 480 : i32
    %add3A_46 = arith.addi %mul3A_9, %add3A_45 : i32
    %run_scoped3A_47 = arith.constant 0 : i32
    "tpu.region"() ({
      %run_scoped3A_124 = tpu.sem_alloc : memref<!tpu.dma_semaphore, #tpu.memory_space<semaphore_mem>>
      %dma_start3A_125 = arith.constant 0 : i32
      %dma_start3A_126 = arith.constant 0 : i32
      %dma_start3A_127 = tpu.memref_slice %arg7[%run_scoped3A_47, %dma_start3A_125, %dma_start3A_126] : memref<5x40x128xf32, #tpu.memory_space<vmem>> -> memref<1x40x128xf32, #tpu.memory_space<vmem>>
      %dma_start3A_128 = tpu.memref_squeeze %dma_start3A_127 : memref<1x40x128xf32, #tpu.memory_space<vmem>> -> memref<40x128xf32, #tpu.memory_space<vmem>>
      %dma_start3A_129 = arith.constant 0 : i32
      %dma_start3A_130 = tpu.memref_slice %arg8[%add3A_46, %dma_start3A_129] : memref<10000x128xf32, #tpu.memory_space<vmem_shared>> -> memref<40x128xf32, #tpu.memory_space<vmem_shared>>
      %dma_start3A_131 = arith.constant 0 : i32
      %dma_start3A_132 = tpu.memref_slice %arg8[%add3A_46, %dma_start3A_131] : memref<10000x128xf32, #tpu.memory_space<vmem_shared>> -> memref<40x128xf32, #tpu.memory_space<vmem_shared>>
      %dma_start3A_133 = arith.constant 0 : i32
      %dma_start3A_134 = arith.constant 0 : i32
      %dma_start3A_135 = tpu.memref_slice %arg7[%run_scoped3A_47, %dma_start3A_133, %dma_start3A_134] : memref<5x40x128xf32, #tpu.memory_space<vmem>> -> memref<1x40x128xf32, #tpu.memory_space<vmem>>
      %dma_start3A_136 = tpu.memref_squeeze %dma_start3A_135 : memref<1x40x128xf32, #tpu.memory_space<vmem>> -> memref<40x128xf32, #tpu.memory_space<vmem>>
      tpu.enqueue_dma source(%dma_start3A_136 : memref<40x128xf32, #tpu.memory_space<vmem>>) target(%dma_start3A_132 : memref<40x128xf32, #tpu.memory_space<vmem_shared>>) target_semaphore(%run_scoped3A_124 : memref<!tpu.dma_semaphore, #tpu.memory_space<semaphore_mem>>)
      %dma_wait3A_137 = arith.constant 0 : i32
      %dma_wait3A_138 = arith.constant 0 : i32
      %dma_wait3A_139 = tpu.memref_slice %arg7[%run_scoped3A_47, %dma_wait3A_137, %dma_wait3A_138] : memref<5x40x128xf32, #tpu.memory_space<vmem>> -> memref<1x40x128xf32, #tpu.memory_space<vmem>>
      %dma_wait3A_140 = tpu.memref_squeeze %dma_wait3A_139 : memref<1x40x128xf32, #tpu.memory_space<vmem>> -> memref<40x128xf32, #tpu.memory_space<vmem>>
      %dma_wait3A_141 = arith.constant 0 : i32
      %dma_wait3A_142 = tpu.memref_slice %arg8[%add3A_46, %dma_wait3A_141] : memref<10000x128xf32, #tpu.memory_space<vmem_shared>> -> memref<40x128xf32, #tpu.memory_space<vmem_shared>>
      %dma_wait3A_143 = arith.constant 0 : i32
      %dma_wait3A_144 = tpu.memref_slice %arg8[%add3A_46, %dma_wait3A_143] : memref<10000x128xf32, #tpu.memory_space<vmem_shared>> -> memref<40x128xf32, #tpu.memory_space<vmem_shared>>
      %dma_wait3A_145 = arith.constant 0 : i32
      %dma_wait3A_146 = arith.constant 0 : i32
      %dma_wait3A_147 = tpu.memref_slice %arg7[%run_scoped3A_47, %dma_wait3A_145, %dma_wait3A_146] : memref<5x40x128xf32, #tpu.memory_space<vmem>> -> memref<1x40x128xf32, #tpu.memory_space<vmem>>
      %dma_wait3A_148 = tpu.memref_squeeze %dma_wait3A_147 : memref<1x40x128xf32, #tpu.memory_space<vmem>> -> memref<40x128xf32, #tpu.memory_space<vmem>>
      tpu.wait_dma2 semaphore(%run_scoped3A_124 : memref<!tpu.dma_semaphore, #tpu.memory_space<semaphore_mem>>) src(%dma_wait3A_148 : memref<40x128xf32, #tpu.memory_space<vmem>>) dst(%dma_wait3A_144 : memref<40x128xf32, #tpu.memory_space<vmem_shared>>)
      tpu.yield
    }) : () -> ()
    %add3A_48 = arith.constant 520 : i32
    %add3A_49 = arith.addi %mul3A_9, %add3A_48 : i32
    %run_scoped3A_50 = arith.constant 0 : i32
    "tpu.region"() ({
      %run_scoped3A_124 = tpu.sem_alloc : memref<!tpu.dma_semaphore, #tpu.memory_space<semaphore_mem>>
      %dma_start3A_125 = arith.constant 0 : i32
      %dma_start3A_126 = arith.constant 0 : i32
      %dma_start3A_127 = tpu.memref_slice %arg7[%run_scoped3A_50, %dma_start3A_125, %dma_start3A_126] : memref<5x40x128xf32, #tpu.memory_space<vmem>> -> memref<1x40x128xf32, #tpu.memory_space<vmem>>
      %dma_start3A_128 = tpu.memref_squeeze %dma_start3A_127 : memref<1x40x128xf32, #tpu.memory_space<vmem>> -> memref<40x128xf32, #tpu.memory_space<vmem>>
      %dma_start3A_129 = arith.constant 0 : i32
      %dma_start3A_130 = tpu.memref_slice %arg8[%add3A_49, %dma_start3A_129] : memref<10000x128xf32, #tpu.memory_space<vmem_shared>> -> memref<40x128xf32, #tpu.memory_space<vmem_shared>>
      %dma_start3A_131 = arith.constant 0 : i32
      %dma_start3A_132 = tpu.memref_slice %arg8[%add3A_49, %dma_start3A_131] : memref<10000x128xf32, #tpu.memory_space<vmem_shared>> -> memref<40x128xf32, #tpu.memory_space<vmem_shared>>
      %dma_start3A_133 = arith.constant 0 : i32
      %dma_start3A_134 = arith.constant 0 : i32
      %dma_start3A_135 = tpu.memref_slice %arg7[%run_scoped3A_50, %dma_start3A_133, %dma_start3A_134] : memref<5x40x128xf32, #tpu.memory_space<vmem>> -> memref<1x40x128xf32, #tpu.memory_space<vmem>>
      %dma_start3A_136 = tpu.memref_squeeze %dma_start3A_135 : memref<1x40x128xf32, #tpu.memory_space<vmem>> -> memref<40x128xf32, #tpu.memory_space<vmem>>
      tpu.enqueue_dma source(%dma_start3A_136 : memref<40x128xf32, #tpu.memory_space<vmem>>) target(%dma_start3A_132 : memref<40x128xf32, #tpu.memory_space<vmem_shared>>) target_semaphore(%run_scoped3A_124 : memref<!tpu.dma_semaphore, #tpu.memory_space<semaphore_mem>>)
      %dma_wait3A_137 = arith.constant 0 : i32
      %dma_wait3A_138 = arith.constant 0 : i32
      %dma_wait3A_139 = tpu.memref_slice %arg7[%run_scoped3A_50, %dma_wait3A_137, %dma_wait3A_138] : memref<5x40x128xf32, #tpu.memory_space<vmem>> -> memref<1x40x128xf32, #tpu.memory_space<vmem>>
      %dma_wait3A_140 = tpu.memref_squeeze %dma_wait3A_139 : memref<1x40x128xf32, #tpu.memory_space<vmem>> -> memref<40x128xf32, #tpu.memory_space<vmem>>
      %dma_wait3A_141 = arith.constant 0 : i32
      %dma_wait3A_142 = tpu.memref_slice %arg8[%add3A_49, %dma_wait3A_141] : memref<10000x128xf32, #tpu.memory_space<vmem_shared>> -> memref<40x128xf32, #tpu.memory_space<vmem_shared>>
      %dma_wait3A_143 = arith.constant 0 : i32
      %dma_wait3A_144 = tpu.memref_slice %arg8[%add3A_49, %dma_wait3A_143] : memref<10000x128xf32, #tpu.memory_space<vmem_shared>> -> memref<40x128xf32, #tpu.memory_space<vmem_shared>>
      %dma_wait3A_145 = arith.constant 0 : i32
      %dma_wait3A_146 = arith.constant 0 : i32
      %dma_wait3A_147 = tpu.memref_slice %arg7[%run_scoped3A_50, %dma_wait3A_145, %dma_wait3A_146] : memref<5x40x128xf32, #tpu.memory_space<vmem>> -> memref<1x40x128xf32, #tpu.memory_space<vmem>>
      %dma_wait3A_148 = tpu.memref_squeeze %dma_wait3A_147 : memref<1x40x128xf32, #tpu.memory_space<vmem>> -> memref<40x128xf32, #tpu.memory_space<vmem>>
      tpu.wait_dma2 semaphore(%run_scoped3A_124 : memref<!tpu.dma_semaphore, #tpu.memory_space<semaphore_mem>>) src(%dma_wait3A_148 : memref<40x128xf32, #tpu.memory_space<vmem>>) dst(%dma_wait3A_144 : memref<40x128xf32, #tpu.memory_space<vmem_shared>>)
      tpu.yield
    }) : () -> ()
    %add3A_51 = arith.constant 560 : i32
    %add3A_52 = arith.addi %mul3A_9, %add3A_51 : i32
    %run_scoped3A_53 = arith.constant 0 : i32
    "tpu.region"() ({
      %run_scoped3A_124 = tpu.sem_alloc : memref<!tpu.dma_semaphore, #tpu.memory_space<semaphore_mem>>
      %dma_start3A_125 = arith.constant 0 : i32
      %dma_start3A_126 = arith.constant 0 : i32
      %dma_start3A_127 = tpu.memref_slice %arg7[%run_scoped3A_53, %dma_start3A_125, %dma_start3A_126] : memref<5x40x128xf32, #tpu.memory_space<vmem>> -> memref<1x40x128xf32, #tpu.memory_space<vmem>>
      %dma_start3A_128 = tpu.memref_squeeze %dma_start3A_127 : memref<1x40x128xf32, #tpu.memory_space<vmem>> -> memref<40x128xf32, #tpu.memory_space<vmem>>
      %dma_start3A_129 = arith.constant 0 : i32
      %dma_start3A_130 = tpu.memref_slice %arg8[%add3A_52, %dma_start3A_129] : memref<10000x128xf32, #tpu.memory_space<vmem_shared>> -> memref<40x128xf32, #tpu.memory_space<vmem_shared>>
      %dma_start3A_131 = arith.constant 0 : i32
      %dma_start3A_132 = tpu.memref_slice %arg8[%add3A_52, %dma_start3A_131] : memref<10000x128xf32, #tpu.memory_space<vmem_shared>> -> memref<40x128xf32, #tpu.memory_space<vmem_shared>>
      %dma_start3A_133 = arith.constant 0 : i32
      %dma_start3A_134 = arith.constant 0 : i32
      %dma_start3A_135 = tpu.memref_slice %arg7[%run_scoped3A_53, %dma_start3A_133, %dma_start3A_134] : memref<5x40x128xf32, #tpu.memory_space<vmem>> -> memref<1x40x128xf32, #tpu.memory_space<vmem>>
      %dma_start3A_136 = tpu.memref_squeeze %dma_start3A_135 : memref<1x40x128xf32, #tpu.memory_space<vmem>> -> memref<40x128xf32, #tpu.memory_space<vmem>>
      tpu.enqueue_dma source(%dma_start3A_136 : memref<40x128xf32, #tpu.memory_space<vmem>>) target(%dma_start3A_132 : memref<40x128xf32, #tpu.memory_space<vmem_shared>>) target_semaphore(%run_scoped3A_124 : memref<!tpu.dma_semaphore, #tpu.memory_space<semaphore_mem>>)
      %dma_wait3A_137 = arith.constant 0 : i32
      %dma_wait3A_138 = arith.constant 0 : i32
      %dma_wait3A_139 = tpu.memref_slice %arg7[%run_scoped3A_53, %dma_wait3A_137, %dma_wait3A_138] : memref<5x40x128xf32, #tpu.memory_space<vmem>> -> memref<1x40x128xf32, #tpu.memory_space<vmem>>
      %dma_wait3A_140 = tpu.memref_squeeze %dma_wait3A_139 : memref<1x40x128xf32, #tpu.memory_space<vmem>> -> memref<40x128xf32, #tpu.memory_space<vmem>>
      %dma_wait3A_141 = arith.constant 0 : i32
      %dma_wait3A_142 = tpu.memref_slice %arg8[%add3A_52, %dma_wait3A_141] : memref<10000x128xf32, #tpu.memory_space<vmem_shared>> -> memref<40x128xf32, #tpu.memory_space<vmem_shared>>
      %dma_wait3A_143 = arith.constant 0 : i32
      %dma_wait3A_144 = tpu.memref_slice %arg8[%add3A_52, %dma_wait3A_143] : memref<10000x128xf32, #tpu.memory_space<vmem_shared>> -> memref<40x128xf32, #tpu.memory_space<vmem_shared>>
      %dma_wait3A_145 = arith.constant 0 : i32
      %dma_wait3A_146 = arith.constant 0 : i32
      %dma_wait3A_147 = tpu.memref_slice %arg7[%run_scoped3A_53, %dma_wait3A_145, %dma_wait3A_146] : memref<5x40x128xf32, #tpu.memory_space<vmem>> -> memref<1x40x128xf32, #tpu.memory_space<vmem>>
      %dma_wait3A_148 = tpu.memref_squeeze %dma_wait3A_147 : memref<1x40x128xf32, #tpu.memory_space<vmem>> -> memref<40x128xf32, #tpu.memory_space<vmem>>
      tpu.wait_dma2 semaphore(%run_scoped3A_124 : memref<!tpu.dma_semaphore, #tpu.memory_space<semaphore_mem>>) src(%dma_wait3A_148 : memref<40x128xf32, #tpu.memory_space<vmem>>) dst(%dma_wait3A_144 : memref<40x128xf32, #tpu.memory_space<vmem_shared>>)
      tpu.yield
    }) : () -> ()
    %add3A_54 = arith.constant 600 : i32
    %add3A_55 = arith.addi %mul3A_9, %add3A_54 : i32
    %run_scoped3A_56 = arith.constant 0 : i32
    "tpu.region"() ({
      %run_scoped3A_124 = tpu.sem_alloc : memref<!tpu.dma_semaphore, #tpu.memory_space<semaphore_mem>>
      %dma_start3A_125 = arith.constant 0 : i32
      %dma_start3A_126 = arith.constant 0 : i32
      %dma_start3A_127 = tpu.memref_slice %arg7[%run_scoped3A_56, %dma_start3A_125, %dma_start3A_126] : memref<5x40x128xf32, #tpu.memory_space<vmem>> -> memref<1x40x128xf32, #tpu.memory_space<vmem>>
      %dma_start3A_128 = tpu.memref_squeeze %dma_start3A_127 : memref<1x40x128xf32, #tpu.memory_space<vmem>> -> memref<40x128xf32, #tpu.memory_space<vmem>>
      %dma_start3A_129 = arith.constant 0 : i32
      %dma_start3A_130 = arith.constant 0 : i32
      %dma_start3A_131 = tpu.memref_slice %dma_start3A_128[%dma_start3A_129, %dma_start3A_130] : memref<40x128xf32, #tpu.memory_space<vmem>> -> memref<25x128xf32, #tpu.memory_space<vmem>>
      %dma_start3A_132 = arith.constant 0 : i32
      %dma_start3A_133 = tpu.memref_slice %arg8[%add3A_55, %dma_start3A_132] : memref<10000x128xf32, #tpu.memory_space<vmem_shared>> -> memref<25x128xf32, #tpu.memory_space<vmem_shared>>
      %dma_start3A_134 = arith.constant 0 : i32
      %dma_start3A_135 = tpu.memref_slice %arg8[%add3A_55, %dma_start3A_134] : memref<10000x128xf32, #tpu.memory_space<vmem_shared>> -> memref<25x128xf32, #tpu.memory_space<vmem_shared>>
      %dma_start3A_136 = arith.constant 0 : i32
      %dma_start3A_137 = arith.constant 0 : i32
      %dma_start3A_138 = tpu.memref_slice %arg7[%run_scoped3A_56, %dma_start3A_136, %dma_start3A_137] : memref<5x40x128xf32, #tpu.memory_space<vmem>> -> memref<1x40x128xf32, #tpu.memory_space<vmem>>
      %dma_start3A_139 = tpu.memref_squeeze %dma_start3A_138 : memref<1x40x128xf32, #tpu.memory_space<vmem>> -> memref<40x128xf32, #tpu.memory_space<vmem>>
      %dma_start3A_140 = arith.constant 0 : i32
      %dma_start3A_141 = arith.constant 0 : i32
      %dma_start3A_142 = tpu.memref_slice %dma_start3A_139[%dma_start3A_140, %dma_start3A_141] : memref<40x128xf32, #tpu.memory_space<vmem>> -> memref<25x128xf32, #tpu.memory_space<vmem>>
      tpu.enqueue_dma source(%dma_start3A_142 : memref<25x128xf32, #tpu.memory_space<vmem>>) target(%dma_start3A_135 : memref<25x128xf32, #tpu.memory_space<vmem_shared>>) target_semaphore(%run_scoped3A_124 : memref<!tpu.dma_semaphore, #tpu.memory_space<semaphore_mem>>)
      %dma_wait3A_143 = arith.constant 0 : i32
      %dma_wait3A_144 = arith.constant 0 : i32
      %dma_wait3A_145 = tpu.memref_slice %arg7[%run_scoped3A_56, %dma_wait3A_143, %dma_wait3A_144] : memref<5x40x128xf32, #tpu.memory_space<vmem>> -> memref<1x40x128xf32, #tpu.memory_space<vmem>>
      %dma_wait3A_146 = tpu.memref_squeeze %dma_wait3A_145 : memref<1x40x128xf32, #tpu.memory_space<vmem>> -> memref<40x128xf32, #tpu.memory_space<vmem>>
      %dma_wait3A_147 = arith.constant 0 : i32
      %dma_wait3A_148 = arith.constant 0 : i32
      %dma_wait3A_149 = tpu.memref_slice %dma_wait3A_146[%dma_wait3A_147, %dma_wait3A_148] : memref<40x128xf32, #tpu.memory_space<vmem>> -> memref<25x128xf32, #tpu.memory_space<vmem>>
      %dma_wait3A_150 = arith.constant 0 : i32
      %dma_wait3A_151 = tpu.memref_slice %arg8[%add3A_55, %dma_wait3A_150] : memref<10000x128xf32, #tpu.memory_space<vmem_shared>> -> memref<25x128xf32, #tpu.memory_space<vmem_shared>>
      %dma_wait3A_152 = arith.constant 0 : i32
      %dma_wait3A_153 = tpu.memref_slice %arg8[%add3A_55, %dma_wait3A_152] : memref<10000x128xf32, #tpu.memory_space<vmem_shared>> -> memref<25x128xf32, #tpu.memory_space<vmem_shared>>
      %dma_wait3A_154 = arith.constant 0 : i32
      %dma_wait3A_155 = arith.constant 0 : i32
      %dma_wait3A_156 = tpu.memref_slice %arg7[%run_scoped3A_56, %dma_wait3A_154, %dma_wait3A_155] : memref<5x40x128xf32, #tpu.memory_space<vmem>> -> memref<1x40x128xf32, #tpu.memory_space<vmem>>
      %dma_wait3A_157 = tpu.memref_squeeze %dma_wait3A_156 : memref<1x40x128xf32, #tpu.memory_space<vmem>> -> memref<40x128xf32, #tpu.memory_space<vmem>>
      %dma_wait3A_158 = arith.constant 0 : i32
      %dma_wait3A_159 = arith.constant 0 : i32
      %dma_wait3A_160 = tpu.memref_slice %dma_wait3A_157[%dma_wait3A_158, %dma_wait3A_159] : memref<40x128xf32, #tpu.memory_space<vmem>> -> memref<25x128xf32, #tpu.memory_space<vmem>>
      tpu.wait_dma2 semaphore(%run_scoped3A_124 : memref<!tpu.dma_semaphore, #tpu.memory_space<semaphore_mem>>) src(%dma_wait3A_160 : memref<25x128xf32, #tpu.memory_space<vmem>>) dst(%dma_wait3A_153 : memref<25x128xf32, #tpu.memory_space<vmem_shared>>)
      tpu.yield
    }) : () -> ()
    %barrier3A = arith.constant 0 : index
    tpu.barrier barrier_id(%barrier3A)
    %scan3A_57 = arith.constant 0 : i32
    %scan3A_58 = arith.constant 0 : i32
    %mul3A_59 = arith.constant 10000 : i32
    %mul3A_60 = arith.muli %add3A, %mul3A_59 : i32
    %mul3A_61 = arith.constant 10000 : i32
    %mul3A_62 = arith.muli %scan3A_58, %mul3A_61 : i32
    %add3A_63 = arith.addi %mul3A_60, %mul3A_62 : i32
    %run_scoped3A_64 = arith.constant 0 : i32
    "tpu.region"() ({
      %run_scoped3A_124 = tpu.sem_alloc : memref<!tpu.dma_semaphore, #tpu.memory_space<semaphore_mem>>
      %dma_start3A_125 = tpu.memref_slice %arg3[%run_scoped3A_64, %add3A_63] : memref<2x320000xi32, #tpu.memory_space<hbm>> -> memref<1x10000xi32, #tpu.memory_space<hbm>>
      %dma_start3A_126 = tpu.memref_squeeze %dma_start3A_125 : memref<1x10000xi32, #tpu.memory_space<hbm>> -> memref<10000xi32, #tpu.memory_space<hbm>>
      %dma_start3A_127 = tpu.memref_slice %arg3[%run_scoped3A_64, %add3A_63] : memref<2x320000xi32, #tpu.memory_space<hbm>> -> memref<1x10000xi32, #tpu.memory_space<hbm>>
      %dma_start3A_128 = tpu.memref_squeeze %dma_start3A_127 : memref<1x10000xi32, #tpu.memory_space<hbm>> -> memref<10000xi32, #tpu.memory_space<hbm>>
      tpu.enqueue_dma source(%dma_start3A_128 : memref<10000xi32, #tpu.memory_space<hbm>>) target(%arg5 : memref<10000xi32, #tpu.memory_space<vmem>>) target_semaphore(%run_scoped3A_124 : memref<!tpu.dma_semaphore, #tpu.memory_space<semaphore_mem>>)
      %dma_wait3A_129 = tpu.memref_slice %arg3[%run_scoped3A_64, %add3A_63] : memref<2x320000xi32, #tpu.memory_space<hbm>> -> memref<1x10000xi32, #tpu.memory_space<hbm>>
      %dma_wait3A_130 = tpu.memref_squeeze %dma_wait3A_129 : memref<1x10000xi32, #tpu.memory_space<hbm>> -> memref<10000xi32, #tpu.memory_space<hbm>>
      %dma_wait3A_131 = tpu.memref_slice %arg3[%run_scoped3A_64, %add3A_63] : memref<2x320000xi32, #tpu.memory_space<hbm>> -> memref<1x10000xi32, #tpu.memory_space<hbm>>
      %dma_wait3A_132 = tpu.memref_squeeze %dma_wait3A_131 : memref<1x10000xi32, #tpu.memory_space<hbm>> -> memref<10000xi32, #tpu.memory_space<hbm>>
      tpu.wait_dma2 semaphore(%run_scoped3A_124 : memref<!tpu.dma_semaphore, #tpu.memory_space<semaphore_mem>>) src(%dma_wait3A_132 : memref<10000xi32, #tpu.memory_space<hbm>>) dst(%arg5 : memref<10000xi32, #tpu.memory_space<vmem>>)
      tpu.yield
    }) : () -> ()
    %run_scoped3A_65 = arith.constant 1 : i32
    "tpu.region"() ({
      %run_scoped3A_124 = tpu.sem_alloc : memref<!tpu.dma_semaphore, #tpu.memory_space<semaphore_mem>>
      %dma_start3A_125 = tpu.memref_slice %arg3[%run_scoped3A_65, %add3A_63] : memref<2x320000xi32, #tpu.memory_space<hbm>> -> memref<1x10000xi32, #tpu.memory_space<hbm>>
      %dma_start3A_126 = tpu.memref_squeeze %dma_start3A_125 : memref<1x10000xi32, #tpu.memory_space<hbm>> -> memref<10000xi32, #tpu.memory_space<hbm>>
      %dma_start3A_127 = tpu.memref_slice %arg3[%run_scoped3A_65, %add3A_63] : memref<2x320000xi32, #tpu.memory_space<hbm>> -> memref<1x10000xi32, #tpu.memory_space<hbm>>
      %dma_start3A_128 = tpu.memref_squeeze %dma_start3A_127 : memref<1x10000xi32, #tpu.memory_space<hbm>> -> memref<10000xi32, #tpu.memory_space<hbm>>
      tpu.enqueue_dma source(%dma_start3A_128 : memref<10000xi32, #tpu.memory_space<hbm>>) target(%arg6 : memref<10000xi32, #tpu.memory_space<vmem>>) target_semaphore(%run_scoped3A_124 : memref<!tpu.dma_semaphore, #tpu.memory_space<semaphore_mem>>)
      %dma_wait3A_129 = tpu.memref_slice %arg3[%run_scoped3A_65, %add3A_63] : memref<2x320000xi32, #tpu.memory_space<hbm>> -> memref<1x10000xi32, #tpu.memory_space<hbm>>
      %dma_wait3A_130 = tpu.memref_squeeze %dma_wait3A_129 : memref<1x10000xi32, #tpu.memory_space<hbm>> -> memref<10000xi32, #tpu.memory_space<hbm>>
      %dma_wait3A_131 = tpu.memref_slice %arg3[%run_scoped3A_65, %add3A_63] : memref<2x320000xi32, #tpu.memory_space<hbm>> -> memref<1x10000xi32, #tpu.memory_space<hbm>>
      %dma_wait3A_132 = tpu.memref_squeeze %dma_wait3A_131 : memref<1x10000xi32, #tpu.memory_space<hbm>> -> memref<10000xi32, #tpu.memory_space<hbm>>
      tpu.wait_dma2 semaphore(%run_scoped3A_124 : memref<!tpu.dma_semaphore, #tpu.memory_space<semaphore_mem>>) src(%dma_wait3A_132 : memref<10000xi32, #tpu.memory_space<hbm>>) dst(%arg6 : memref<10000xi32, #tpu.memory_space<vmem>>)
      tpu.yield
    }) : () -> ()
    %dma_start3A = arith.constant 0 : i32
    %dma_start3A_66 = arith.constant 0 : i32
    %dma_start3A_67 = arith.constant 0 : i32
    %dma_start3A_68 = tpu.memref_slice %arg7[%dma_start3A, %dma_start3A_66, %dma_start3A_67] : memref<5x40x128xf32, #tpu.memory_space<vmem>> -> memref<1x40x128xf32, #tpu.memory_space<vmem>>
    %dma_start3A_69 = tpu.memref_squeeze %dma_start3A_68 : memref<1x40x128xf32, #tpu.memory_space<vmem>> -> memref<40x128xf32, #tpu.memory_space<vmem>>
    %dma_start3A_70 = arith.constant 0 : i32
    %dma_start3A_71 = tpu.memref_slice %arg5[%dma_start3A_70] : memref<10000xi32, #tpu.memory_space<vmem>> -> memref<40xi32, #tpu.memory_space<vmem>>
    %dma_start3A_72 = arith.constant 0 : i32
    %dma_start3A_73 = arith.constant 0 : i32
    %dma_start3A_74 = tpu.memref_slice %arg2[%dma_start3A_72, %dma_start3A_73] : memref<10000x128xf32, #tpu.memory_space<hbm>> -> memref<10000x128xf32, #tpu.memory_space<hbm>>
    tpu.enqueue_indirect_dma source(%dma_start3A_74 : memref<10000x128xf32, #tpu.memory_space<hbm>>) target(%dma_start3A_69 : memref<40x128xf32, #tpu.memory_space<vmem>>) offsets(%dma_start3A_71 : memref<40xi32, #tpu.memory_space<vmem>>) semaphore(%arg9 : memref<!tpu.dma_semaphore, #tpu.memory_space<semaphore_mem>>)
    %dma_start3A_75 = arith.constant 1 : i32
    %dma_start3A_76 = arith.constant 0 : i32
    %dma_start3A_77 = arith.constant 0 : i32
    %dma_start3A_78 = tpu.memref_slice %arg7[%dma_start3A_75, %dma_start3A_76, %dma_start3A_77] : memref<5x40x128xf32, #tpu.memory_space<vmem>> -> memref<1x40x128xf32, #tpu.memory_space<vmem>>
    %dma_start3A_79 = tpu.memref_squeeze %dma_start3A_78 : memref<1x40x128xf32, #tpu.memory_space<vmem>> -> memref<40x128xf32, #tpu.memory_space<vmem>>
    %dma_start3A_80 = arith.constant 40 : i32
    %dma_start3A_81 = tpu.memref_slice %arg5[%dma_start3A_80] : memref<10000xi32, #tpu.memory_space<vmem>> -> memref<40xi32, #tpu.memory_space<vmem>>
    %dma_start3A_82 = arith.constant 0 : i32
    %dma_start3A_83 = arith.constant 0 : i32
    %dma_start3A_84 = tpu.memref_slice %arg2[%dma_start3A_82, %dma_start3A_83] : memref<10000x128xf32, #tpu.memory_space<hbm>> -> memref<10000x128xf32, #tpu.memory_space<hbm>>
    tpu.enqueue_indirect_dma source(%dma_start3A_84 : memref<10000x128xf32, #tpu.memory_space<hbm>>) target(%dma_start3A_79 : memref<40x128xf32, #tpu.memory_space<vmem>>) offsets(%dma_start3A_81 : memref<40xi32, #tpu.memory_space<vmem>>) semaphore(%arg9 : memref<!tpu.dma_semaphore, #tpu.memory_space<semaphore_mem>>)
    %dma_start3A_85 = arith.constant 2 : i32
    %dma_start3A_86 = arith.constant 0 : i32
    %dma_start3A_87 = arith.constant 0 : i32
    %dma_start3A_88 = tpu.memref_slice %arg7[%dma_start3A_85, %dma_start3A_86, %dma_start3A_87] : memref<5x40x128xf32, #tpu.memory_space<vmem>> -> memref<1x40x128xf32, #tpu.memory_space<vmem>>
    %dma_start3A_89 = tpu.memref_squeeze %dma_start3A_88 : memref<1x40x128xf32, #tpu.memory_space<vmem>> -> memref<40x128xf32, #tpu.memory_space<vmem>>
    %dma_start3A_90 = arith.constant 80 : i32
    %dma_start3A_91 = tpu.memref_slice %arg5[%dma_start3A_90] : memref<10000xi32, #tpu.memory_space<vmem>> -> memref<40xi32, #tpu.memory_space<vmem>>
    %dma_start3A_92 = arith.constant 0 : i32
    %dma_start3A_93 = arith.constant 0 : i32
    %dma_start3A_94 = tpu.memref_slice %arg2[%dma_start3A_92, %dma_start3A_93] : memref<10000x128xf32, #tpu.memory_space<hbm>> -> memref<10000x128xf32, #tpu.memory_space<hbm>>
    tpu.enqueue_indirect_dma source(%dma_start3A_94 : memref<10000x128xf32, #tpu.memory_space<hbm>>) target(%dma_start3A_89 : memref<40x128xf32, #tpu.memory_space<vmem>>) offsets(%dma_start3A_91 : memref<40xi32, #tpu.memory_space<vmem>>) semaphore(%arg9 : memref<!tpu.dma_semaphore, #tpu.memory_space<semaphore_mem>>)
    %dma_start3A_95 = arith.constant 3 : i32
    %dma_start3A_96 = arith.constant 0 : i32
    %dma_start3A_97 = arith.constant 0 : i32
    %dma_start3A_98 = tpu.memref_slice %arg7[%dma_start3A_95, %dma_start3A_96, %dma_start3A_97] : memref<5x40x128xf32, #tpu.memory_space<vmem>> -> memref<1x40x128xf32, #tpu.memory_space<vmem>>
    %dma_start3A_99 = tpu.memref_squeeze %dma_start3A_98 : memref<1x40x128xf32, #tpu.memory_space<vmem>> -> memref<40x128xf32, #tpu.memory_space<vmem>>
    %dma_start3A_100 = arith.constant 120 : i32
    %dma_start3A_101 = tpu.memref_slice %arg5[%dma_start3A_100] : memref<10000xi32, #tpu.memory_space<vmem>> -> memref<40xi32, #tpu.memory_space<vmem>>
    %dma_start3A_102 = arith.constant 0 : i32
    %dma_start3A_103 = arith.constant 0 : i32
    %dma_start3A_104 = tpu.memref_slice %arg2[%dma_start3A_102, %dma_start3A_103] : memref<10000x128xf32, #tpu.memory_space<hbm>> -> memref<10000x128xf32, #tpu.memory_space<hbm>>
    tpu.enqueue_indirect_dma source(%dma_start3A_104 : memref<10000x128xf32, #tpu.memory_space<hbm>>) target(%dma_start3A_99 : memref<40x128xf32, #tpu.memory_space<vmem>>) offsets(%dma_start3A_101 : memref<40xi32, #tpu.memory_space<vmem>>) semaphore(%arg9 : memref<!tpu.dma_semaphore, #tpu.memory_space<semaphore_mem>>)
    %scan3A_105 = arith.constant 0 : i32
    %scan3A_106 = arith.constant 0 : i32
    %scan3A_107 = arith.constant 50 : i32
    %scan3A_108 = arith.addi %scan3A_106, %scan3A_107 : i32
    %scan3A_109 = arith.constant 1 : i32
    scf.for %scan3A_124 = %scan3A_106 to %scan3A_108 step %scan3A_109  : i32 {
      %mul3A_125 = arith.constant 5 : i32
      %mul3A_126 = arith.muli %mul3A_125, %scan3A_124 : i32
      %add3A_127 = arith.constant 0 : i32
      %add3A_128 = arith.addi %mul3A_126, %add3A_127 : i32
      %dma_wait3A_129 = arith.constant 0 : i32
      %dma_wait3A_130 = arith.constant 0 : i32
      %dma_wait3A_131 = arith.constant 0 : i32
      %dma_wait3A_132 = tpu.memref_slice %arg7[%dma_wait3A_129, %dma_wait3A_130, %dma_wait3A_131] : memref<5x40x128xf32, #tpu.memory_space<vmem>> -> memref<1x40x128xf32, #tpu.memory_space<vmem>>
      %dma_wait3A_133 = tpu.memref_squeeze %dma_wait3A_132 : memref<1x40x128xf32, #tpu.memory_space<vmem>> -> memref<40x128xf32, #tpu.memory_space<vmem>>
      %dma_wait3A_134 = arith.constant 0 : i32
      %dma_wait3A_135 = tpu.memref_slice %arg5[%dma_wait3A_134] : memref<10000xi32, #tpu.memory_space<vmem>> -> memref<40xi32, #tpu.memory_space<vmem>>
      %dma_wait3A_136 = arith.constant 0 : i32
      %dma_wait3A_137 = arith.constant 0 : i32
      %dma_wait3A_138 = tpu.memref_slice %arg2[%dma_wait3A_136, %dma_wait3A_137] : memref<10000x128xf32, #tpu.memory_space<hbm>> -> memref<10000x128xf32, #tpu.memory_space<hbm>>
      tpu.wait_indirect_dma semaphore(%arg9 : memref<!tpu.dma_semaphore, #tpu.memory_space<semaphore_mem>>) src(%dma_wait3A_138 : memref<10000x128xf32, #tpu.memory_space<hbm>>) dst(%dma_wait3A_133 : memref<40x128xf32, #tpu.memory_space<vmem>>)
      %mul3A_139 = arith.constant 40 : i32
      %mul3A_140 = arith.muli %add3A_128, %mul3A_139 : i32
      %dma_start3A_141 = arith.constant 0 : i32
      %dma_start3A_142 = arith.constant 0 : i32
      %dma_start3A_143 = arith.constant 0 : i32
      %dma_start3A_144 = tpu.memref_slice %arg7[%dma_start3A_141, %dma_start3A_142, %dma_start3A_143] : memref<5x40x128xf32, #tpu.memory_space<vmem>> -> memref<1x40x128xf32, #tpu.memory_space<vmem>>
      %dma_start3A_145 = tpu.memref_squeeze %dma_start3A_144 : memref<1x40x128xf32, #tpu.memory_space<vmem>> -> memref<40x128xf32, #tpu.memory_space<vmem>>
      %dma_start3A_146 = tpu.memref_slice %arg6[%mul3A_140] : memref<10000xi32, #tpu.memory_space<vmem>> -> memref<40xi32, #tpu.memory_space<vmem>>
      %dma_start3A_147 = arith.constant 0 : i32
      %dma_start3A_148 = arith.constant 0 : i32
      %dma_start3A_149 = tpu.memref_slice %arg8[%dma_start3A_147, %dma_start3A_148] : memref<10000x128xf32, #tpu.memory_space<vmem_shared>> -> memref<10000x128xf32, #tpu.memory_space<vmem_shared>>
      tpu.enqueue_indirect_dma source(%dma_start3A_145 : memref<40x128xf32, #tpu.memory_space<vmem>>) target(%dma_start3A_149 : memref<10000x128xf32, #tpu.memory_space<vmem_shared>>) offsets(%dma_start3A_146 : memref<40xi32, #tpu.memory_space<vmem>>) semaphore(%arg10 : memref<!tpu.dma_semaphore, #tpu.memory_space<semaphore_mem>>) {add = true}
      %gt3A = arith.constant 0 : i32
      %gt3A_150 = arith.cmpi sgt, %scan3A_124, %gt3A : i32
      %convert_element_type3A = arith.extui %gt3A_150 : i1 to i32
      %cond3A = arith.constant 0 : i32
      %cond3A_151 = arith.cmpi ne, %convert_element_type3A, %cond3A : i32
      scf.if %cond3A_151 {
        %dma_wait3A_316 = arith.constant 0 : i32
        %dma_wait3A_317 = arith.constant 0 : i32
        %dma_wait3A_318 = arith.constant 0 : i32
        %dma_wait3A_319 = tpu.memref_slice %arg7[%dma_wait3A_316, %dma_wait3A_317, %dma_wait3A_318] : memref<5x40x128xf32, #tpu.memory_space<vmem>> -> memref<1x40x128xf32, #tpu.memory_space<vmem>>
        %dma_wait3A_320 = tpu.memref_squeeze %dma_wait3A_319 : memref<1x40x128xf32, #tpu.memory_space<vmem>> -> memref<40x128xf32, #tpu.memory_space<vmem>>
        %dma_wait3A_321 = arith.constant 0 : i32
        %dma_wait3A_322 = tpu.memref_slice %arg6[%dma_wait3A_321] : memref<10000xi32, #tpu.memory_space<vmem>> -> memref<40xi32, #tpu.memory_space<vmem>>
        %dma_wait3A_323 = arith.constant 0 : i32
        %dma_wait3A_324 = arith.constant 0 : i32
        %dma_wait3A_325 = tpu.memref_slice %arg8[%dma_wait3A_323, %dma_wait3A_324] : memref<10000x128xf32, #tpu.memory_space<vmem_shared>> -> memref<10000x128xf32, #tpu.memory_space<vmem_shared>>
        tpu.wait_indirect_dma semaphore(%arg10 : memref<!tpu.dma_semaphore, #tpu.memory_space<semaphore_mem>>) src(%dma_wait3A_320 : memref<40x128xf32, #tpu.memory_space<vmem>>) dst(%dma_wait3A_325 : memref<10000x128xf32, #tpu.memory_space<vmem_shared>>)
      } else {
      }
      %lt3A = arith.constant 246 : i32
      %lt3A_152 = arith.cmpi slt, %add3A_128, %lt3A : i32
      %convert_element_type3A_153 = arith.extui %lt3A_152 : i1 to i32
      %cond3A_154 = arith.constant 0 : i32
      %cond3A_155 = arith.cmpi ne, %convert_element_type3A_153, %cond3A_154 : i32
      scf.if %cond3A_155 {
        %add3A_316 = arith.constant 5 : i32
        %add3A_317 = arith.addi %add3A_128, %add3A_316 : i32
        %sub3A = arith.constant 1 : i32
        %sub3A_318 = arith.subi %add3A_317, %sub3A : i32
        %mul3A_319 = arith.constant 40 : i32
        %mul3A_320 = arith.muli %sub3A_318, %mul3A_319 : i32
        %dma_start3A_321 = arith.constant 4 : i32
        %dma_start3A_322 = arith.constant 0 : i32
        %dma_start3A_323 = arith.constant 0 : i32
        %dma_start3A_324 = tpu.memref_slice %arg7[%dma_start3A_321, %dma_start3A_322, %dma_start3A_323] : memref<5x40x128xf32, #tpu.memory_space<vmem>> -> memref<1x40x128xf32, #tpu.memory_space<vmem>>
        %dma_start3A_325 = tpu.memref_squeeze %dma_start3A_324 : memref<1x40x128xf32, #tpu.memory_space<vmem>> -> memref<40x128xf32, #tpu.memory_space<vmem>>
        %dma_start3A_326 = tpu.memref_slice %arg5[%mul3A_320] : memref<10000xi32, #tpu.memory_space<vmem>> -> memref<40xi32, #tpu.memory_space<vmem>>
        %dma_start3A_327 = arith.constant 0 : i32
        %dma_start3A_328 = arith.constant 0 : i32
        %dma_start3A_329 = tpu.memref_slice %arg2[%dma_start3A_327, %dma_start3A_328] : memref<10000x128xf32, #tpu.memory_space<hbm>> -> memref<10000x128xf32, #tpu.memory_space<hbm>>
        tpu.enqueue_indirect_dma source(%dma_start3A_329 : memref<10000x128xf32, #tpu.memory_space<hbm>>) target(%dma_start3A_325 : memref<40x128xf32, #tpu.memory_space<vmem>>) offsets(%dma_start3A_326 : memref<40xi32, #tpu.memory_space<vmem>>) semaphore(%arg9 : memref<!tpu.dma_semaphore, #tpu.memory_space<semaphore_mem>>)
      } else {
      }
      %mul3A_156 = arith.constant 5 : i32
      %mul3A_157 = arith.muli %mul3A_156, %scan3A_124 : i32
      %add3A_158 = arith.constant 1 : i32
      %add3A_159 = arith.addi %mul3A_157, %add3A_158 : i32
      %dma_wait3A_160 = arith.constant 0 : i32
      %dma_wait3A_161 = arith.constant 0 : i32
      %dma_wait3A_162 = arith.constant 0 : i32
      %dma_wait3A_163 = tpu.memref_slice %arg7[%dma_wait3A_160, %dma_wait3A_161, %dma_wait3A_162] : memref<5x40x128xf32, #tpu.memory_space<vmem>> -> memref<1x40x128xf32, #tpu.memory_space<vmem>>
      %dma_wait3A_164 = tpu.memref_squeeze %dma_wait3A_163 : memref<1x40x128xf32, #tpu.memory_space<vmem>> -> memref<40x128xf32, #tpu.memory_space<vmem>>
      %dma_wait3A_165 = arith.constant 0 : i32
      %dma_wait3A_166 = tpu.memref_slice %arg5[%dma_wait3A_165] : memref<10000xi32, #tpu.memory_space<vmem>> -> memref<40xi32, #tpu.memory_space<vmem>>
      %dma_wait3A_167 = arith.constant 0 : i32
      %dma_wait3A_168 = arith.constant 0 : i32
      %dma_wait3A_169 = tpu.memref_slice %arg2[%dma_wait3A_167, %dma_wait3A_168] : memref<10000x128xf32, #tpu.memory_space<hbm>> -> memref<10000x128xf32, #tpu.memory_space<hbm>>
      tpu.wait_indirect_dma semaphore(%arg9 : memref<!tpu.dma_semaphore, #tpu.memory_space<semaphore_mem>>) src(%dma_wait3A_169 : memref<10000x128xf32, #tpu.memory_space<hbm>>) dst(%dma_wait3A_164 : memref<40x128xf32, #tpu.memory_space<vmem>>)
      %mul3A_170 = arith.constant 40 : i32
      %mul3A_171 = arith.muli %add3A_159, %mul3A_170 : i32
      %dma_start3A_172 = arith.constant 1 : i32
      %dma_start3A_173 = arith.constant 0 : i32
      %dma_start3A_174 = arith.constant 0 : i32
      %dma_start3A_175 = tpu.memref_slice %arg7[%dma_start3A_172, %dma_start3A_173, %dma_start3A_174] : memref<5x40x128xf32, #tpu.memory_space<vmem>> -> memref<1x40x128xf32, #tpu.memory_space<vmem>>
      %dma_start3A_176 = tpu.memref_squeeze %dma_start3A_175 : memref<1x40x128xf32, #tpu.memory_space<vmem>> -> memref<40x128xf32, #tpu.memory_space<vmem>>
      %dma_start3A_177 = tpu.memref_slice %arg6[%mul3A_171] : memref<10000xi32, #tpu.memory_space<vmem>> -> memref<40xi32, #tpu.memory_space<vmem>>
      %dma_start3A_178 = arith.constant 0 : i32
      %dma_start3A_179 = arith.constant 0 : i32
      %dma_start3A_180 = tpu.memref_slice %arg8[%dma_start3A_178, %dma_start3A_179] : memref<10000x128xf32, #tpu.memory_space<vmem_shared>> -> memref<10000x128xf32, #tpu.memory_space<vmem_shared>>
      tpu.enqueue_indirect_dma source(%dma_start3A_176 : memref<40x128xf32, #tpu.memory_space<vmem>>) target(%dma_start3A_180 : memref<10000x128xf32, #tpu.memory_space<vmem_shared>>) offsets(%dma_start3A_177 : memref<40xi32, #tpu.memory_space<vmem>>) semaphore(%arg10 : memref<!tpu.dma_semaphore, #tpu.memory_space<semaphore_mem>>) {add = true}
      %dma_wait3A_181 = arith.constant 0 : i32
      %dma_wait3A_182 = arith.constant 0 : i32
      %dma_wait3A_183 = arith.constant 0 : i32
      %dma_wait3A_184 = tpu.memref_slice %arg7[%dma_wait3A_181, %dma_wait3A_182, %dma_wait3A_183] : memref<5x40x128xf32, #tpu.memory_space<vmem>> -> memref<1x40x128xf32, #tpu.memory_space<vmem>>
      %dma_wait3A_185 = tpu.memref_squeeze %dma_wait3A_184 : memref<1x40x128xf32, #tpu.memory_space<vmem>> -> memref<40x128xf32, #tpu.memory_space<vmem>>
      %dma_wait3A_186 = arith.constant 0 : i32
      %dma_wait3A_187 = tpu.memref_slice %arg6[%dma_wait3A_186] : memref<10000xi32, #tpu.memory_space<vmem>> -> memref<40xi32, #tpu.memory_space<vmem>>
      %dma_wait3A_188 = arith.constant 0 : i32
      %dma_wait3A_189 = arith.constant 0 : i32
      %dma_wait3A_190 = tpu.memref_slice %arg8[%dma_wait3A_188, %dma_wait3A_189] : memref<10000x128xf32, #tpu.memory_space<vmem_shared>> -> memref<10000x128xf32, #tpu.memory_space<vmem_shared>>
      tpu.wait_indirect_dma semaphore(%arg10 : memref<!tpu.dma_semaphore, #tpu.memory_space<semaphore_mem>>) src(%dma_wait3A_185 : memref<40x128xf32, #tpu.memory_space<vmem>>) dst(%dma_wait3A_190 : memref<10000x128xf32, #tpu.memory_space<vmem_shared>>)
      %lt3A_191 = arith.constant 246 : i32
      %lt3A_192 = arith.cmpi slt, %add3A_159, %lt3A_191 : i32
      %convert_element_type3A_193 = arith.extui %lt3A_192 : i1 to i32
      %cond3A_194 = arith.constant 0 : i32
      %cond3A_195 = arith.cmpi ne, %convert_element_type3A_193, %cond3A_194 : i32
      scf.if %cond3A_195 {
        %add3A_316 = arith.constant 5 : i32
        %add3A_317 = arith.addi %add3A_159, %add3A_316 : i32
        %sub3A = arith.constant 1 : i32
        %sub3A_318 = arith.subi %add3A_317, %sub3A : i32
        %mul3A_319 = arith.constant 40 : i32
        %mul3A_320 = arith.muli %sub3A_318, %mul3A_319 : i32
        %dma_start3A_321 = arith.constant 0 : i32
        %dma_start3A_322 = arith.constant 0 : i32
        %dma_start3A_323 = arith.constant 0 : i32
        %dma_start3A_324 = tpu.memref_slice %arg7[%dma_start3A_321, %dma_start3A_322, %dma_start3A_323] : memref<5x40x128xf32, #tpu.memory_space<vmem>> -> memref<1x40x128xf32, #tpu.memory_space<vmem>>
        %dma_start3A_325 = tpu.memref_squeeze %dma_start3A_324 : memref<1x40x128xf32, #tpu.memory_space<vmem>> -> memref<40x128xf32, #tpu.memory_space<vmem>>
        %dma_start3A_326 = tpu.memref_slice %arg5[%mul3A_320] : memref<10000xi32, #tpu.memory_space<vmem>> -> memref<40xi32, #tpu.memory_space<vmem>>
        %dma_start3A_327 = arith.constant 0 : i32
        %dma_start3A_328 = arith.constant 0 : i32
        %dma_start3A_329 = tpu.memref_slice %arg2[%dma_start3A_327, %dma_start3A_328] : memref<10000x128xf32, #tpu.memory_space<hbm>> -> memref<10000x128xf32, #tpu.memory_space<hbm>>
        tpu.enqueue_indirect_dma source(%dma_start3A_329 : memref<10000x128xf32, #tpu.memory_space<hbm>>) target(%dma_start3A_325 : memref<40x128xf32, #tpu.memory_space<vmem>>) offsets(%dma_start3A_326 : memref<40xi32, #tpu.memory_space<vmem>>) semaphore(%arg9 : memref<!tpu.dma_semaphore, #tpu.memory_space<semaphore_mem>>)
      } else {
      }
      %mul3A_196 = arith.constant 5 : i32
      %mul3A_197 = arith.muli %mul3A_196, %scan3A_124 : i32
      %add3A_198 = arith.constant 2 : i32
      %add3A_199 = arith.addi %mul3A_197, %add3A_198 : i32
      %dma_wait3A_200 = arith.constant 0 : i32
      %dma_wait3A_201 = arith.constant 0 : i32
      %dma_wait3A_202 = arith.constant 0 : i32
      %dma_wait3A_203 = tpu.memref_slice %arg7[%dma_wait3A_200, %dma_wait3A_201, %dma_wait3A_202] : memref<5x40x128xf32, #tpu.memory_space<vmem>> -> memref<1x40x128xf32, #tpu.memory_space<vmem>>
      %dma_wait3A_204 = tpu.memref_squeeze %dma_wait3A_203 : memref<1x40x128xf32, #tpu.memory_space<vmem>> -> memref<40x128xf32, #tpu.memory_space<vmem>>
      %dma_wait3A_205 = arith.constant 0 : i32
      %dma_wait3A_206 = tpu.memref_slice %arg5[%dma_wait3A_205] : memref<10000xi32, #tpu.memory_space<vmem>> -> memref<40xi32, #tpu.memory_space<vmem>>
      %dma_wait3A_207 = arith.constant 0 : i32
      %dma_wait3A_208 = arith.constant 0 : i32
      %dma_wait3A_209 = tpu.memref_slice %arg2[%dma_wait3A_207, %dma_wait3A_208] : memref<10000x128xf32, #tpu.memory_space<hbm>> -> memref<10000x128xf32, #tpu.memory_space<hbm>>
      tpu.wait_indirect_dma semaphore(%arg9 : memref<!tpu.dma_semaphore, #tpu.memory_space<semaphore_mem>>) src(%dma_wait3A_209 : memref<10000x128xf32, #tpu.memory_space<hbm>>) dst(%dma_wait3A_204 : memref<40x128xf32, #tpu.memory_space<vmem>>)
      %mul3A_210 = arith.constant 40 : i32
      %mul3A_211 = arith.muli %add3A_199, %mul3A_210 : i32
      %dma_start3A_212 = arith.constant 2 : i32
      %dma_start3A_213 = arith.constant 0 : i32
      %dma_start3A_214 = arith.constant 0 : i32
      %dma_start3A_215 = tpu.memref_slice %arg7[%dma_start3A_212, %dma_start3A_213, %dma_start3A_214] : memref<5x40x128xf32, #tpu.memory_space<vmem>> -> memref<1x40x128xf32, #tpu.memory_space<vmem>>
      %dma_start3A_216 = tpu.memref_squeeze %dma_start3A_215 : memref<1x40x128xf32, #tpu.memory_space<vmem>> -> memref<40x128xf32, #tpu.memory_space<vmem>>
      %dma_start3A_217 = tpu.memref_slice %arg6[%mul3A_211] : memref<10000xi32, #tpu.memory_space<vmem>> -> memref<40xi32, #tpu.memory_space<vmem>>
      %dma_start3A_218 = arith.constant 0 : i32
      %dma_start3A_219 = arith.constant 0 : i32
      %dma_start3A_220 = tpu.memref_slice %arg8[%dma_start3A_218, %dma_start3A_219] : memref<10000x128xf32, #tpu.memory_space<vmem_shared>> -> memref<10000x128xf32, #tpu.memory_space<vmem_shared>>
      tpu.enqueue_indirect_dma source(%dma_start3A_216 : memref<40x128xf32, #tpu.memory_space<vmem>>) target(%dma_start3A_220 : memref<10000x128xf32, #tpu.memory_space<vmem_shared>>) offsets(%dma_start3A_217 : memref<40xi32, #tpu.memory_space<vmem>>) semaphore(%arg10 : memref<!tpu.dma_semaphore, #tpu.memory_space<semaphore_mem>>) {add = true}
      %dma_wait3A_221 = arith.constant 0 : i32
      %dma_wait3A_222 = arith.constant 0 : i32
      %dma_wait3A_223 = arith.constant 0 : i32
      %dma_wait3A_224 = tpu.memref_slice %arg7[%dma_wait3A_221, %dma_wait3A_222, %dma_wait3A_223] : memref<5x40x128xf32, #tpu.memory_space<vmem>> -> memref<1x40x128xf32, #tpu.memory_space<vmem>>
      %dma_wait3A_225 = tpu.memref_squeeze %dma_wait3A_224 : memref<1x40x128xf32, #tpu.memory_space<vmem>> -> memref<40x128xf32, #tpu.memory_space<vmem>>
      %dma_wait3A_226 = arith.constant 0 : i32
      %dma_wait3A_227 = tpu.memref_slice %arg6[%dma_wait3A_226] : memref<10000xi32, #tpu.memory_space<vmem>> -> memref<40xi32, #tpu.memory_space<vmem>>
      %dma_wait3A_228 = arith.constant 0 : i32
      %dma_wait3A_229 = arith.constant 0 : i32
      %dma_wait3A_230 = tpu.memref_slice %arg8[%dma_wait3A_228, %dma_wait3A_229] : memref<10000x128xf32, #tpu.memory_space<vmem_shared>> -> memref<10000x128xf32, #tpu.memory_space<vmem_shared>>
      tpu.wait_indirect_dma semaphore(%arg10 : memref<!tpu.dma_semaphore, #tpu.memory_space<semaphore_mem>>) src(%dma_wait3A_225 : memref<40x128xf32, #tpu.memory_space<vmem>>) dst(%dma_wait3A_230 : memref<10000x128xf32, #tpu.memory_space<vmem_shared>>)
      %lt3A_231 = arith.constant 246 : i32
      %lt3A_232 = arith.cmpi slt, %add3A_199, %lt3A_231 : i32
      %convert_element_type3A_233 = arith.extui %lt3A_232 : i1 to i32
      %cond3A_234 = arith.constant 0 : i32
      %cond3A_235 = arith.cmpi ne, %convert_element_type3A_233, %cond3A_234 : i32
      scf.if %cond3A_235 {
        %add3A_316 = arith.constant 5 : i32
        %add3A_317 = arith.addi %add3A_199, %add3A_316 : i32
        %sub3A = arith.constant 1 : i32
        %sub3A_318 = arith.subi %add3A_317, %sub3A : i32
        %mul3A_319 = arith.constant 40 : i32
        %mul3A_320 = arith.muli %sub3A_318, %mul3A_319 : i32
        %dma_start3A_321 = arith.constant 1 : i32
        %dma_start3A_322 = arith.constant 0 : i32
        %dma_start3A_323 = arith.constant 0 : i32
        %dma_start3A_324 = tpu.memref_slice %arg7[%dma_start3A_321, %dma_start3A_322, %dma_start3A_323] : memref<5x40x128xf32, #tpu.memory_space<vmem>> -> memref<1x40x128xf32, #tpu.memory_space<vmem>>
        %dma_start3A_325 = tpu.memref_squeeze %dma_start3A_324 : memref<1x40x128xf32, #tpu.memory_space<vmem>> -> memref<40x128xf32, #tpu.memory_space<vmem>>
        %dma_start3A_326 = tpu.memref_slice %arg5[%mul3A_320] : memref<10000xi32, #tpu.memory_space<vmem>> -> memref<40xi32, #tpu.memory_space<vmem>>
        %dma_start3A_327 = arith.constant 0 : i32
        %dma_start3A_328 = arith.constant 0 : i32
        %dma_start3A_329 = tpu.memref_slice %arg2[%dma_start3A_327, %dma_start3A_328] : memref<10000x128xf32, #tpu.memory_space<hbm>> -> memref<10000x128xf32, #tpu.memory_space<hbm>>
        tpu.enqueue_indirect_dma source(%dma_start3A_329 : memref<10000x128xf32, #tpu.memory_space<hbm>>) target(%dma_start3A_325 : memref<40x128xf32, #tpu.memory_space<vmem>>) offsets(%dma_start3A_326 : memref<40xi32, #tpu.memory_space<vmem>>) semaphore(%arg9 : memref<!tpu.dma_semaphore, #tpu.memory_space<semaphore_mem>>)
      } else {
      }
      %mul3A_236 = arith.constant 5 : i32
      %mul3A_237 = arith.muli %mul3A_236, %scan3A_124 : i32
      %add3A_238 = arith.constant 3 : i32
      %add3A_239 = arith.addi %mul3A_237, %add3A_238 : i32
      %dma_wait3A_240 = arith.constant 0 : i32
      %dma_wait3A_241 = arith.constant 0 : i32
      %dma_wait3A_242 = arith.constant 0 : i32
      %dma_wait3A_243 = tpu.memref_slice %arg7[%dma_wait3A_240, %dma_wait3A_241, %dma_wait3A_242] : memref<5x40x128xf32, #tpu.memory_space<vmem>> -> memref<1x40x128xf32, #tpu.memory_space<vmem>>
      %dma_wait3A_244 = tpu.memref_squeeze %dma_wait3A_243 : memref<1x40x128xf32, #tpu.memory_space<vmem>> -> memref<40x128xf32, #tpu.memory_space<vmem>>
      %dma_wait3A_245 = arith.constant 0 : i32
      %dma_wait3A_246 = tpu.memref_slice %arg5[%dma_wait3A_245] : memref<10000xi32, #tpu.memory_space<vmem>> -> memref<40xi32, #tpu.memory_space<vmem>>
      %dma_wait3A_247 = arith.constant 0 : i32
      %dma_wait3A_248 = arith.constant 0 : i32
      %dma_wait3A_249 = tpu.memref_slice %arg2[%dma_wait3A_247, %dma_wait3A_248] : memref<10000x128xf32, #tpu.memory_space<hbm>> -> memref<10000x128xf32, #tpu.memory_space<hbm>>
      tpu.wait_indirect_dma semaphore(%arg9 : memref<!tpu.dma_semaphore, #tpu.memory_space<semaphore_mem>>) src(%dma_wait3A_249 : memref<10000x128xf32, #tpu.memory_space<hbm>>) dst(%dma_wait3A_244 : memref<40x128xf32, #tpu.memory_space<vmem>>)
      %mul3A_250 = arith.constant 40 : i32
      %mul3A_251 = arith.muli %add3A_239, %mul3A_250 : i32
      %dma_start3A_252 = arith.constant 3 : i32
      %dma_start3A_253 = arith.constant 0 : i32
      %dma_start3A_254 = arith.constant 0 : i32
      %dma_start3A_255 = tpu.memref_slice %arg7[%dma_start3A_252, %dma_start3A_253, %dma_start3A_254] : memref<5x40x128xf32, #tpu.memory_space<vmem>> -> memref<1x40x128xf32, #tpu.memory_space<vmem>>
      %dma_start3A_256 = tpu.memref_squeeze %dma_start3A_255 : memref<1x40x128xf32, #tpu.memory_space<vmem>> -> memref<40x128xf32, #tpu.memory_space<vmem>>
      %dma_start3A_257 = tpu.memref_slice %arg6[%mul3A_251] : memref<10000xi32, #tpu.memory_space<vmem>> -> memref<40xi32, #tpu.memory_space<vmem>>
      %dma_start3A_258 = arith.constant 0 : i32
      %dma_start3A_259 = arith.constant 0 : i32
      %dma_start3A_260 = tpu.memref_slice %arg8[%dma_start3A_258, %dma_start3A_259] : memref<10000x128xf32, #tpu.memory_space<vmem_shared>> -> memref<10000x128xf32, #tpu.memory_space<vmem_shared>>
      tpu.enqueue_indirect_dma source(%dma_start3A_256 : memref<40x128xf32, #tpu.memory_space<vmem>>) target(%dma_start3A_260 : memref<10000x128xf32, #tpu.memory_space<vmem_shared>>) offsets(%dma_start3A_257 : memref<40xi32, #tpu.memory_space<vmem>>) semaphore(%arg10 : memref<!tpu.dma_semaphore, #tpu.memory_space<semaphore_mem>>) {add = true}
      %dma_wait3A_261 = arith.constant 0 : i32
      %dma_wait3A_262 = arith.constant 0 : i32
      %dma_wait3A_263 = arith.constant 0 : i32
      %dma_wait3A_264 = tpu.memref_slice %arg7[%dma_wait3A_261, %dma_wait3A_262, %dma_wait3A_263] : memref<5x40x128xf32, #tpu.memory_space<vmem>> -> memref<1x40x128xf32, #tpu.memory_space<vmem>>
      %dma_wait3A_265 = tpu.memref_squeeze %dma_wait3A_264 : memref<1x40x128xf32, #tpu.memory_space<vmem>> -> memref<40x128xf32, #tpu.memory_space<vmem>>
      %dma_wait3A_266 = arith.constant 0 : i32
      %dma_wait3A_267 = tpu.memref_slice %arg6[%dma_wait3A_266] : memref<10000xi32, #tpu.memory_space<vmem>> -> memref<40xi32, #tpu.memory_space<vmem>>
      %dma_wait3A_268 = arith.constant 0 : i32
      %dma_wait3A_269 = arith.constant 0 : i32
      %dma_wait3A_270 = tpu.memref_slice %arg8[%dma_wait3A_268, %dma_wait3A_269] : memref<10000x128xf32, #tpu.memory_space<vmem_shared>> -> memref<10000x128xf32, #tpu.memory_space<vmem_shared>>
      tpu.wait_indirect_dma semaphore(%arg10 : memref<!tpu.dma_semaphore, #tpu.memory_space<semaphore_mem>>) src(%dma_wait3A_265 : memref<40x128xf32, #tpu.memory_space<vmem>>) dst(%dma_wait3A_270 : memref<10000x128xf32, #tpu.memory_space<vmem_shared>>)
      %lt3A_271 = arith.constant 246 : i32
      %lt3A_272 = arith.cmpi slt, %add3A_239, %lt3A_271 : i32
      %convert_element_type3A_273 = arith.extui %lt3A_272 : i1 to i32
      %cond3A_274 = arith.constant 0 : i32
      %cond3A_275 = arith.cmpi ne, %convert_element_type3A_273, %cond3A_274 : i32
      scf.if %cond3A_275 {
        %add3A_316 = arith.constant 5 : i32
        %add3A_317 = arith.addi %add3A_239, %add3A_316 : i32
        %sub3A = arith.constant 1 : i32
        %sub3A_318 = arith.subi %add3A_317, %sub3A : i32
        %mul3A_319 = arith.constant 40 : i32
        %mul3A_320 = arith.muli %sub3A_318, %mul3A_319 : i32
        %dma_start3A_321 = arith.constant 2 : i32
        %dma_start3A_322 = arith.constant 0 : i32
        %dma_start3A_323 = arith.constant 0 : i32
        %dma_start3A_324 = tpu.memref_slice %arg7[%dma_start3A_321, %dma_start3A_322, %dma_start3A_323] : memref<5x40x128xf32, #tpu.memory_space<vmem>> -> memref<1x40x128xf32, #tpu.memory_space<vmem>>
        %dma_start3A_325 = tpu.memref_squeeze %dma_start3A_324 : memref<1x40x128xf32, #tpu.memory_space<vmem>> -> memref<40x128xf32, #tpu.memory_space<vmem>>
        %dma_start3A_326 = tpu.memref_slice %arg5[%mul3A_320] : memref<10000xi32, #tpu.memory_space<vmem>> -> memref<40xi32, #tpu.memory_space<vmem>>
        %dma_start3A_327 = arith.constant 0 : i32
        %dma_start3A_328 = arith.constant 0 : i32
        %dma_start3A_329 = tpu.memref_slice %arg2[%dma_start3A_327, %dma_start3A_328] : memref<10000x128xf32, #tpu.memory_space<hbm>> -> memref<10000x128xf32, #tpu.memory_space<hbm>>
        tpu.enqueue_indirect_dma source(%dma_start3A_329 : memref<10000x128xf32, #tpu.memory_space<hbm>>) target(%dma_start3A_325 : memref<40x128xf32, #tpu.memory_space<vmem>>) offsets(%dma_start3A_326 : memref<40xi32, #tpu.memory_space<vmem>>) semaphore(%arg9 : memref<!tpu.dma_semaphore, #tpu.memory_space<semaphore_mem>>)
      } else {
      }
      %mul3A_276 = arith.constant 5 : i32
      %mul3A_277 = arith.muli %mul3A_276, %scan3A_124 : i32
      %add3A_278 = arith.constant 4 : i32
      %add3A_279 = arith.addi %mul3A_277, %add3A_278 : i32
      %dma_wait3A_280 = arith.constant 0 : i32
      %dma_wait3A_281 = arith.constant 0 : i32
      %dma_wait3A_282 = arith.constant 0 : i32
      %dma_wait3A_283 = tpu.memref_slice %arg7[%dma_wait3A_280, %dma_wait3A_281, %dma_wait3A_282] : memref<5x40x128xf32, #tpu.memory_space<vmem>> -> memref<1x40x128xf32, #tpu.memory_space<vmem>>
      %dma_wait3A_284 = tpu.memref_squeeze %dma_wait3A_283 : memref<1x40x128xf32, #tpu.memory_space<vmem>> -> memref<40x128xf32, #tpu.memory_space<vmem>>
      %dma_wait3A_285 = arith.constant 0 : i32
      %dma_wait3A_286 = tpu.memref_slice %arg5[%dma_wait3A_285] : memref<10000xi32, #tpu.memory_space<vmem>> -> memref<40xi32, #tpu.memory_space<vmem>>
      %dma_wait3A_287 = arith.constant 0 : i32
      %dma_wait3A_288 = arith.constant 0 : i32
      %dma_wait3A_289 = tpu.memref_slice %arg2[%dma_wait3A_287, %dma_wait3A_288] : memref<10000x128xf32, #tpu.memory_space<hbm>> -> memref<10000x128xf32, #tpu.memory_space<hbm>>
      tpu.wait_indirect_dma semaphore(%arg9 : memref<!tpu.dma_semaphore, #tpu.memory_space<semaphore_mem>>) src(%dma_wait3A_289 : memref<10000x128xf32, #tpu.memory_space<hbm>>) dst(%dma_wait3A_284 : memref<40x128xf32, #tpu.memory_space<vmem>>)
      %mul3A_290 = arith.constant 40 : i32
      %mul3A_291 = arith.muli %add3A_279, %mul3A_290 : i32
      %dma_start3A_292 = arith.constant 4 : i32
      %dma_start3A_293 = arith.constant 0 : i32
      %dma_start3A_294 = arith.constant 0 : i32
      %dma_start3A_295 = tpu.memref_slice %arg7[%dma_start3A_292, %dma_start3A_293, %dma_start3A_294] : memref<5x40x128xf32, #tpu.memory_space<vmem>> -> memref<1x40x128xf32, #tpu.memory_space<vmem>>
      %dma_start3A_296 = tpu.memref_squeeze %dma_start3A_295 : memref<1x40x128xf32, #tpu.memory_space<vmem>> -> memref<40x128xf32, #tpu.memory_space<vmem>>
      %dma_start3A_297 = tpu.memref_slice %arg6[%mul3A_291] : memref<10000xi32, #tpu.memory_space<vmem>> -> memref<40xi32, #tpu.memory_space<vmem>>
      %dma_start3A_298 = arith.constant 0 : i32
      %dma_start3A_299 = arith.constant 0 : i32
      %dma_start3A_300 = tpu.memref_slice %arg8[%dma_start3A_298, %dma_start3A_299] : memref<10000x128xf32, #tpu.memory_space<vmem_shared>> -> memref<10000x128xf32, #tpu.memory_space<vmem_shared>>
      tpu.enqueue_indirect_dma source(%dma_start3A_296 : memref<40x128xf32, #tpu.memory_space<vmem>>) target(%dma_start3A_300 : memref<10000x128xf32, #tpu.memory_space<vmem_shared>>) offsets(%dma_start3A_297 : memref<40xi32, #tpu.memory_space<vmem>>) semaphore(%arg10 : memref<!tpu.dma_semaphore, #tpu.memory_space<semaphore_mem>>) {add = true}
      %dma_wait3A_301 = arith.constant 0 : i32
      %dma_wait3A_302 = arith.constant 0 : i32
      %dma_wait3A_303 = arith.constant 0 : i32
      %dma_wait3A_304 = tpu.memref_slice %arg7[%dma_wait3A_301, %dma_wait3A_302, %dma_wait3A_303] : memref<5x40x128xf32, #tpu.memory_space<vmem>> -> memref<1x40x128xf32, #tpu.memory_space<vmem>>
      %dma_wait3A_305 = tpu.memref_squeeze %dma_wait3A_304 : memref<1x40x128xf32, #tpu.memory_space<vmem>> -> memref<40x128xf32, #tpu.memory_space<vmem>>
      %dma_wait3A_306 = arith.constant 0 : i32
      %dma_wait3A_307 = tpu.memref_slice %arg6[%dma_wait3A_306] : memref<10000xi32, #tpu.memory_space<vmem>> -> memref<40xi32, #tpu.memory_space<vmem>>
      %dma_wait3A_308 = arith.constant 0 : i32
      %dma_wait3A_309 = arith.constant 0 : i32
      %dma_wait3A_310 = tpu.memref_slice %arg8[%dma_wait3A_308, %dma_wait3A_309] : memref<10000x128xf32, #tpu.memory_space<vmem_shared>> -> memref<10000x128xf32, #tpu.memory_space<vmem_shared>>
      tpu.wait_indirect_dma semaphore(%arg10 : memref<!tpu.dma_semaphore, #tpu.memory_space<semaphore_mem>>) src(%dma_wait3A_305 : memref<40x128xf32, #tpu.memory_space<vmem>>) dst(%dma_wait3A_310 : memref<10000x128xf32, #tpu.memory_space<vmem_shared>>)
      %lt3A_311 = arith.constant 246 : i32
      %lt3A_312 = arith.cmpi slt, %add3A_279, %lt3A_311 : i32
      %convert_element_type3A_313 = arith.extui %lt3A_312 : i1 to i32
      %cond3A_314 = arith.constant 0 : i32
      %cond3A_315 = arith.cmpi ne, %convert_element_type3A_313, %cond3A_314 : i32
      scf.if %cond3A_315 {
        %add3A_316 = arith.constant 5 : i32
        %add3A_317 = arith.addi %add3A_279, %add3A_316 : i32
        %sub3A = arith.constant 1 : i32
        %sub3A_318 = arith.subi %add3A_317, %sub3A : i32
        %mul3A_319 = arith.constant 40 : i32
        %mul3A_320 = arith.muli %sub3A_318, %mul3A_319 : i32
        %dma_start3A_321 = arith.constant 3 : i32
        %dma_start3A_322 = arith.constant 0 : i32
        %dma_start3A_323 = arith.constant 0 : i32
        %dma_start3A_324 = tpu.memref_slice %arg7[%dma_start3A_321, %dma_start3A_322, %dma_start3A_323] : memref<5x40x128xf32, #tpu.memory_space<vmem>> -> memref<1x40x128xf32, #tpu.memory_space<vmem>>
        %dma_start3A_325 = tpu.memref_squeeze %dma_start3A_324 : memref<1x40x128xf32, #tpu.memory_space<vmem>> -> memref<40x128xf32, #tpu.memory_space<vmem>>
        %dma_start3A_326 = tpu.memref_slice %arg5[%mul3A_320] : memref<10000xi32, #tpu.memory_space<vmem>> -> memref<40xi32, #tpu.memory_space<vmem>>
        %dma_start3A_327 = arith.constant 0 : i32
        %dma_start3A_328 = arith.constant 0 : i32
        %dma_start3A_329 = tpu.memref_slice %arg2[%dma_start3A_327, %dma_start3A_328] : memref<10000x128xf32, #tpu.memory_space<hbm>> -> memref<10000x128xf32, #tpu.memory_space<hbm>>
        tpu.enqueue_indirect_dma source(%dma_start3A_329 : memref<10000x128xf32, #tpu.memory_space<hbm>>) target(%dma_start3A_325 : memref<40x128xf32, #tpu.memory_space<vmem>>) offsets(%dma_start3A_326 : memref<40xi32, #tpu.memory_space<vmem>>) semaphore(%arg9 : memref<!tpu.dma_semaphore, #tpu.memory_space<semaphore_mem>>)
      } else {
      }
    }
    %scan3A_110 = arith.constant 50 : i32
    %dma_wait3A = arith.constant 0 : i32
    %dma_wait3A_111 = arith.constant 0 : i32
    %dma_wait3A_112 = arith.constant 0 : i32
    %dma_wait3A_113 = tpu.memref_slice %arg7[%dma_wait3A, %dma_wait3A_111, %dma_wait3A_112] : memref<5x40x128xf32, #tpu.memory_space<vmem>> -> memref<1x40x128xf32, #tpu.memory_space<vmem>>
    %dma_wait3A_114 = tpu.memref_squeeze %dma_wait3A_113 : memref<1x40x128xf32, #tpu.memory_space<vmem>> -> memref<40x128xf32, #tpu.memory_space<vmem>>
    %dma_wait3A_115 = arith.constant 0 : i32
    %dma_wait3A_116 = tpu.memref_slice %arg6[%dma_wait3A_115] : memref<10000xi32, #tpu.memory_space<vmem>> -> memref<40xi32, #tpu.memory_space<vmem>>
    %dma_wait3A_117 = arith.constant 0 : i32
    %dma_wait3A_118 = arith.constant 0 : i32
    %dma_wait3A_119 = tpu.memref_slice %arg8[%dma_wait3A_117, %dma_wait3A_118] : memref<10000x128xf32, #tpu.memory_space<vmem_shared>> -> memref<10000x128xf32, #tpu.memory_space<vmem_shared>>
    tpu.wait_indirect_dma semaphore(%arg10 : memref<!tpu.dma_semaphore, #tpu.memory_space<semaphore_mem>>) src(%dma_wait3A_114 : memref<40x128xf32, #tpu.memory_space<vmem>>) dst(%dma_wait3A_119 : memref<10000x128xf32, #tpu.memory_space<vmem_shared>>)
    %scan3A_120 = arith.constant 1 : i32
    %barrier3A_121 = arith.constant 0 : index
    tpu.barrier barrier_id(%barrier3A_121)
    %mul3A_122 = arith.constant 625 : i32
    %mul3A_123 = arith.muli %arg1, %mul3A_122 : i32
    "tpu.region"() ({
      %run_scoped3A_124 = tpu.sem_alloc : memref<!tpu.dma_semaphore, #tpu.memory_space<semaphore_mem>>
      %dma_start3A_125 = arith.constant 0 : i32
      %dma_start3A_126 = tpu.memref_slice %arg4[%arg0, %mul3A_123, %dma_start3A_125] : memref<2x10000x128xf32, #tpu.memory_space<hbm>> -> memref<1x625x128xf32, #tpu.memory_space<hbm>>
      %dma_start3A_127 = tpu.memref_squeeze %dma_start3A_126 : memref<1x625x128xf32, #tpu.memory_space<hbm>> -> memref<625x128xf32, #tpu.memory_space<hbm>>
      %dma_start3A_128 = arith.constant 0 : i32
      %dma_start3A_129 = tpu.memref_slice %arg8[%mul3A_123, %dma_start3A_128] : memref<10000x128xf32, #tpu.memory_space<vmem_shared>> -> memref<625x128xf32, #tpu.memory_space<vmem_shared>>
      tpu.enqueue_dma source(%dma_start3A_129 : memref<625x128xf32, #tpu.memory_space<vmem_shared>>) target(%dma_start3A_127 : memref<625x128xf32, #tpu.memory_space<hbm>>) target_semaphore(%run_scoped3A_124 : memref<!tpu.dma_semaphore, #tpu.memory_space<semaphore_mem>>)
      %dma_wait3A_130 = arith.constant 0 : i32
      %dma_wait3A_131 = tpu.memref_slice %arg4[%arg0, %mul3A_123, %dma_wait3A_130] : memref<2x10000x128xf32, #tpu.memory_space<hbm>> -> memref<1x625x128xf32, #tpu.memory_space<hbm>>
      %dma_wait3A_132 = tpu.memref_squeeze %dma_wait3A_131 : memref<1x625x128xf32, #tpu.memory_space<hbm>> -> memref<625x128xf32, #tpu.memory_space<hbm>>
      %dma_wait3A_133 = arith.constant 0 : i32
      %dma_wait3A_134 = tpu.memref_slice %arg8[%mul3A_123, %dma_wait3A_133] : memref<10000x128xf32, #tpu.memory_space<vmem_shared>> -> memref<625x128xf32, #tpu.memory_space<vmem_shared>>
      tpu.wait_dma2 semaphore(%run_scoped3A_124 : memref<!tpu.dma_semaphore, #tpu.memory_space<semaphore_mem>>) src(%dma_wait3A_134 : memref<625x128xf32, #tpu.memory_space<vmem_shared>>) dst(%dma_wait3A_132 : memref<625x128xf32, #tpu.memory_space<hbm>>)
      tpu.yield
    }) : () -> ()
    return
  }
}

#map = affine_map<(d0, d1) -> (0, 0)>
#map1 = affine_map<(d0, d1) -> (0, 0, 0)>
module attributes {stable_mosaic.version = 14 : i64} {
  func.func @prop_kernel(%arg0: i32, %arg1: i32, %arg2: memref<10000x16xf32, #tpu.memory_space<hbm>>, %arg3: memref<2x320000xi32, #tpu.memory_space<hbm>>, %arg4: memref<2x10000x16xf32, #tpu.memory_space<hbm>>, %arg5: memref<10000xi32, #tpu.memory_space<vmem>>, %arg6: memref<10000xi32, #tpu.memory_space<vmem>>, %arg7: memref<5x400x16xf32, #tpu.memory_space<vmem>>, %arg8: memref<10000x16xf32, #tpu.memory_space<vmem_shared>>, %arg9: memref<!tpu.dma_semaphore, #tpu.memory_space<semaphore_mem>>, %arg10: memref<!tpu.dma_semaphore, #tpu.memory_space<semaphore_mem>>) attributes {dimension_semantics = [#tpu.dimension_semantics<core_parallel>, #tpu.dimension_semantics<subcore_parallel>], iteration_bounds = array<i64: 2, 16>, scalar_prefetch = 0 : i64, scratch_operands = 6 : i64, tpu.core_type = #tpu.core_type<sc_vector_subcore>, window_params = [{transform_indices = #map}, {transform_indices = #map}, {transform_indices = #map1}]} {
    %mul3A = arith.constant 16 : i32
    %mul3A_0 = arith.muli %arg0, %mul3A : i32
    %add3A = arith.addi %mul3A_0, %arg1 : i32
    %broadcast_in_dim3A = arith.constant 0.000000e+00 : f32
    %broadcast_in_dim3A_1 = vector.broadcast %broadcast_in_dim3A : f32 to vector<16xf32>
    %scan3A = arith.constant 0 : i32
    %scan3A_2 = arith.constant 0 : i32
    %scan3A_3 = arith.constant 0 : i32
    %scan3A_4 = arith.constant 400 : i32
    %scan3A_5 = arith.addi %scan3A_3, %scan3A_4 : i32
    %scan3A_6 = arith.constant 1 : i32
    scf.for %scan3A_82 = %scan3A_3 to %scan3A_5 step %scan3A_6  : i32 {
      %jit3A = arith.constant 1 : i32
      %div3A = arith.divsi %scan3A_82, %jit3A : i32
      %sign3A = arith.constant 0 : i32
      %sign3A_83 = arith.cmpi sgt, %scan3A_82, %sign3A : i32
      %sign3A_84 = arith.extui %sign3A_83 : i1 to i32
      %sign3A_85 = arith.constant 0 : i32
      %sign3A_86 = arith.cmpi slt, %scan3A_82, %sign3A_85 : i32
      %sign3A_87 = arith.extui %sign3A_86 : i1 to i32
      %sign3A_88 = arith.subi %sign3A_84, %sign3A_87 : i32
      %sign3A_89 = arith.constant 0 : i32
      %sign3A_90 = arith.cmpi sgt, %jit3A, %sign3A_89 : i32
      %sign3A_91 = arith.extui %sign3A_90 : i1 to i32
      %sign3A_92 = arith.constant 0 : i32
      %sign3A_93 = arith.cmpi slt, %jit3A, %sign3A_92 : i32
      %sign3A_94 = arith.extui %sign3A_93 : i1 to i32
      %sign3A_95 = arith.subi %sign3A_91, %sign3A_94 : i32
      %ne3A = arith.cmpi ne, %sign3A_88, %sign3A_95 : i32
      %rem3A = arith.remsi %scan3A_82, %jit3A : i32
      %ne3A_96 = arith.constant 0 : i32
      %ne3A_97 = arith.cmpi ne, %rem3A, %ne3A_96 : i32
      %and3A = arith.andi %ne3A, %ne3A_97 : i1
      %sub3A = arith.constant 1 : i32
      %sub3A_98 = arith.subi %div3A, %sub3A : i32
      %select_n3A = arith.select %and3A, %sub3A_98, %div3A : i32
      %mul3A_99 = arith.constant 1 : i32
      %mul3A_100 = arith.muli %select_n3A, %mul3A_99 : i32
      %sub3A_101 = arith.subi %scan3A_82, %mul3A_100 : i32
      %mul3A_102 = arith.constant 16 : i32
      %mul3A_103 = arith.muli %sub3A_101, %mul3A_102 : i32
      %swap3A = arith.constant 0 : i32
      %swap3A_104 = arith.constant 0 : i32
      %swap3A_105 = tpu.memref_slice %arg7[%scan3A_2, %swap3A, %swap3A_104] : memref<5x400x16xf32, #tpu.memory_space<vmem>> -> memref<1x400x16xf32, #tpu.memory_space<vmem>>
      %swap3A_106 = tpu.memref_squeeze %swap3A_105 : memref<1x400x16xf32, #tpu.memory_space<vmem>> -> memref<400x16xf32, #tpu.memory_space<vmem>>
      %swap3A_107 = arith.index_cast %select_n3A : i32 to index
      %swap3A_108 = arith.index_cast %mul3A_103 : i32 to index
      %swap3A_109 = tpu.vector_load %swap3A_106[%swap3A_107, %swap3A_108] {strides = array<i32>} : memref<400x16xf32, #tpu.memory_space<vmem>>, vector<1x16xf32>,
      %swap3A_110 = vector.shape_cast %swap3A_109 : vector<1x16xf32> to vector<16xf32>
      %swap3A_111 = vector.shape_cast %broadcast_in_dim3A_1 : vector<16xf32> to vector<1x16xf32>
      tpu.vector_store %swap3A_106[%swap3A_107, %swap3A_108], %swap3A_111 {strides = array<i32>} : memref<400x16xf32, #tpu.memory_space<vmem>>, vector<1x16xf32>,
    }
    %scan3A_7 = arith.constant 400 : i32
    %mul3A_8 = arith.constant 625 : i32
    %mul3A_9 = arith.muli %arg1, %mul3A_8 : i32
    %add3A_10 = arith.constant 0 : i32
    %add3A_11 = arith.addi %mul3A_9, %add3A_10 : i32
    %run_scoped3A = arith.constant 0 : i32
    "tpu.region"() ({
      %run_scoped3A_82 = tpu.sem_alloc : memref<!tpu.dma_semaphore, #tpu.memory_space<semaphore_mem>>
      %dma_start3A_83 = arith.constant 0 : i32
      %dma_start3A_84 = arith.constant 0 : i32
      %dma_start3A_85 = tpu.memref_slice %arg7[%run_scoped3A, %dma_start3A_83, %dma_start3A_84] : memref<5x400x16xf32, #tpu.memory_space<vmem>> -> memref<1x400x16xf32, #tpu.memory_space<vmem>>
      %dma_start3A_86 = tpu.memref_squeeze %dma_start3A_85 : memref<1x400x16xf32, #tpu.memory_space<vmem>> -> memref<400x16xf32, #tpu.memory_space<vmem>>
      %dma_start3A_87 = arith.constant 0 : i32
      %dma_start3A_88 = tpu.memref_slice %arg8[%add3A_11, %dma_start3A_87] : memref<10000x16xf32, #tpu.memory_space<vmem_shared>> -> memref<400x16xf32, #tpu.memory_space<vmem_shared>>
      %dma_start3A_89 = arith.constant 0 : i32
      %dma_start3A_90 = tpu.memref_slice %arg8[%add3A_11, %dma_start3A_89] : memref<10000x16xf32, #tpu.memory_space<vmem_shared>> -> memref<400x16xf32, #tpu.memory_space<vmem_shared>>
      %dma_start3A_91 = arith.constant 0 : i32
      %dma_start3A_92 = arith.constant 0 : i32
      %dma_start3A_93 = tpu.memref_slice %arg7[%run_scoped3A, %dma_start3A_91, %dma_start3A_92] : memref<5x400x16xf32, #tpu.memory_space<vmem>> -> memref<1x400x16xf32, #tpu.memory_space<vmem>>
      %dma_start3A_94 = tpu.memref_squeeze %dma_start3A_93 : memref<1x400x16xf32, #tpu.memory_space<vmem>> -> memref<400x16xf32, #tpu.memory_space<vmem>>
      tpu.enqueue_dma source(%dma_start3A_94 : memref<400x16xf32, #tpu.memory_space<vmem>>) target(%dma_start3A_90 : memref<400x16xf32, #tpu.memory_space<vmem_shared>>) target_semaphore(%run_scoped3A_82 : memref<!tpu.dma_semaphore, #tpu.memory_space<semaphore_mem>>)
      %dma_wait3A_95 = arith.constant 0 : i32
      %dma_wait3A_96 = arith.constant 0 : i32
      %dma_wait3A_97 = tpu.memref_slice %arg7[%run_scoped3A, %dma_wait3A_95, %dma_wait3A_96] : memref<5x400x16xf32, #tpu.memory_space<vmem>> -> memref<1x400x16xf32, #tpu.memory_space<vmem>>
      %dma_wait3A_98 = tpu.memref_squeeze %dma_wait3A_97 : memref<1x400x16xf32, #tpu.memory_space<vmem>> -> memref<400x16xf32, #tpu.memory_space<vmem>>
      %dma_wait3A_99 = arith.constant 0 : i32
      %dma_wait3A_100 = tpu.memref_slice %arg8[%add3A_11, %dma_wait3A_99] : memref<10000x16xf32, #tpu.memory_space<vmem_shared>> -> memref<400x16xf32, #tpu.memory_space<vmem_shared>>
      %dma_wait3A_101 = arith.constant 0 : i32
      %dma_wait3A_102 = tpu.memref_slice %arg8[%add3A_11, %dma_wait3A_101] : memref<10000x16xf32, #tpu.memory_space<vmem_shared>> -> memref<400x16xf32, #tpu.memory_space<vmem_shared>>
      %dma_wait3A_103 = arith.constant 0 : i32
      %dma_wait3A_104 = arith.constant 0 : i32
      %dma_wait3A_105 = tpu.memref_slice %arg7[%run_scoped3A, %dma_wait3A_103, %dma_wait3A_104] : memref<5x400x16xf32, #tpu.memory_space<vmem>> -> memref<1x400x16xf32, #tpu.memory_space<vmem>>
      %dma_wait3A_106 = tpu.memref_squeeze %dma_wait3A_105 : memref<1x400x16xf32, #tpu.memory_space<vmem>> -> memref<400x16xf32, #tpu.memory_space<vmem>>
      tpu.wait_dma2 semaphore(%run_scoped3A_82 : memref<!tpu.dma_semaphore, #tpu.memory_space<semaphore_mem>>) src(%dma_wait3A_106 : memref<400x16xf32, #tpu.memory_space<vmem>>) dst(%dma_wait3A_102 : memref<400x16xf32, #tpu.memory_space<vmem_shared>>)
      tpu.yield
    }) : () -> ()
    %add3A_12 = arith.constant 400 : i32
    %add3A_13 = arith.addi %mul3A_9, %add3A_12 : i32
    %run_scoped3A_14 = arith.constant 0 : i32
    "tpu.region"() ({
      %run_scoped3A_82 = tpu.sem_alloc : memref<!tpu.dma_semaphore, #tpu.memory_space<semaphore_mem>>
      %dma_start3A_83 = arith.constant 0 : i32
      %dma_start3A_84 = arith.constant 0 : i32
      %dma_start3A_85 = tpu.memref_slice %arg7[%run_scoped3A_14, %dma_start3A_83, %dma_start3A_84] : memref<5x400x16xf32, #tpu.memory_space<vmem>> -> memref<1x400x16xf32, #tpu.memory_space<vmem>>
      %dma_start3A_86 = tpu.memref_squeeze %dma_start3A_85 : memref<1x400x16xf32, #tpu.memory_space<vmem>> -> memref<400x16xf32, #tpu.memory_space<vmem>>
      %dma_start3A_87 = arith.constant 0 : i32
      %dma_start3A_88 = arith.constant 0 : i32
      %dma_start3A_89 = tpu.memref_slice %dma_start3A_86[%dma_start3A_87, %dma_start3A_88] : memref<400x16xf32, #tpu.memory_space<vmem>> -> memref<225x16xf32, #tpu.memory_space<vmem>>
      %dma_start3A_90 = arith.constant 0 : i32
      %dma_start3A_91 = tpu.memref_slice %arg8[%add3A_13, %dma_start3A_90] : memref<10000x16xf32, #tpu.memory_space<vmem_shared>> -> memref<225x16xf32, #tpu.memory_space<vmem_shared>>
      %dma_start3A_92 = arith.constant 0 : i32
      %dma_start3A_93 = tpu.memref_slice %arg8[%add3A_13, %dma_start3A_92] : memref<10000x16xf32, #tpu.memory_space<vmem_shared>> -> memref<225x16xf32, #tpu.memory_space<vmem_shared>>
      %dma_start3A_94 = arith.constant 0 : i32
      %dma_start3A_95 = arith.constant 0 : i32
      %dma_start3A_96 = tpu.memref_slice %arg7[%run_scoped3A_14, %dma_start3A_94, %dma_start3A_95] : memref<5x400x16xf32, #tpu.memory_space<vmem>> -> memref<1x400x16xf32, #tpu.memory_space<vmem>>
      %dma_start3A_97 = tpu.memref_squeeze %dma_start3A_96 : memref<1x400x16xf32, #tpu.memory_space<vmem>> -> memref<400x16xf32, #tpu.memory_space<vmem>>
      %dma_start3A_98 = arith.constant 0 : i32
      %dma_start3A_99 = arith.constant 0 : i32
      %dma_start3A_100 = tpu.memref_slice %dma_start3A_97[%dma_start3A_98, %dma_start3A_99] : memref<400x16xf32, #tpu.memory_space<vmem>> -> memref<225x16xf32, #tpu.memory_space<vmem>>
      tpu.enqueue_dma source(%dma_start3A_100 : memref<225x16xf32, #tpu.memory_space<vmem>>) target(%dma_start3A_93 : memref<225x16xf32, #tpu.memory_space<vmem_shared>>) target_semaphore(%run_scoped3A_82 : memref<!tpu.dma_semaphore, #tpu.memory_space<semaphore_mem>>)
      %dma_wait3A_101 = arith.constant 0 : i32
      %dma_wait3A_102 = arith.constant 0 : i32
      %dma_wait3A_103 = tpu.memref_slice %arg7[%run_scoped3A_14, %dma_wait3A_101, %dma_wait3A_102] : memref<5x400x16xf32, #tpu.memory_space<vmem>> -> memref<1x400x16xf32, #tpu.memory_space<vmem>>
      %dma_wait3A_104 = tpu.memref_squeeze %dma_wait3A_103 : memref<1x400x16xf32, #tpu.memory_space<vmem>> -> memref<400x16xf32, #tpu.memory_space<vmem>>
      %dma_wait3A_105 = arith.constant 0 : i32
      %dma_wait3A_106 = arith.constant 0 : i32
      %dma_wait3A_107 = tpu.memref_slice %dma_wait3A_104[%dma_wait3A_105, %dma_wait3A_106] : memref<400x16xf32, #tpu.memory_space<vmem>> -> memref<225x16xf32, #tpu.memory_space<vmem>>
      %dma_wait3A_108 = arith.constant 0 : i32
      %dma_wait3A_109 = tpu.memref_slice %arg8[%add3A_13, %dma_wait3A_108] : memref<10000x16xf32, #tpu.memory_space<vmem_shared>> -> memref<225x16xf32, #tpu.memory_space<vmem_shared>>
      %dma_wait3A_110 = arith.constant 0 : i32
      %dma_wait3A_111 = tpu.memref_slice %arg8[%add3A_13, %dma_wait3A_110] : memref<10000x16xf32, #tpu.memory_space<vmem_shared>> -> memref<225x16xf32, #tpu.memory_space<vmem_shared>>
      %dma_wait3A_112 = arith.constant 0 : i32
      %dma_wait3A_113 = arith.constant 0 : i32
      %dma_wait3A_114 = tpu.memref_slice %arg7[%run_scoped3A_14, %dma_wait3A_112, %dma_wait3A_113] : memref<5x400x16xf32, #tpu.memory_space<vmem>> -> memref<1x400x16xf32, #tpu.memory_space<vmem>>
      %dma_wait3A_115 = tpu.memref_squeeze %dma_wait3A_114 : memref<1x400x16xf32, #tpu.memory_space<vmem>> -> memref<400x16xf32, #tpu.memory_space<vmem>>
      %dma_wait3A_116 = arith.constant 0 : i32
      %dma_wait3A_117 = arith.constant 0 : i32
      %dma_wait3A_118 = tpu.memref_slice %dma_wait3A_115[%dma_wait3A_116, %dma_wait3A_117] : memref<400x16xf32, #tpu.memory_space<vmem>> -> memref<225x16xf32, #tpu.memory_space<vmem>>
      tpu.wait_dma2 semaphore(%run_scoped3A_82 : memref<!tpu.dma_semaphore, #tpu.memory_space<semaphore_mem>>) src(%dma_wait3A_118 : memref<225x16xf32, #tpu.memory_space<vmem>>) dst(%dma_wait3A_111 : memref<225x16xf32, #tpu.memory_space<vmem_shared>>)
      tpu.yield
    }) : () -> ()
    %barrier3A = arith.constant 0 : index
    tpu.barrier barrier_id(%barrier3A)
    %scan3A_15 = arith.constant 0 : i32
    %scan3A_16 = arith.constant 0 : i32
    %mul3A_17 = arith.constant 10000 : i32
    %mul3A_18 = arith.muli %add3A, %mul3A_17 : i32
    %mul3A_19 = arith.constant 10000 : i32
    %mul3A_20 = arith.muli %scan3A_16, %mul3A_19 : i32
    %add3A_21 = arith.addi %mul3A_18, %mul3A_20 : i32
    %run_scoped3A_22 = arith.constant 0 : i32
    "tpu.region"() ({
      %run_scoped3A_82 = tpu.sem_alloc : memref<!tpu.dma_semaphore, #tpu.memory_space<semaphore_mem>>
      %dma_start3A_83 = tpu.memref_slice %arg3[%run_scoped3A_22, %add3A_21] : memref<2x320000xi32, #tpu.memory_space<hbm>> -> memref<1x10000xi32, #tpu.memory_space<hbm>>
      %dma_start3A_84 = tpu.memref_squeeze %dma_start3A_83 : memref<1x10000xi32, #tpu.memory_space<hbm>> -> memref<10000xi32, #tpu.memory_space<hbm>>
      %dma_start3A_85 = tpu.memref_slice %arg3[%run_scoped3A_22, %add3A_21] : memref<2x320000xi32, #tpu.memory_space<hbm>> -> memref<1x10000xi32, #tpu.memory_space<hbm>>
      %dma_start3A_86 = tpu.memref_squeeze %dma_start3A_85 : memref<1x10000xi32, #tpu.memory_space<hbm>> -> memref<10000xi32, #tpu.memory_space<hbm>>
      tpu.enqueue_dma source(%dma_start3A_86 : memref<10000xi32, #tpu.memory_space<hbm>>) target(%arg5 : memref<10000xi32, #tpu.memory_space<vmem>>) target_semaphore(%run_scoped3A_82 : memref<!tpu.dma_semaphore, #tpu.memory_space<semaphore_mem>>)
      %dma_wait3A_87 = tpu.memref_slice %arg3[%run_scoped3A_22, %add3A_21] : memref<2x320000xi32, #tpu.memory_space<hbm>> -> memref<1x10000xi32, #tpu.memory_space<hbm>>
      %dma_wait3A_88 = tpu.memref_squeeze %dma_wait3A_87 : memref<1x10000xi32, #tpu.memory_space<hbm>> -> memref<10000xi32, #tpu.memory_space<hbm>>
      %dma_wait3A_89 = tpu.memref_slice %arg3[%run_scoped3A_22, %add3A_21] : memref<2x320000xi32, #tpu.memory_space<hbm>> -> memref<1x10000xi32, #tpu.memory_space<hbm>>
      %dma_wait3A_90 = tpu.memref_squeeze %dma_wait3A_89 : memref<1x10000xi32, #tpu.memory_space<hbm>> -> memref<10000xi32, #tpu.memory_space<hbm>>
      tpu.wait_dma2 semaphore(%run_scoped3A_82 : memref<!tpu.dma_semaphore, #tpu.memory_space<semaphore_mem>>) src(%dma_wait3A_90 : memref<10000xi32, #tpu.memory_space<hbm>>) dst(%arg5 : memref<10000xi32, #tpu.memory_space<vmem>>)
      tpu.yield
    }) : () -> ()
    %run_scoped3A_23 = arith.constant 1 : i32
    "tpu.region"() ({
      %run_scoped3A_82 = tpu.sem_alloc : memref<!tpu.dma_semaphore, #tpu.memory_space<semaphore_mem>>
      %dma_start3A_83 = tpu.memref_slice %arg3[%run_scoped3A_23, %add3A_21] : memref<2x320000xi32, #tpu.memory_space<hbm>> -> memref<1x10000xi32, #tpu.memory_space<hbm>>
      %dma_start3A_84 = tpu.memref_squeeze %dma_start3A_83 : memref<1x10000xi32, #tpu.memory_space<hbm>> -> memref<10000xi32, #tpu.memory_space<hbm>>
      %dma_start3A_85 = tpu.memref_slice %arg3[%run_scoped3A_23, %add3A_21] : memref<2x320000xi32, #tpu.memory_space<hbm>> -> memref<1x10000xi32, #tpu.memory_space<hbm>>
      %dma_start3A_86 = tpu.memref_squeeze %dma_start3A_85 : memref<1x10000xi32, #tpu.memory_space<hbm>> -> memref<10000xi32, #tpu.memory_space<hbm>>
      tpu.enqueue_dma source(%dma_start3A_86 : memref<10000xi32, #tpu.memory_space<hbm>>) target(%arg6 : memref<10000xi32, #tpu.memory_space<vmem>>) target_semaphore(%run_scoped3A_82 : memref<!tpu.dma_semaphore, #tpu.memory_space<semaphore_mem>>)
      %dma_wait3A_87 = tpu.memref_slice %arg3[%run_scoped3A_23, %add3A_21] : memref<2x320000xi32, #tpu.memory_space<hbm>> -> memref<1x10000xi32, #tpu.memory_space<hbm>>
      %dma_wait3A_88 = tpu.memref_squeeze %dma_wait3A_87 : memref<1x10000xi32, #tpu.memory_space<hbm>> -> memref<10000xi32, #tpu.memory_space<hbm>>
      %dma_wait3A_89 = tpu.memref_slice %arg3[%run_scoped3A_23, %add3A_21] : memref<2x320000xi32, #tpu.memory_space<hbm>> -> memref<1x10000xi32, #tpu.memory_space<hbm>>
      %dma_wait3A_90 = tpu.memref_squeeze %dma_wait3A_89 : memref<1x10000xi32, #tpu.memory_space<hbm>> -> memref<10000xi32, #tpu.memory_space<hbm>>
      tpu.wait_dma2 semaphore(%run_scoped3A_82 : memref<!tpu.dma_semaphore, #tpu.memory_space<semaphore_mem>>) src(%dma_wait3A_90 : memref<10000xi32, #tpu.memory_space<hbm>>) dst(%arg6 : memref<10000xi32, #tpu.memory_space<vmem>>)
      tpu.yield
    }) : () -> ()
    %dma_start3A = arith.constant 0 : i32
    %dma_start3A_24 = arith.constant 0 : i32
    %dma_start3A_25 = arith.constant 0 : i32
    %dma_start3A_26 = tpu.memref_slice %arg7[%dma_start3A, %dma_start3A_24, %dma_start3A_25] : memref<5x400x16xf32, #tpu.memory_space<vmem>> -> memref<1x400x16xf32, #tpu.memory_space<vmem>>
    %dma_start3A_27 = tpu.memref_squeeze %dma_start3A_26 : memref<1x400x16xf32, #tpu.memory_space<vmem>> -> memref<400x16xf32, #tpu.memory_space<vmem>>
    %dma_start3A_28 = arith.constant 0 : i32
    %dma_start3A_29 = tpu.memref_slice %arg5[%dma_start3A_28] : memref<10000xi32, #tpu.memory_space<vmem>> -> memref<400xi32, #tpu.memory_space<vmem>>
    %dma_start3A_30 = arith.constant 0 : i32
    %dma_start3A_31 = arith.constant 0 : i32
    %dma_start3A_32 = tpu.memref_slice %arg2[%dma_start3A_30, %dma_start3A_31] : memref<10000x16xf32, #tpu.memory_space<hbm>> -> memref<10000x16xf32, #tpu.memory_space<hbm>>
    tpu.enqueue_indirect_dma source(%dma_start3A_32 : memref<10000x16xf32, #tpu.memory_space<hbm>>) target(%dma_start3A_27 : memref<400x16xf32, #tpu.memory_space<vmem>>) offsets(%dma_start3A_29 : memref<400xi32, #tpu.memory_space<vmem>>) semaphore(%arg9 : memref<!tpu.dma_semaphore, #tpu.memory_space<semaphore_mem>>)
    %dma_start3A_33 = arith.constant 1 : i32
    %dma_start3A_34 = arith.constant 0 : i32
    %dma_start3A_35 = arith.constant 0 : i32
    %dma_start3A_36 = tpu.memref_slice %arg7[%dma_start3A_33, %dma_start3A_34, %dma_start3A_35] : memref<5x400x16xf32, #tpu.memory_space<vmem>> -> memref<1x400x16xf32, #tpu.memory_space<vmem>>
    %dma_start3A_37 = tpu.memref_squeeze %dma_start3A_36 : memref<1x400x16xf32, #tpu.memory_space<vmem>> -> memref<400x16xf32, #tpu.memory_space<vmem>>
    %dma_start3A_38 = arith.constant 400 : i32
    %dma_start3A_39 = tpu.memref_slice %arg5[%dma_start3A_38] : memref<10000xi32, #tpu.memory_space<vmem>> -> memref<400xi32, #tpu.memory_space<vmem>>
    %dma_start3A_40 = arith.constant 0 : i32
    %dma_start3A_41 = arith.constant 0 : i32
    %dma_start3A_42 = tpu.memref_slice %arg2[%dma_start3A_40, %dma_start3A_41] : memref<10000x16xf32, #tpu.memory_space<hbm>> -> memref<10000x16xf32, #tpu.memory_space<hbm>>
    tpu.enqueue_indirect_dma source(%dma_start3A_42 : memref<10000x16xf32, #tpu.memory_space<hbm>>) target(%dma_start3A_37 : memref<400x16xf32, #tpu.memory_space<vmem>>) offsets(%dma_start3A_39 : memref<400xi32, #tpu.memory_space<vmem>>) semaphore(%arg9 : memref<!tpu.dma_semaphore, #tpu.memory_space<semaphore_mem>>)
    %dma_start3A_43 = arith.constant 2 : i32
    %dma_start3A_44 = arith.constant 0 : i32
    %dma_start3A_45 = arith.constant 0 : i32
    %dma_start3A_46 = tpu.memref_slice %arg7[%dma_start3A_43, %dma_start3A_44, %dma_start3A_45] : memref<5x400x16xf32, #tpu.memory_space<vmem>> -> memref<1x400x16xf32, #tpu.memory_space<vmem>>
    %dma_start3A_47 = tpu.memref_squeeze %dma_start3A_46 : memref<1x400x16xf32, #tpu.memory_space<vmem>> -> memref<400x16xf32, #tpu.memory_space<vmem>>
    %dma_start3A_48 = arith.constant 800 : i32
    %dma_start3A_49 = tpu.memref_slice %arg5[%dma_start3A_48] : memref<10000xi32, #tpu.memory_space<vmem>> -> memref<400xi32, #tpu.memory_space<vmem>>
    %dma_start3A_50 = arith.constant 0 : i32
    %dma_start3A_51 = arith.constant 0 : i32
    %dma_start3A_52 = tpu.memref_slice %arg2[%dma_start3A_50, %dma_start3A_51] : memref<10000x16xf32, #tpu.memory_space<hbm>> -> memref<10000x16xf32, #tpu.memory_space<hbm>>
    tpu.enqueue_indirect_dma source(%dma_start3A_52 : memref<10000x16xf32, #tpu.memory_space<hbm>>) target(%dma_start3A_47 : memref<400x16xf32, #tpu.memory_space<vmem>>) offsets(%dma_start3A_49 : memref<400xi32, #tpu.memory_space<vmem>>) semaphore(%arg9 : memref<!tpu.dma_semaphore, #tpu.memory_space<semaphore_mem>>)
    %dma_start3A_53 = arith.constant 3 : i32
    %dma_start3A_54 = arith.constant 0 : i32
    %dma_start3A_55 = arith.constant 0 : i32
    %dma_start3A_56 = tpu.memref_slice %arg7[%dma_start3A_53, %dma_start3A_54, %dma_start3A_55] : memref<5x400x16xf32, #tpu.memory_space<vmem>> -> memref<1x400x16xf32, #tpu.memory_space<vmem>>
    %dma_start3A_57 = tpu.memref_squeeze %dma_start3A_56 : memref<1x400x16xf32, #tpu.memory_space<vmem>> -> memref<400x16xf32, #tpu.memory_space<vmem>>
    %dma_start3A_58 = arith.constant 1200 : i32
    %dma_start3A_59 = tpu.memref_slice %arg5[%dma_start3A_58] : memref<10000xi32, #tpu.memory_space<vmem>> -> memref<400xi32, #tpu.memory_space<vmem>>
    %dma_start3A_60 = arith.constant 0 : i32
    %dma_start3A_61 = arith.constant 0 : i32
    %dma_start3A_62 = tpu.memref_slice %arg2[%dma_start3A_60, %dma_start3A_61] : memref<10000x16xf32, #tpu.memory_space<hbm>> -> memref<10000x16xf32, #tpu.memory_space<hbm>>
    tpu.enqueue_indirect_dma source(%dma_start3A_62 : memref<10000x16xf32, #tpu.memory_space<hbm>>) target(%dma_start3A_57 : memref<400x16xf32, #tpu.memory_space<vmem>>) offsets(%dma_start3A_59 : memref<400xi32, #tpu.memory_space<vmem>>) semaphore(%arg9 : memref<!tpu.dma_semaphore, #tpu.memory_space<semaphore_mem>>)
    %scan3A_63 = arith.constant 0 : i32
    %scan3A_64 = arith.constant 0 : i32
    %scan3A_65 = arith.constant 5 : i32
    %scan3A_66 = arith.addi %scan3A_64, %scan3A_65 : i32
    %scan3A_67 = arith.constant 1 : i32
    scf.for %scan3A_82 = %scan3A_64 to %scan3A_66 step %scan3A_67  : i32 {
      %mul3A_83 = arith.constant 5 : i32
      %mul3A_84 = arith.muli %mul3A_83, %scan3A_82 : i32
      %add3A_85 = arith.constant 0 : i32
      %add3A_86 = arith.addi %mul3A_84, %add3A_85 : i32
      %dma_wait3A_87 = arith.constant 0 : i32
      %dma_wait3A_88 = arith.constant 0 : i32
      %dma_wait3A_89 = arith.constant 0 : i32
      %dma_wait3A_90 = tpu.memref_slice %arg7[%dma_wait3A_87, %dma_wait3A_88, %dma_wait3A_89] : memref<5x400x16xf32, #tpu.memory_space<vmem>> -> memref<1x400x16xf32, #tpu.memory_space<vmem>>
      %dma_wait3A_91 = tpu.memref_squeeze %dma_wait3A_90 : memref<1x400x16xf32, #tpu.memory_space<vmem>> -> memref<400x16xf32, #tpu.memory_space<vmem>>
      %dma_wait3A_92 = arith.constant 0 : i32
      %dma_wait3A_93 = tpu.memref_slice %arg5[%dma_wait3A_92] : memref<10000xi32, #tpu.memory_space<vmem>> -> memref<400xi32, #tpu.memory_space<vmem>>
      %dma_wait3A_94 = arith.constant 0 : i32
      %dma_wait3A_95 = arith.constant 0 : i32
      %dma_wait3A_96 = tpu.memref_slice %arg2[%dma_wait3A_94, %dma_wait3A_95] : memref<10000x16xf32, #tpu.memory_space<hbm>> -> memref<10000x16xf32, #tpu.memory_space<hbm>>
      tpu.wait_indirect_dma semaphore(%arg9 : memref<!tpu.dma_semaphore, #tpu.memory_space<semaphore_mem>>) src(%dma_wait3A_96 : memref<10000x16xf32, #tpu.memory_space<hbm>>) dst(%dma_wait3A_91 : memref<400x16xf32, #tpu.memory_space<vmem>>)
      %mul3A_97 = arith.constant 400 : i32
      %mul3A_98 = arith.muli %add3A_86, %mul3A_97 : i32
      %dma_start3A_99 = arith.constant 0 : i32
      %dma_start3A_100 = arith.constant 0 : i32
      %dma_start3A_101 = arith.constant 0 : i32
      %dma_start3A_102 = tpu.memref_slice %arg7[%dma_start3A_99, %dma_start3A_100, %dma_start3A_101] : memref<5x400x16xf32, #tpu.memory_space<vmem>> -> memref<1x400x16xf32, #tpu.memory_space<vmem>>
      %dma_start3A_103 = tpu.memref_squeeze %dma_start3A_102 : memref<1x400x16xf32, #tpu.memory_space<vmem>> -> memref<400x16xf32, #tpu.memory_space<vmem>>
      %dma_start3A_104 = tpu.memref_slice %arg6[%mul3A_98] : memref<10000xi32, #tpu.memory_space<vmem>> -> memref<400xi32, #tpu.memory_space<vmem>>
      %dma_start3A_105 = arith.constant 0 : i32
      %dma_start3A_106 = arith.constant 0 : i32
      %dma_start3A_107 = tpu.memref_slice %arg8[%dma_start3A_105, %dma_start3A_106] : memref<10000x16xf32, #tpu.memory_space<vmem_shared>> -> memref<10000x16xf32, #tpu.memory_space<vmem_shared>>
      tpu.enqueue_indirect_dma source(%dma_start3A_103 : memref<400x16xf32, #tpu.memory_space<vmem>>) target(%dma_start3A_107 : memref<10000x16xf32, #tpu.memory_space<vmem_shared>>) offsets(%dma_start3A_104 : memref<400xi32, #tpu.memory_space<vmem>>) semaphore(%arg10 : memref<!tpu.dma_semaphore, #tpu.memory_space<semaphore_mem>>) {add = true}
      %gt3A = arith.constant 0 : i32
      %gt3A_108 = arith.cmpi sgt, %scan3A_82, %gt3A : i32
      %convert_element_type3A = arith.extui %gt3A_108 : i1 to i32
      %cond3A = arith.constant 0 : i32
      %cond3A_109 = arith.cmpi ne, %convert_element_type3A, %cond3A : i32
      scf.if %cond3A_109 {
        %dma_wait3A_274 = arith.constant 0 : i32
        %dma_wait3A_275 = arith.constant 0 : i32
        %dma_wait3A_276 = arith.constant 0 : i32
        %dma_wait3A_277 = tpu.memref_slice %arg7[%dma_wait3A_274, %dma_wait3A_275, %dma_wait3A_276] : memref<5x400x16xf32, #tpu.memory_space<vmem>> -> memref<1x400x16xf32, #tpu.memory_space<vmem>>
        %dma_wait3A_278 = tpu.memref_squeeze %dma_wait3A_277 : memref<1x400x16xf32, #tpu.memory_space<vmem>> -> memref<400x16xf32, #tpu.memory_space<vmem>>
        %dma_wait3A_279 = arith.constant 0 : i32
        %dma_wait3A_280 = tpu.memref_slice %arg6[%dma_wait3A_279] : memref<10000xi32, #tpu.memory_space<vmem>> -> memref<400xi32, #tpu.memory_space<vmem>>
        %dma_wait3A_281 = arith.constant 0 : i32
        %dma_wait3A_282 = arith.constant 0 : i32
        %dma_wait3A_283 = tpu.memref_slice %arg8[%dma_wait3A_281, %dma_wait3A_282] : memref<10000x16xf32, #tpu.memory_space<vmem_shared>> -> memref<10000x16xf32, #tpu.memory_space<vmem_shared>>
        tpu.wait_indirect_dma semaphore(%arg10 : memref<!tpu.dma_semaphore, #tpu.memory_space<semaphore_mem>>) src(%dma_wait3A_278 : memref<400x16xf32, #tpu.memory_space<vmem>>) dst(%dma_wait3A_283 : memref<10000x16xf32, #tpu.memory_space<vmem_shared>>)
      } else {
      }
      %lt3A = arith.constant 21 : i32
      %lt3A_110 = arith.cmpi slt, %add3A_86, %lt3A : i32
      %convert_element_type3A_111 = arith.extui %lt3A_110 : i1 to i32
      %cond3A_112 = arith.constant 0 : i32
      %cond3A_113 = arith.cmpi ne, %convert_element_type3A_111, %cond3A_112 : i32
      scf.if %cond3A_113 {
        %add3A_274 = arith.constant 5 : i32
        %add3A_275 = arith.addi %add3A_86, %add3A_274 : i32
        %sub3A = arith.constant 1 : i32
        %sub3A_276 = arith.subi %add3A_275, %sub3A : i32
        %mul3A_277 = arith.constant 400 : i32
        %mul3A_278 = arith.muli %sub3A_276, %mul3A_277 : i32
        %dma_start3A_279 = arith.constant 4 : i32
        %dma_start3A_280 = arith.constant 0 : i32
        %dma_start3A_281 = arith.constant 0 : i32
        %dma_start3A_282 = tpu.memref_slice %arg7[%dma_start3A_279, %dma_start3A_280, %dma_start3A_281] : memref<5x400x16xf32, #tpu.memory_space<vmem>> -> memref<1x400x16xf32, #tpu.memory_space<vmem>>
        %dma_start3A_283 = tpu.memref_squeeze %dma_start3A_282 : memref<1x400x16xf32, #tpu.memory_space<vmem>> -> memref<400x16xf32, #tpu.memory_space<vmem>>
        %dma_start3A_284 = tpu.memref_slice %arg5[%mul3A_278] : memref<10000xi32, #tpu.memory_space<vmem>> -> memref<400xi32, #tpu.memory_space<vmem>>
        %dma_start3A_285 = arith.constant 0 : i32
        %dma_start3A_286 = arith.constant 0 : i32
        %dma_start3A_287 = tpu.memref_slice %arg2[%dma_start3A_285, %dma_start3A_286] : memref<10000x16xf32, #tpu.memory_space<hbm>> -> memref<10000x16xf32, #tpu.memory_space<hbm>>
        tpu.enqueue_indirect_dma source(%dma_start3A_287 : memref<10000x16xf32, #tpu.memory_space<hbm>>) target(%dma_start3A_283 : memref<400x16xf32, #tpu.memory_space<vmem>>) offsets(%dma_start3A_284 : memref<400xi32, #tpu.memory_space<vmem>>) semaphore(%arg9 : memref<!tpu.dma_semaphore, #tpu.memory_space<semaphore_mem>>)
      } else {
      }
      %mul3A_114 = arith.constant 5 : i32
      %mul3A_115 = arith.muli %mul3A_114, %scan3A_82 : i32
      %add3A_116 = arith.constant 1 : i32
      %add3A_117 = arith.addi %mul3A_115, %add3A_116 : i32
      %dma_wait3A_118 = arith.constant 0 : i32
      %dma_wait3A_119 = arith.constant 0 : i32
      %dma_wait3A_120 = arith.constant 0 : i32
      %dma_wait3A_121 = tpu.memref_slice %arg7[%dma_wait3A_118, %dma_wait3A_119, %dma_wait3A_120] : memref<5x400x16xf32, #tpu.memory_space<vmem>> -> memref<1x400x16xf32, #tpu.memory_space<vmem>>
      %dma_wait3A_122 = tpu.memref_squeeze %dma_wait3A_121 : memref<1x400x16xf32, #tpu.memory_space<vmem>> -> memref<400x16xf32, #tpu.memory_space<vmem>>
      %dma_wait3A_123 = arith.constant 0 : i32
      %dma_wait3A_124 = tpu.memref_slice %arg5[%dma_wait3A_123] : memref<10000xi32, #tpu.memory_space<vmem>> -> memref<400xi32, #tpu.memory_space<vmem>>
      %dma_wait3A_125 = arith.constant 0 : i32
      %dma_wait3A_126 = arith.constant 0 : i32
      %dma_wait3A_127 = tpu.memref_slice %arg2[%dma_wait3A_125, %dma_wait3A_126] : memref<10000x16xf32, #tpu.memory_space<hbm>> -> memref<10000x16xf32, #tpu.memory_space<hbm>>
      tpu.wait_indirect_dma semaphore(%arg9 : memref<!tpu.dma_semaphore, #tpu.memory_space<semaphore_mem>>) src(%dma_wait3A_127 : memref<10000x16xf32, #tpu.memory_space<hbm>>) dst(%dma_wait3A_122 : memref<400x16xf32, #tpu.memory_space<vmem>>)
      %mul3A_128 = arith.constant 400 : i32
      %mul3A_129 = arith.muli %add3A_117, %mul3A_128 : i32
      %dma_start3A_130 = arith.constant 1 : i32
      %dma_start3A_131 = arith.constant 0 : i32
      %dma_start3A_132 = arith.constant 0 : i32
      %dma_start3A_133 = tpu.memref_slice %arg7[%dma_start3A_130, %dma_start3A_131, %dma_start3A_132] : memref<5x400x16xf32, #tpu.memory_space<vmem>> -> memref<1x400x16xf32, #tpu.memory_space<vmem>>
      %dma_start3A_134 = tpu.memref_squeeze %dma_start3A_133 : memref<1x400x16xf32, #tpu.memory_space<vmem>> -> memref<400x16xf32, #tpu.memory_space<vmem>>
      %dma_start3A_135 = tpu.memref_slice %arg6[%mul3A_129] : memref<10000xi32, #tpu.memory_space<vmem>> -> memref<400xi32, #tpu.memory_space<vmem>>
      %dma_start3A_136 = arith.constant 0 : i32
      %dma_start3A_137 = arith.constant 0 : i32
      %dma_start3A_138 = tpu.memref_slice %arg8[%dma_start3A_136, %dma_start3A_137] : memref<10000x16xf32, #tpu.memory_space<vmem_shared>> -> memref<10000x16xf32, #tpu.memory_space<vmem_shared>>
      tpu.enqueue_indirect_dma source(%dma_start3A_134 : memref<400x16xf32, #tpu.memory_space<vmem>>) target(%dma_start3A_138 : memref<10000x16xf32, #tpu.memory_space<vmem_shared>>) offsets(%dma_start3A_135 : memref<400xi32, #tpu.memory_space<vmem>>) semaphore(%arg10 : memref<!tpu.dma_semaphore, #tpu.memory_space<semaphore_mem>>) {add = true}
      %dma_wait3A_139 = arith.constant 0 : i32
      %dma_wait3A_140 = arith.constant 0 : i32
      %dma_wait3A_141 = arith.constant 0 : i32
      %dma_wait3A_142 = tpu.memref_slice %arg7[%dma_wait3A_139, %dma_wait3A_140, %dma_wait3A_141] : memref<5x400x16xf32, #tpu.memory_space<vmem>> -> memref<1x400x16xf32, #tpu.memory_space<vmem>>
      %dma_wait3A_143 = tpu.memref_squeeze %dma_wait3A_142 : memref<1x400x16xf32, #tpu.memory_space<vmem>> -> memref<400x16xf32, #tpu.memory_space<vmem>>
      %dma_wait3A_144 = arith.constant 0 : i32
      %dma_wait3A_145 = tpu.memref_slice %arg6[%dma_wait3A_144] : memref<10000xi32, #tpu.memory_space<vmem>> -> memref<400xi32, #tpu.memory_space<vmem>>
      %dma_wait3A_146 = arith.constant 0 : i32
      %dma_wait3A_147 = arith.constant 0 : i32
      %dma_wait3A_148 = tpu.memref_slice %arg8[%dma_wait3A_146, %dma_wait3A_147] : memref<10000x16xf32, #tpu.memory_space<vmem_shared>> -> memref<10000x16xf32, #tpu.memory_space<vmem_shared>>
      tpu.wait_indirect_dma semaphore(%arg10 : memref<!tpu.dma_semaphore, #tpu.memory_space<semaphore_mem>>) src(%dma_wait3A_143 : memref<400x16xf32, #tpu.memory_space<vmem>>) dst(%dma_wait3A_148 : memref<10000x16xf32, #tpu.memory_space<vmem_shared>>)
      %lt3A_149 = arith.constant 21 : i32
      %lt3A_150 = arith.cmpi slt, %add3A_117, %lt3A_149 : i32
      %convert_element_type3A_151 = arith.extui %lt3A_150 : i1 to i32
      %cond3A_152 = arith.constant 0 : i32
      %cond3A_153 = arith.cmpi ne, %convert_element_type3A_151, %cond3A_152 : i32
      scf.if %cond3A_153 {
        %add3A_274 = arith.constant 5 : i32
        %add3A_275 = arith.addi %add3A_117, %add3A_274 : i32
        %sub3A = arith.constant 1 : i32
        %sub3A_276 = arith.subi %add3A_275, %sub3A : i32
        %mul3A_277 = arith.constant 400 : i32
        %mul3A_278 = arith.muli %sub3A_276, %mul3A_277 : i32
        %dma_start3A_279 = arith.constant 0 : i32
        %dma_start3A_280 = arith.constant 0 : i32
        %dma_start3A_281 = arith.constant 0 : i32
        %dma_start3A_282 = tpu.memref_slice %arg7[%dma_start3A_279, %dma_start3A_280, %dma_start3A_281] : memref<5x400x16xf32, #tpu.memory_space<vmem>> -> memref<1x400x16xf32, #tpu.memory_space<vmem>>
        %dma_start3A_283 = tpu.memref_squeeze %dma_start3A_282 : memref<1x400x16xf32, #tpu.memory_space<vmem>> -> memref<400x16xf32, #tpu.memory_space<vmem>>
        %dma_start3A_284 = tpu.memref_slice %arg5[%mul3A_278] : memref<10000xi32, #tpu.memory_space<vmem>> -> memref<400xi32, #tpu.memory_space<vmem>>
        %dma_start3A_285 = arith.constant 0 : i32
        %dma_start3A_286 = arith.constant 0 : i32
        %dma_start3A_287 = tpu.memref_slice %arg2[%dma_start3A_285, %dma_start3A_286] : memref<10000x16xf32, #tpu.memory_space<hbm>> -> memref<10000x16xf32, #tpu.memory_space<hbm>>
        tpu.enqueue_indirect_dma source(%dma_start3A_287 : memref<10000x16xf32, #tpu.memory_space<hbm>>) target(%dma_start3A_283 : memref<400x16xf32, #tpu.memory_space<vmem>>) offsets(%dma_start3A_284 : memref<400xi32, #tpu.memory_space<vmem>>) semaphore(%arg9 : memref<!tpu.dma_semaphore, #tpu.memory_space<semaphore_mem>>)
      } else {
      }
      %mul3A_154 = arith.constant 5 : i32
      %mul3A_155 = arith.muli %mul3A_154, %scan3A_82 : i32
      %add3A_156 = arith.constant 2 : i32
      %add3A_157 = arith.addi %mul3A_155, %add3A_156 : i32
      %dma_wait3A_158 = arith.constant 0 : i32
      %dma_wait3A_159 = arith.constant 0 : i32
      %dma_wait3A_160 = arith.constant 0 : i32
      %dma_wait3A_161 = tpu.memref_slice %arg7[%dma_wait3A_158, %dma_wait3A_159, %dma_wait3A_160] : memref<5x400x16xf32, #tpu.memory_space<vmem>> -> memref<1x400x16xf32, #tpu.memory_space<vmem>>
      %dma_wait3A_162 = tpu.memref_squeeze %dma_wait3A_161 : memref<1x400x16xf32, #tpu.memory_space<vmem>> -> memref<400x16xf32, #tpu.memory_space<vmem>>
      %dma_wait3A_163 = arith.constant 0 : i32
      %dma_wait3A_164 = tpu.memref_slice %arg5[%dma_wait3A_163] : memref<10000xi32, #tpu.memory_space<vmem>> -> memref<400xi32, #tpu.memory_space<vmem>>
      %dma_wait3A_165 = arith.constant 0 : i32
      %dma_wait3A_166 = arith.constant 0 : i32
      %dma_wait3A_167 = tpu.memref_slice %arg2[%dma_wait3A_165, %dma_wait3A_166] : memref<10000x16xf32, #tpu.memory_space<hbm>> -> memref<10000x16xf32, #tpu.memory_space<hbm>>
      tpu.wait_indirect_dma semaphore(%arg9 : memref<!tpu.dma_semaphore, #tpu.memory_space<semaphore_mem>>) src(%dma_wait3A_167 : memref<10000x16xf32, #tpu.memory_space<hbm>>) dst(%dma_wait3A_162 : memref<400x16xf32, #tpu.memory_space<vmem>>)
      %mul3A_168 = arith.constant 400 : i32
      %mul3A_169 = arith.muli %add3A_157, %mul3A_168 : i32
      %dma_start3A_170 = arith.constant 2 : i32
      %dma_start3A_171 = arith.constant 0 : i32
      %dma_start3A_172 = arith.constant 0 : i32
      %dma_start3A_173 = tpu.memref_slice %arg7[%dma_start3A_170, %dma_start3A_171, %dma_start3A_172] : memref<5x400x16xf32, #tpu.memory_space<vmem>> -> memref<1x400x16xf32, #tpu.memory_space<vmem>>
      %dma_start3A_174 = tpu.memref_squeeze %dma_start3A_173 : memref<1x400x16xf32, #tpu.memory_space<vmem>> -> memref<400x16xf32, #tpu.memory_space<vmem>>
      %dma_start3A_175 = tpu.memref_slice %arg6[%mul3A_169] : memref<10000xi32, #tpu.memory_space<vmem>> -> memref<400xi32, #tpu.memory_space<vmem>>
      %dma_start3A_176 = arith.constant 0 : i32
      %dma_start3A_177 = arith.constant 0 : i32
      %dma_start3A_178 = tpu.memref_slice %arg8[%dma_start3A_176, %dma_start3A_177] : memref<10000x16xf32, #tpu.memory_space<vmem_shared>> -> memref<10000x16xf32, #tpu.memory_space<vmem_shared>>
      tpu.enqueue_indirect_dma source(%dma_start3A_174 : memref<400x16xf32, #tpu.memory_space<vmem>>) target(%dma_start3A_178 : memref<10000x16xf32, #tpu.memory_space<vmem_shared>>) offsets(%dma_start3A_175 : memref<400xi32, #tpu.memory_space<vmem>>) semaphore(%arg10 : memref<!tpu.dma_semaphore, #tpu.memory_space<semaphore_mem>>) {add = true}
      %dma_wait3A_179 = arith.constant 0 : i32
      %dma_wait3A_180 = arith.constant 0 : i32
      %dma_wait3A_181 = arith.constant 0 : i32
      %dma_wait3A_182 = tpu.memref_slice %arg7[%dma_wait3A_179, %dma_wait3A_180, %dma_wait3A_181] : memref<5x400x16xf32, #tpu.memory_space<vmem>> -> memref<1x400x16xf32, #tpu.memory_space<vmem>>
      %dma_wait3A_183 = tpu.memref_squeeze %dma_wait3A_182 : memref<1x400x16xf32, #tpu.memory_space<vmem>> -> memref<400x16xf32, #tpu.memory_space<vmem>>
      %dma_wait3A_184 = arith.constant 0 : i32
      %dma_wait3A_185 = tpu.memref_slice %arg6[%dma_wait3A_184] : memref<10000xi32, #tpu.memory_space<vmem>> -> memref<400xi32, #tpu.memory_space<vmem>>
      %dma_wait3A_186 = arith.constant 0 : i32
      %dma_wait3A_187 = arith.constant 0 : i32
      %dma_wait3A_188 = tpu.memref_slice %arg8[%dma_wait3A_186, %dma_wait3A_187] : memref<10000x16xf32, #tpu.memory_space<vmem_shared>> -> memref<10000x16xf32, #tpu.memory_space<vmem_shared>>
      tpu.wait_indirect_dma semaphore(%arg10 : memref<!tpu.dma_semaphore, #tpu.memory_space<semaphore_mem>>) src(%dma_wait3A_183 : memref<400x16xf32, #tpu.memory_space<vmem>>) dst(%dma_wait3A_188 : memref<10000x16xf32, #tpu.memory_space<vmem_shared>>)
      %lt3A_189 = arith.constant 21 : i32
      %lt3A_190 = arith.cmpi slt, %add3A_157, %lt3A_189 : i32
      %convert_element_type3A_191 = arith.extui %lt3A_190 : i1 to i32
      %cond3A_192 = arith.constant 0 : i32
      %cond3A_193 = arith.cmpi ne, %convert_element_type3A_191, %cond3A_192 : i32
      scf.if %cond3A_193 {
        %add3A_274 = arith.constant 5 : i32
        %add3A_275 = arith.addi %add3A_157, %add3A_274 : i32
        %sub3A = arith.constant 1 : i32
        %sub3A_276 = arith.subi %add3A_275, %sub3A : i32
        %mul3A_277 = arith.constant 400 : i32
        %mul3A_278 = arith.muli %sub3A_276, %mul3A_277 : i32
        %dma_start3A_279 = arith.constant 1 : i32
        %dma_start3A_280 = arith.constant 0 : i32
        %dma_start3A_281 = arith.constant 0 : i32
        %dma_start3A_282 = tpu.memref_slice %arg7[%dma_start3A_279, %dma_start3A_280, %dma_start3A_281] : memref<5x400x16xf32, #tpu.memory_space<vmem>> -> memref<1x400x16xf32, #tpu.memory_space<vmem>>
        %dma_start3A_283 = tpu.memref_squeeze %dma_start3A_282 : memref<1x400x16xf32, #tpu.memory_space<vmem>> -> memref<400x16xf32, #tpu.memory_space<vmem>>
        %dma_start3A_284 = tpu.memref_slice %arg5[%mul3A_278] : memref<10000xi32, #tpu.memory_space<vmem>> -> memref<400xi32, #tpu.memory_space<vmem>>
        %dma_start3A_285 = arith.constant 0 : i32
        %dma_start3A_286 = arith.constant 0 : i32
        %dma_start3A_287 = tpu.memref_slice %arg2[%dma_start3A_285, %dma_start3A_286] : memref<10000x16xf32, #tpu.memory_space<hbm>> -> memref<10000x16xf32, #tpu.memory_space<hbm>>
        tpu.enqueue_indirect_dma source(%dma_start3A_287 : memref<10000x16xf32, #tpu.memory_space<hbm>>) target(%dma_start3A_283 : memref<400x16xf32, #tpu.memory_space<vmem>>) offsets(%dma_start3A_284 : memref<400xi32, #tpu.memory_space<vmem>>) semaphore(%arg9 : memref<!tpu.dma_semaphore, #tpu.memory_space<semaphore_mem>>)
      } else {
      }
      %mul3A_194 = arith.constant 5 : i32
      %mul3A_195 = arith.muli %mul3A_194, %scan3A_82 : i32
      %add3A_196 = arith.constant 3 : i32
      %add3A_197 = arith.addi %mul3A_195, %add3A_196 : i32
      %dma_wait3A_198 = arith.constant 0 : i32
      %dma_wait3A_199 = arith.constant 0 : i32
      %dma_wait3A_200 = arith.constant 0 : i32
      %dma_wait3A_201 = tpu.memref_slice %arg7[%dma_wait3A_198, %dma_wait3A_199, %dma_wait3A_200] : memref<5x400x16xf32, #tpu.memory_space<vmem>> -> memref<1x400x16xf32, #tpu.memory_space<vmem>>
      %dma_wait3A_202 = tpu.memref_squeeze %dma_wait3A_201 : memref<1x400x16xf32, #tpu.memory_space<vmem>> -> memref<400x16xf32, #tpu.memory_space<vmem>>
      %dma_wait3A_203 = arith.constant 0 : i32
      %dma_wait3A_204 = tpu.memref_slice %arg5[%dma_wait3A_203] : memref<10000xi32, #tpu.memory_space<vmem>> -> memref<400xi32, #tpu.memory_space<vmem>>
      %dma_wait3A_205 = arith.constant 0 : i32
      %dma_wait3A_206 = arith.constant 0 : i32
      %dma_wait3A_207 = tpu.memref_slice %arg2[%dma_wait3A_205, %dma_wait3A_206] : memref<10000x16xf32, #tpu.memory_space<hbm>> -> memref<10000x16xf32, #tpu.memory_space<hbm>>
      tpu.wait_indirect_dma semaphore(%arg9 : memref<!tpu.dma_semaphore, #tpu.memory_space<semaphore_mem>>) src(%dma_wait3A_207 : memref<10000x16xf32, #tpu.memory_space<hbm>>) dst(%dma_wait3A_202 : memref<400x16xf32, #tpu.memory_space<vmem>>)
      %mul3A_208 = arith.constant 400 : i32
      %mul3A_209 = arith.muli %add3A_197, %mul3A_208 : i32
      %dma_start3A_210 = arith.constant 3 : i32
      %dma_start3A_211 = arith.constant 0 : i32
      %dma_start3A_212 = arith.constant 0 : i32
      %dma_start3A_213 = tpu.memref_slice %arg7[%dma_start3A_210, %dma_start3A_211, %dma_start3A_212] : memref<5x400x16xf32, #tpu.memory_space<vmem>> -> memref<1x400x16xf32, #tpu.memory_space<vmem>>
      %dma_start3A_214 = tpu.memref_squeeze %dma_start3A_213 : memref<1x400x16xf32, #tpu.memory_space<vmem>> -> memref<400x16xf32, #tpu.memory_space<vmem>>
      %dma_start3A_215 = tpu.memref_slice %arg6[%mul3A_209] : memref<10000xi32, #tpu.memory_space<vmem>> -> memref<400xi32, #tpu.memory_space<vmem>>
      %dma_start3A_216 = arith.constant 0 : i32
      %dma_start3A_217 = arith.constant 0 : i32
      %dma_start3A_218 = tpu.memref_slice %arg8[%dma_start3A_216, %dma_start3A_217] : memref<10000x16xf32, #tpu.memory_space<vmem_shared>> -> memref<10000x16xf32, #tpu.memory_space<vmem_shared>>
      tpu.enqueue_indirect_dma source(%dma_start3A_214 : memref<400x16xf32, #tpu.memory_space<vmem>>) target(%dma_start3A_218 : memref<10000x16xf32, #tpu.memory_space<vmem_shared>>) offsets(%dma_start3A_215 : memref<400xi32, #tpu.memory_space<vmem>>) semaphore(%arg10 : memref<!tpu.dma_semaphore, #tpu.memory_space<semaphore_mem>>) {add = true}
      %dma_wait3A_219 = arith.constant 0 : i32
      %dma_wait3A_220 = arith.constant 0 : i32
      %dma_wait3A_221 = arith.constant 0 : i32
      %dma_wait3A_222 = tpu.memref_slice %arg7[%dma_wait3A_219, %dma_wait3A_220, %dma_wait3A_221] : memref<5x400x16xf32, #tpu.memory_space<vmem>> -> memref<1x400x16xf32, #tpu.memory_space<vmem>>
      %dma_wait3A_223 = tpu.memref_squeeze %dma_wait3A_222 : memref<1x400x16xf32, #tpu.memory_space<vmem>> -> memref<400x16xf32, #tpu.memory_space<vmem>>
      %dma_wait3A_224 = arith.constant 0 : i32
      %dma_wait3A_225 = tpu.memref_slice %arg6[%dma_wait3A_224] : memref<10000xi32, #tpu.memory_space<vmem>> -> memref<400xi32, #tpu.memory_space<vmem>>
      %dma_wait3A_226 = arith.constant 0 : i32
      %dma_wait3A_227 = arith.constant 0 : i32
      %dma_wait3A_228 = tpu.memref_slice %arg8[%dma_wait3A_226, %dma_wait3A_227] : memref<10000x16xf32, #tpu.memory_space<vmem_shared>> -> memref<10000x16xf32, #tpu.memory_space<vmem_shared>>
      tpu.wait_indirect_dma semaphore(%arg10 : memref<!tpu.dma_semaphore, #tpu.memory_space<semaphore_mem>>) src(%dma_wait3A_223 : memref<400x16xf32, #tpu.memory_space<vmem>>) dst(%dma_wait3A_228 : memref<10000x16xf32, #tpu.memory_space<vmem_shared>>)
      %lt3A_229 = arith.constant 21 : i32
      %lt3A_230 = arith.cmpi slt, %add3A_197, %lt3A_229 : i32
      %convert_element_type3A_231 = arith.extui %lt3A_230 : i1 to i32
      %cond3A_232 = arith.constant 0 : i32
      %cond3A_233 = arith.cmpi ne, %convert_element_type3A_231, %cond3A_232 : i32
      scf.if %cond3A_233 {
        %add3A_274 = arith.constant 5 : i32
        %add3A_275 = arith.addi %add3A_197, %add3A_274 : i32
        %sub3A = arith.constant 1 : i32
        %sub3A_276 = arith.subi %add3A_275, %sub3A : i32
        %mul3A_277 = arith.constant 400 : i32
        %mul3A_278 = arith.muli %sub3A_276, %mul3A_277 : i32
        %dma_start3A_279 = arith.constant 2 : i32
        %dma_start3A_280 = arith.constant 0 : i32
        %dma_start3A_281 = arith.constant 0 : i32
        %dma_start3A_282 = tpu.memref_slice %arg7[%dma_start3A_279, %dma_start3A_280, %dma_start3A_281] : memref<5x400x16xf32, #tpu.memory_space<vmem>> -> memref<1x400x16xf32, #tpu.memory_space<vmem>>
        %dma_start3A_283 = tpu.memref_squeeze %dma_start3A_282 : memref<1x400x16xf32, #tpu.memory_space<vmem>> -> memref<400x16xf32, #tpu.memory_space<vmem>>
        %dma_start3A_284 = tpu.memref_slice %arg5[%mul3A_278] : memref<10000xi32, #tpu.memory_space<vmem>> -> memref<400xi32, #tpu.memory_space<vmem>>
        %dma_start3A_285 = arith.constant 0 : i32
        %dma_start3A_286 = arith.constant 0 : i32
        %dma_start3A_287 = tpu.memref_slice %arg2[%dma_start3A_285, %dma_start3A_286] : memref<10000x16xf32, #tpu.memory_space<hbm>> -> memref<10000x16xf32, #tpu.memory_space<hbm>>
        tpu.enqueue_indirect_dma source(%dma_start3A_287 : memref<10000x16xf32, #tpu.memory_space<hbm>>) target(%dma_start3A_283 : memref<400x16xf32, #tpu.memory_space<vmem>>) offsets(%dma_start3A_284 : memref<400xi32, #tpu.memory_space<vmem>>) semaphore(%arg9 : memref<!tpu.dma_semaphore, #tpu.memory_space<semaphore_mem>>)
      } else {
      }
      %mul3A_234 = arith.constant 5 : i32
      %mul3A_235 = arith.muli %mul3A_234, %scan3A_82 : i32
      %add3A_236 = arith.constant 4 : i32
      %add3A_237 = arith.addi %mul3A_235, %add3A_236 : i32
      %dma_wait3A_238 = arith.constant 0 : i32
      %dma_wait3A_239 = arith.constant 0 : i32
      %dma_wait3A_240 = arith.constant 0 : i32
      %dma_wait3A_241 = tpu.memref_slice %arg7[%dma_wait3A_238, %dma_wait3A_239, %dma_wait3A_240] : memref<5x400x16xf32, #tpu.memory_space<vmem>> -> memref<1x400x16xf32, #tpu.memory_space<vmem>>
      %dma_wait3A_242 = tpu.memref_squeeze %dma_wait3A_241 : memref<1x400x16xf32, #tpu.memory_space<vmem>> -> memref<400x16xf32, #tpu.memory_space<vmem>>
      %dma_wait3A_243 = arith.constant 0 : i32
      %dma_wait3A_244 = tpu.memref_slice %arg5[%dma_wait3A_243] : memref<10000xi32, #tpu.memory_space<vmem>> -> memref<400xi32, #tpu.memory_space<vmem>>
      %dma_wait3A_245 = arith.constant 0 : i32
      %dma_wait3A_246 = arith.constant 0 : i32
      %dma_wait3A_247 = tpu.memref_slice %arg2[%dma_wait3A_245, %dma_wait3A_246] : memref<10000x16xf32, #tpu.memory_space<hbm>> -> memref<10000x16xf32, #tpu.memory_space<hbm>>
      tpu.wait_indirect_dma semaphore(%arg9 : memref<!tpu.dma_semaphore, #tpu.memory_space<semaphore_mem>>) src(%dma_wait3A_247 : memref<10000x16xf32, #tpu.memory_space<hbm>>) dst(%dma_wait3A_242 : memref<400x16xf32, #tpu.memory_space<vmem>>)
      %mul3A_248 = arith.constant 400 : i32
      %mul3A_249 = arith.muli %add3A_237, %mul3A_248 : i32
      %dma_start3A_250 = arith.constant 4 : i32
      %dma_start3A_251 = arith.constant 0 : i32
      %dma_start3A_252 = arith.constant 0 : i32
      %dma_start3A_253 = tpu.memref_slice %arg7[%dma_start3A_250, %dma_start3A_251, %dma_start3A_252] : memref<5x400x16xf32, #tpu.memory_space<vmem>> -> memref<1x400x16xf32, #tpu.memory_space<vmem>>
      %dma_start3A_254 = tpu.memref_squeeze %dma_start3A_253 : memref<1x400x16xf32, #tpu.memory_space<vmem>> -> memref<400x16xf32, #tpu.memory_space<vmem>>
      %dma_start3A_255 = tpu.memref_slice %arg6[%mul3A_249] : memref<10000xi32, #tpu.memory_space<vmem>> -> memref<400xi32, #tpu.memory_space<vmem>>
      %dma_start3A_256 = arith.constant 0 : i32
      %dma_start3A_257 = arith.constant 0 : i32
      %dma_start3A_258 = tpu.memref_slice %arg8[%dma_start3A_256, %dma_start3A_257] : memref<10000x16xf32, #tpu.memory_space<vmem_shared>> -> memref<10000x16xf32, #tpu.memory_space<vmem_shared>>
      tpu.enqueue_indirect_dma source(%dma_start3A_254 : memref<400x16xf32, #tpu.memory_space<vmem>>) target(%dma_start3A_258 : memref<10000x16xf32, #tpu.memory_space<vmem_shared>>) offsets(%dma_start3A_255 : memref<400xi32, #tpu.memory_space<vmem>>) semaphore(%arg10 : memref<!tpu.dma_semaphore, #tpu.memory_space<semaphore_mem>>) {add = true}
      %dma_wait3A_259 = arith.constant 0 : i32
      %dma_wait3A_260 = arith.constant 0 : i32
      %dma_wait3A_261 = arith.constant 0 : i32
      %dma_wait3A_262 = tpu.memref_slice %arg7[%dma_wait3A_259, %dma_wait3A_260, %dma_wait3A_261] : memref<5x400x16xf32, #tpu.memory_space<vmem>> -> memref<1x400x16xf32, #tpu.memory_space<vmem>>
      %dma_wait3A_263 = tpu.memref_squeeze %dma_wait3A_262 : memref<1x400x16xf32, #tpu.memory_space<vmem>> -> memref<400x16xf32, #tpu.memory_space<vmem>>
      %dma_wait3A_264 = arith.constant 0 : i32
      %dma_wait3A_265 = tpu.memref_slice %arg6[%dma_wait3A_264] : memref<10000xi32, #tpu.memory_space<vmem>> -> memref<400xi32, #tpu.memory_space<vmem>>
      %dma_wait3A_266 = arith.constant 0 : i32
      %dma_wait3A_267 = arith.constant 0 : i32
      %dma_wait3A_268 = tpu.memref_slice %arg8[%dma_wait3A_266, %dma_wait3A_267] : memref<10000x16xf32, #tpu.memory_space<vmem_shared>> -> memref<10000x16xf32, #tpu.memory_space<vmem_shared>>
      tpu.wait_indirect_dma semaphore(%arg10 : memref<!tpu.dma_semaphore, #tpu.memory_space<semaphore_mem>>) src(%dma_wait3A_263 : memref<400x16xf32, #tpu.memory_space<vmem>>) dst(%dma_wait3A_268 : memref<10000x16xf32, #tpu.memory_space<vmem_shared>>)
      %lt3A_269 = arith.constant 21 : i32
      %lt3A_270 = arith.cmpi slt, %add3A_237, %lt3A_269 : i32
      %convert_element_type3A_271 = arith.extui %lt3A_270 : i1 to i32
      %cond3A_272 = arith.constant 0 : i32
      %cond3A_273 = arith.cmpi ne, %convert_element_type3A_271, %cond3A_272 : i32
      scf.if %cond3A_273 {
        %add3A_274 = arith.constant 5 : i32
        %add3A_275 = arith.addi %add3A_237, %add3A_274 : i32
        %sub3A = arith.constant 1 : i32
        %sub3A_276 = arith.subi %add3A_275, %sub3A : i32
        %mul3A_277 = arith.constant 400 : i32
        %mul3A_278 = arith.muli %sub3A_276, %mul3A_277 : i32
        %dma_start3A_279 = arith.constant 3 : i32
        %dma_start3A_280 = arith.constant 0 : i32
        %dma_start3A_281 = arith.constant 0 : i32
        %dma_start3A_282 = tpu.memref_slice %arg7[%dma_start3A_279, %dma_start3A_280, %dma_start3A_281] : memref<5x400x16xf32, #tpu.memory_space<vmem>> -> memref<1x400x16xf32, #tpu.memory_space<vmem>>
        %dma_start3A_283 = tpu.memref_squeeze %dma_start3A_282 : memref<1x400x16xf32, #tpu.memory_space<vmem>> -> memref<400x16xf32, #tpu.memory_space<vmem>>
        %dma_start3A_284 = tpu.memref_slice %arg5[%mul3A_278] : memref<10000xi32, #tpu.memory_space<vmem>> -> memref<400xi32, #tpu.memory_space<vmem>>
        %dma_start3A_285 = arith.constant 0 : i32
        %dma_start3A_286 = arith.constant 0 : i32
        %dma_start3A_287 = tpu.memref_slice %arg2[%dma_start3A_285, %dma_start3A_286] : memref<10000x16xf32, #tpu.memory_space<hbm>> -> memref<10000x16xf32, #tpu.memory_space<hbm>>
        tpu.enqueue_indirect_dma source(%dma_start3A_287 : memref<10000x16xf32, #tpu.memory_space<hbm>>) target(%dma_start3A_283 : memref<400x16xf32, #tpu.memory_space<vmem>>) offsets(%dma_start3A_284 : memref<400xi32, #tpu.memory_space<vmem>>) semaphore(%arg9 : memref<!tpu.dma_semaphore, #tpu.memory_space<semaphore_mem>>)
      } else {
      }
    }
    %scan3A_68 = arith.constant 5 : i32
    %dma_wait3A = arith.constant 0 : i32
    %dma_wait3A_69 = arith.constant 0 : i32
    %dma_wait3A_70 = arith.constant 0 : i32
    %dma_wait3A_71 = tpu.memref_slice %arg7[%dma_wait3A, %dma_wait3A_69, %dma_wait3A_70] : memref<5x400x16xf32, #tpu.memory_space<vmem>> -> memref<1x400x16xf32, #tpu.memory_space<vmem>>
    %dma_wait3A_72 = tpu.memref_squeeze %dma_wait3A_71 : memref<1x400x16xf32, #tpu.memory_space<vmem>> -> memref<400x16xf32, #tpu.memory_space<vmem>>
    %dma_wait3A_73 = arith.constant 0 : i32
    %dma_wait3A_74 = tpu.memref_slice %arg6[%dma_wait3A_73] : memref<10000xi32, #tpu.memory_space<vmem>> -> memref<400xi32, #tpu.memory_space<vmem>>
    %dma_wait3A_75 = arith.constant 0 : i32
    %dma_wait3A_76 = arith.constant 0 : i32
    %dma_wait3A_77 = tpu.memref_slice %arg8[%dma_wait3A_75, %dma_wait3A_76] : memref<10000x16xf32, #tpu.memory_space<vmem_shared>> -> memref<10000x16xf32, #tpu.memory_space<vmem_shared>>
    tpu.wait_indirect_dma semaphore(%arg10 : memref<!tpu.dma_semaphore, #tpu.memory_space<semaphore_mem>>) src(%dma_wait3A_72 : memref<400x16xf32, #tpu.memory_space<vmem>>) dst(%dma_wait3A_77 : memref<10000x16xf32, #tpu.memory_space<vmem_shared>>)
    %scan3A_78 = arith.constant 1 : i32
    %barrier3A_79 = arith.constant 0 : index
    tpu.barrier barrier_id(%barrier3A_79)
    %mul3A_80 = arith.constant 625 : i32
    %mul3A_81 = arith.muli %arg1, %mul3A_80 : i32
    "tpu.region"() ({
      %run_scoped3A_82 = tpu.sem_alloc : memref<!tpu.dma_semaphore, #tpu.memory_space<semaphore_mem>>
      %dma_start3A_83 = arith.constant 0 : i32
      %dma_start3A_84 = tpu.memref_slice %arg4[%arg0, %mul3A_81, %dma_start3A_83] : memref<2x10000x16xf32, #tpu.memory_space<hbm>> -> memref<1x625x16xf32, #tpu.memory_space<hbm>>
      %dma_start3A_85 = tpu.memref_squeeze %dma_start3A_84 : memref<1x625x16xf32, #tpu.memory_space<hbm>> -> memref<625x16xf32, #tpu.memory_space<hbm>>
      %dma_start3A_86 = arith.constant 0 : i32
      %dma_start3A_87 = tpu.memref_slice %arg8[%mul3A_81, %dma_start3A_86] : memref<10000x16xf32, #tpu.memory_space<vmem_shared>> -> memref<625x16xf32, #tpu.memory_space<vmem_shared>>
      tpu.enqueue_dma source(%dma_start3A_87 : memref<625x16xf32, #tpu.memory_space<vmem_shared>>) target(%dma_start3A_85 : memref<625x16xf32, #tpu.memory_space<hbm>>) target_semaphore(%run_scoped3A_82 : memref<!tpu.dma_semaphore, #tpu.memory_space<semaphore_mem>>)
      %dma_wait3A_88 = arith.constant 0 : i32
      %dma_wait3A_89 = tpu.memref_slice %arg4[%arg0, %mul3A_81, %dma_wait3A_88] : memref<2x10000x16xf32, #tpu.memory_space<hbm>> -> memref<1x625x16xf32, #tpu.memory_space<hbm>>
      %dma_wait3A_90 = tpu.memref_squeeze %dma_wait3A_89 : memref<1x625x16xf32, #tpu.memory_space<hbm>> -> memref<625x16xf32, #tpu.memory_space<hbm>>
      %dma_wait3A_91 = arith.constant 0 : i32
      %dma_wait3A_92 = tpu.memref_slice %arg8[%mul3A_81, %dma_wait3A_91] : memref<10000x16xf32, #tpu.memory_space<vmem_shared>> -> memref<625x16xf32, #tpu.memory_space<vmem_shared>>
      tpu.wait_dma2 semaphore(%run_scoped3A_82 : memref<!tpu.dma_semaphore, #tpu.memory_space<semaphore_mem>>) src(%dma_wait3A_92 : memref<625x16xf32, #tpu.memory_space<vmem_shared>>) dst(%dma_wait3A_90 : memref<625x16xf32, #tpu.memory_space<hbm>>)
      tpu.yield
    }) : () -> ()
    return
  }
}

#map = affine_map<(d0, d1) -> (0, 0)>
#map1 = affine_map<(d0, d1) -> (0, 0, 0)>
module attributes {stable_mosaic.version = 14 : i64} {
  func.func @deg_kernel(%arg0: i32, %arg1: i32, %arg2: memref<2x320000xi32, #tpu.memory_space<hbm>>, %arg3: memref<2x10000x16xf32, #tpu.memory_space<hbm>>, %arg4: memref<10000xi32, #tpu.memory_space<vmem>>, %arg5: memref<80x16xf32, #tpu.memory_space<vmem>>, %arg6: memref<80x16xf32, #tpu.memory_space<vmem>>, %arg7: memref<10000x16xf32, #tpu.memory_space<vmem_shared>>, %arg8: memref<!tpu.dma_semaphore, #tpu.memory_space<semaphore_mem>>) attributes {dimension_semantics = [#tpu.dimension_semantics<core_parallel>, #tpu.dimension_semantics<subcore_parallel>], iteration_bounds = array<i64: 2, 16>, scalar_prefetch = 0 : i64, scratch_operands = 5 : i64, tpu.core_type = #tpu.core_type<sc_vector_subcore>, window_params = [{transform_indices = #map}, {transform_indices = #map1}]} {
    %mul3A = arith.constant 16 : i32
    %mul3A_0 = arith.muli %arg0, %mul3A : i32
    %add3A = arith.addi %mul3A_0, %arg1 : i32
    %broadcast_in_dim3A = arith.constant 0.000000e+00 : f32
    %broadcast_in_dim3A_1 = vector.broadcast %broadcast_in_dim3A : f32 to vector<16xf32>
    %scan3A = arith.constant 0 : i32
    %scan3A_2 = arith.constant 0 : i32
    %scan3A_3 = arith.constant 80 : i32
    %scan3A_4 = arith.addi %scan3A_2, %scan3A_3 : i32
    %scan3A_5 = arith.constant 1 : i32
    scf.for %scan3A_62 = %scan3A_2 to %scan3A_4 step %scan3A_5  : i32 {
      %jit3A = arith.constant 1 : i32
      %div3A = arith.divsi %scan3A_62, %jit3A : i32
      %sign3A = arith.constant 0 : i32
      %sign3A_63 = arith.cmpi sgt, %scan3A_62, %sign3A : i32
      %sign3A_64 = arith.extui %sign3A_63 : i1 to i32
      %sign3A_65 = arith.constant 0 : i32
      %sign3A_66 = arith.cmpi slt, %scan3A_62, %sign3A_65 : i32
      %sign3A_67 = arith.extui %sign3A_66 : i1 to i32
      %sign3A_68 = arith.subi %sign3A_64, %sign3A_67 : i32
      %sign3A_69 = arith.constant 0 : i32
      %sign3A_70 = arith.cmpi sgt, %jit3A, %sign3A_69 : i32
      %sign3A_71 = arith.extui %sign3A_70 : i1 to i32
      %sign3A_72 = arith.constant 0 : i32
      %sign3A_73 = arith.cmpi slt, %jit3A, %sign3A_72 : i32
      %sign3A_74 = arith.extui %sign3A_73 : i1 to i32
      %sign3A_75 = arith.subi %sign3A_71, %sign3A_74 : i32
      %ne3A = arith.cmpi ne, %sign3A_68, %sign3A_75 : i32
      %rem3A = arith.remsi %scan3A_62, %jit3A : i32
      %ne3A_76 = arith.constant 0 : i32
      %ne3A_77 = arith.cmpi ne, %rem3A, %ne3A_76 : i32
      %and3A = arith.andi %ne3A, %ne3A_77 : i1
      %sub3A = arith.constant 1 : i32
      %sub3A_78 = arith.subi %div3A, %sub3A : i32
      %select_n3A = arith.select %and3A, %sub3A_78, %div3A : i32
      %mul3A_79 = arith.constant 1 : i32
      %mul3A_80 = arith.muli %select_n3A, %mul3A_79 : i32
      %sub3A_81 = arith.subi %scan3A_62, %mul3A_80 : i32
      %mul3A_82 = arith.constant 16 : i32
      %mul3A_83 = arith.muli %sub3A_81, %mul3A_82 : i32
      %swap3A = arith.index_cast %select_n3A : i32 to index
      %swap3A_84 = arith.index_cast %mul3A_83 : i32 to index
      %swap3A_85 = tpu.vector_load %arg6[%swap3A, %swap3A_84] {strides = array<i32>} : memref<80x16xf32, #tpu.memory_space<vmem>>, vector<1x16xf32>,
      %swap3A_86 = vector.shape_cast %swap3A_85 : vector<1x16xf32> to vector<16xf32>
      %swap3A_87 = vector.shape_cast %broadcast_in_dim3A_1 : vector<16xf32> to vector<1x16xf32>
      tpu.vector_store %arg6[%swap3A, %swap3A_84], %swap3A_87 {strides = array<i32>} : memref<80x16xf32, #tpu.memory_space<vmem>>, vector<1x16xf32>,
    }
    %scan3A_6 = arith.constant 80 : i32
    %mul3A_7 = arith.constant 625 : i32
    %mul3A_8 = arith.muli %arg1, %mul3A_7 : i32
    %add3A_9 = arith.constant 0 : i32
    %add3A_10 = arith.addi %mul3A_8, %add3A_9 : i32
    "tpu.region"() ({
      %run_scoped3A_62 = tpu.sem_alloc : memref<!tpu.dma_semaphore, #tpu.memory_space<semaphore_mem>>
      %dma_start3A_63 = arith.constant 0 : i32
      %dma_start3A_64 = tpu.memref_slice %arg7[%add3A_10, %dma_start3A_63] : memref<10000x16xf32, #tpu.memory_space<vmem_shared>> -> memref<80x16xf32, #tpu.memory_space<vmem_shared>>
      %dma_start3A_65 = arith.constant 0 : i32
      %dma_start3A_66 = tpu.memref_slice %arg7[%add3A_10, %dma_start3A_65] : memref<10000x16xf32, #tpu.memory_space<vmem_shared>> -> memref<80x16xf32, #tpu.memory_space<vmem_shared>>
      tpu.enqueue_dma source(%arg6 : memref<80x16xf32, #tpu.memory_space<vmem>>) target(%dma_start3A_66 : memref<80x16xf32, #tpu.memory_space<vmem_shared>>) target_semaphore(%run_scoped3A_62 : memref<!tpu.dma_semaphore, #tpu.memory_space<semaphore_mem>>)
      %dma_wait3A_67 = arith.constant 0 : i32
      %dma_wait3A_68 = tpu.memref_slice %arg7[%add3A_10, %dma_wait3A_67] : memref<10000x16xf32, #tpu.memory_space<vmem_shared>> -> memref<80x16xf32, #tpu.memory_space<vmem_shared>>
      %dma_wait3A_69 = arith.constant 0 : i32
      %dma_wait3A_70 = tpu.memref_slice %arg7[%add3A_10, %dma_wait3A_69] : memref<10000x16xf32, #tpu.memory_space<vmem_shared>> -> memref<80x16xf32, #tpu.memory_space<vmem_shared>>
      tpu.wait_dma2 semaphore(%run_scoped3A_62 : memref<!tpu.dma_semaphore, #tpu.memory_space<semaphore_mem>>) src(%arg6 : memref<80x16xf32, #tpu.memory_space<vmem>>) dst(%dma_wait3A_70 : memref<80x16xf32, #tpu.memory_space<vmem_shared>>)
      tpu.yield
    }) : () -> ()
    %add3A_11 = arith.constant 80 : i32
    %add3A_12 = arith.addi %mul3A_8, %add3A_11 : i32
    "tpu.region"() ({
      %run_scoped3A_62 = tpu.sem_alloc : memref<!tpu.dma_semaphore, #tpu.memory_space<semaphore_mem>>
      %dma_start3A_63 = arith.constant 0 : i32
      %dma_start3A_64 = tpu.memref_slice %arg7[%add3A_12, %dma_start3A_63] : memref<10000x16xf32, #tpu.memory_space<vmem_shared>> -> memref<80x16xf32, #tpu.memory_space<vmem_shared>>
      %dma_start3A_65 = arith.constant 0 : i32
      %dma_start3A_66 = tpu.memref_slice %arg7[%add3A_12, %dma_start3A_65] : memref<10000x16xf32, #tpu.memory_space<vmem_shared>> -> memref<80x16xf32, #tpu.memory_space<vmem_shared>>
      tpu.enqueue_dma source(%arg6 : memref<80x16xf32, #tpu.memory_space<vmem>>) target(%dma_start3A_66 : memref<80x16xf32, #tpu.memory_space<vmem_shared>>) target_semaphore(%run_scoped3A_62 : memref<!tpu.dma_semaphore, #tpu.memory_space<semaphore_mem>>)
      %dma_wait3A_67 = arith.constant 0 : i32
      %dma_wait3A_68 = tpu.memref_slice %arg7[%add3A_12, %dma_wait3A_67] : memref<10000x16xf32, #tpu.memory_space<vmem_shared>> -> memref<80x16xf32, #tpu.memory_space<vmem_shared>>
      %dma_wait3A_69 = arith.constant 0 : i32
      %dma_wait3A_70 = tpu.memref_slice %arg7[%add3A_12, %dma_wait3A_69] : memref<10000x16xf32, #tpu.memory_space<vmem_shared>> -> memref<80x16xf32, #tpu.memory_space<vmem_shared>>
      tpu.wait_dma2 semaphore(%run_scoped3A_62 : memref<!tpu.dma_semaphore, #tpu.memory_space<semaphore_mem>>) src(%arg6 : memref<80x16xf32, #tpu.memory_space<vmem>>) dst(%dma_wait3A_70 : memref<80x16xf32, #tpu.memory_space<vmem_shared>>)
      tpu.yield
    }) : () -> ()
    %add3A_13 = arith.constant 160 : i32
    %add3A_14 = arith.addi %mul3A_8, %add3A_13 : i32
    "tpu.region"() ({
      %run_scoped3A_62 = tpu.sem_alloc : memref<!tpu.dma_semaphore, #tpu.memory_space<semaphore_mem>>
      %dma_start3A_63 = arith.constant 0 : i32
      %dma_start3A_64 = tpu.memref_slice %arg7[%add3A_14, %dma_start3A_63] : memref<10000x16xf32, #tpu.memory_space<vmem_shared>> -> memref<80x16xf32, #tpu.memory_space<vmem_shared>>
      %dma_start3A_65 = arith.constant 0 : i32
      %dma_start3A_66 = tpu.memref_slice %arg7[%add3A_14, %dma_start3A_65] : memref<10000x16xf32, #tpu.memory_space<vmem_shared>> -> memref<80x16xf32, #tpu.memory_space<vmem_shared>>
      tpu.enqueue_dma source(%arg6 : memref<80x16xf32, #tpu.memory_space<vmem>>) target(%dma_start3A_66 : memref<80x16xf32, #tpu.memory_space<vmem_shared>>) target_semaphore(%run_scoped3A_62 : memref<!tpu.dma_semaphore, #tpu.memory_space<semaphore_mem>>)
      %dma_wait3A_67 = arith.constant 0 : i32
      %dma_wait3A_68 = tpu.memref_slice %arg7[%add3A_14, %dma_wait3A_67] : memref<10000x16xf32, #tpu.memory_space<vmem_shared>> -> memref<80x16xf32, #tpu.memory_space<vmem_shared>>
      %dma_wait3A_69 = arith.constant 0 : i32
      %dma_wait3A_70 = tpu.memref_slice %arg7[%add3A_14, %dma_wait3A_69] : memref<10000x16xf32, #tpu.memory_space<vmem_shared>> -> memref<80x16xf32, #tpu.memory_space<vmem_shared>>
      tpu.wait_dma2 semaphore(%run_scoped3A_62 : memref<!tpu.dma_semaphore, #tpu.memory_space<semaphore_mem>>) src(%arg6 : memref<80x16xf32, #tpu.memory_space<vmem>>) dst(%dma_wait3A_70 : memref<80x16xf32, #tpu.memory_space<vmem_shared>>)
      tpu.yield
    }) : () -> ()
    %add3A_15 = arith.constant 240 : i32
    %add3A_16 = arith.addi %mul3A_8, %add3A_15 : i32
    "tpu.region"() ({
      %run_scoped3A_62 = tpu.sem_alloc : memref<!tpu.dma_semaphore, #tpu.memory_space<semaphore_mem>>
      %dma_start3A_63 = arith.constant 0 : i32
      %dma_start3A_64 = tpu.memref_slice %arg7[%add3A_16, %dma_start3A_63] : memref<10000x16xf32, #tpu.memory_space<vmem_shared>> -> memref<80x16xf32, #tpu.memory_space<vmem_shared>>
      %dma_start3A_65 = arith.constant 0 : i32
      %dma_start3A_66 = tpu.memref_slice %arg7[%add3A_16, %dma_start3A_65] : memref<10000x16xf32, #tpu.memory_space<vmem_shared>> -> memref<80x16xf32, #tpu.memory_space<vmem_shared>>
      tpu.enqueue_dma source(%arg6 : memref<80x16xf32, #tpu.memory_space<vmem>>) target(%dma_start3A_66 : memref<80x16xf32, #tpu.memory_space<vmem_shared>>) target_semaphore(%run_scoped3A_62 : memref<!tpu.dma_semaphore, #tpu.memory_space<semaphore_mem>>)
      %dma_wait3A_67 = arith.constant 0 : i32
      %dma_wait3A_68 = tpu.memref_slice %arg7[%add3A_16, %dma_wait3A_67] : memref<10000x16xf32, #tpu.memory_space<vmem_shared>> -> memref<80x16xf32, #tpu.memory_space<vmem_shared>>
      %dma_wait3A_69 = arith.constant 0 : i32
      %dma_wait3A_70 = tpu.memref_slice %arg7[%add3A_16, %dma_wait3A_69] : memref<10000x16xf32, #tpu.memory_space<vmem_shared>> -> memref<80x16xf32, #tpu.memory_space<vmem_shared>>
      tpu.wait_dma2 semaphore(%run_scoped3A_62 : memref<!tpu.dma_semaphore, #tpu.memory_space<semaphore_mem>>) src(%arg6 : memref<80x16xf32, #tpu.memory_space<vmem>>) dst(%dma_wait3A_70 : memref<80x16xf32, #tpu.memory_space<vmem_shared>>)
      tpu.yield
    }) : () -> ()
    %add3A_17 = arith.constant 320 : i32
    %add3A_18 = arith.addi %mul3A_8, %add3A_17 : i32
    "tpu.region"() ({
      %run_scoped3A_62 = tpu.sem_alloc : memref<!tpu.dma_semaphore, #tpu.memory_space<semaphore_mem>>
      %dma_start3A_63 = arith.constant 0 : i32
      %dma_start3A_64 = tpu.memref_slice %arg7[%add3A_18, %dma_start3A_63] : memref<10000x16xf32, #tpu.memory_space<vmem_shared>> -> memref<80x16xf32, #tpu.memory_space<vmem_shared>>
      %dma_start3A_65 = arith.constant 0 : i32
      %dma_start3A_66 = tpu.memref_slice %arg7[%add3A_18, %dma_start3A_65] : memref<10000x16xf32, #tpu.memory_space<vmem_shared>> -> memref<80x16xf32, #tpu.memory_space<vmem_shared>>
      tpu.enqueue_dma source(%arg6 : memref<80x16xf32, #tpu.memory_space<vmem>>) target(%dma_start3A_66 : memref<80x16xf32, #tpu.memory_space<vmem_shared>>) target_semaphore(%run_scoped3A_62 : memref<!tpu.dma_semaphore, #tpu.memory_space<semaphore_mem>>)
      %dma_wait3A_67 = arith.constant 0 : i32
      %dma_wait3A_68 = tpu.memref_slice %arg7[%add3A_18, %dma_wait3A_67] : memref<10000x16xf32, #tpu.memory_space<vmem_shared>> -> memref<80x16xf32, #tpu.memory_space<vmem_shared>>
      %dma_wait3A_69 = arith.constant 0 : i32
      %dma_wait3A_70 = tpu.memref_slice %arg7[%add3A_18, %dma_wait3A_69] : memref<10000x16xf32, #tpu.memory_space<vmem_shared>> -> memref<80x16xf32, #tpu.memory_space<vmem_shared>>
      tpu.wait_dma2 semaphore(%run_scoped3A_62 : memref<!tpu.dma_semaphore, #tpu.memory_space<semaphore_mem>>) src(%arg6 : memref<80x16xf32, #tpu.memory_space<vmem>>) dst(%dma_wait3A_70 : memref<80x16xf32, #tpu.memory_space<vmem_shared>>)
      tpu.yield
    }) : () -> ()
    %add3A_19 = arith.constant 400 : i32
    %add3A_20 = arith.addi %mul3A_8, %add3A_19 : i32
    "tpu.region"() ({
      %run_scoped3A_62 = tpu.sem_alloc : memref<!tpu.dma_semaphore, #tpu.memory_space<semaphore_mem>>
      %dma_start3A_63 = arith.constant 0 : i32
      %dma_start3A_64 = tpu.memref_slice %arg7[%add3A_20, %dma_start3A_63] : memref<10000x16xf32, #tpu.memory_space<vmem_shared>> -> memref<80x16xf32, #tpu.memory_space<vmem_shared>>
      %dma_start3A_65 = arith.constant 0 : i32
      %dma_start3A_66 = tpu.memref_slice %arg7[%add3A_20, %dma_start3A_65] : memref<10000x16xf32, #tpu.memory_space<vmem_shared>> -> memref<80x16xf32, #tpu.memory_space<vmem_shared>>
      tpu.enqueue_dma source(%arg6 : memref<80x16xf32, #tpu.memory_space<vmem>>) target(%dma_start3A_66 : memref<80x16xf32, #tpu.memory_space<vmem_shared>>) target_semaphore(%run_scoped3A_62 : memref<!tpu.dma_semaphore, #tpu.memory_space<semaphore_mem>>)
      %dma_wait3A_67 = arith.constant 0 : i32
      %dma_wait3A_68 = tpu.memref_slice %arg7[%add3A_20, %dma_wait3A_67] : memref<10000x16xf32, #tpu.memory_space<vmem_shared>> -> memref<80x16xf32, #tpu.memory_space<vmem_shared>>
      %dma_wait3A_69 = arith.constant 0 : i32
      %dma_wait3A_70 = tpu.memref_slice %arg7[%add3A_20, %dma_wait3A_69] : memref<10000x16xf32, #tpu.memory_space<vmem_shared>> -> memref<80x16xf32, #tpu.memory_space<vmem_shared>>
      tpu.wait_dma2 semaphore(%run_scoped3A_62 : memref<!tpu.dma_semaphore, #tpu.memory_space<semaphore_mem>>) src(%arg6 : memref<80x16xf32, #tpu.memory_space<vmem>>) dst(%dma_wait3A_70 : memref<80x16xf32, #tpu.memory_space<vmem_shared>>)
      tpu.yield
    }) : () -> ()
    %add3A_21 = arith.constant 480 : i32
    %add3A_22 = arith.addi %mul3A_8, %add3A_21 : i32
    "tpu.region"() ({
      %run_scoped3A_62 = tpu.sem_alloc : memref<!tpu.dma_semaphore, #tpu.memory_space<semaphore_mem>>
      %dma_start3A_63 = arith.constant 0 : i32
      %dma_start3A_64 = tpu.memref_slice %arg7[%add3A_22, %dma_start3A_63] : memref<10000x16xf32, #tpu.memory_space<vmem_shared>> -> memref<80x16xf32, #tpu.memory_space<vmem_shared>>
      %dma_start3A_65 = arith.constant 0 : i32
      %dma_start3A_66 = tpu.memref_slice %arg7[%add3A_22, %dma_start3A_65] : memref<10000x16xf32, #tpu.memory_space<vmem_shared>> -> memref<80x16xf32, #tpu.memory_space<vmem_shared>>
      tpu.enqueue_dma source(%arg6 : memref<80x16xf32, #tpu.memory_space<vmem>>) target(%dma_start3A_66 : memref<80x16xf32, #tpu.memory_space<vmem_shared>>) target_semaphore(%run_scoped3A_62 : memref<!tpu.dma_semaphore, #tpu.memory_space<semaphore_mem>>)
      %dma_wait3A_67 = arith.constant 0 : i32
      %dma_wait3A_68 = tpu.memref_slice %arg7[%add3A_22, %dma_wait3A_67] : memref<10000x16xf32, #tpu.memory_space<vmem_shared>> -> memref<80x16xf32, #tpu.memory_space<vmem_shared>>
      %dma_wait3A_69 = arith.constant 0 : i32
      %dma_wait3A_70 = tpu.memref_slice %arg7[%add3A_22, %dma_wait3A_69] : memref<10000x16xf32, #tpu.memory_space<vmem_shared>> -> memref<80x16xf32, #tpu.memory_space<vmem_shared>>
      tpu.wait_dma2 semaphore(%run_scoped3A_62 : memref<!tpu.dma_semaphore, #tpu.memory_space<semaphore_mem>>) src(%arg6 : memref<80x16xf32, #tpu.memory_space<vmem>>) dst(%dma_wait3A_70 : memref<80x16xf32, #tpu.memory_space<vmem_shared>>)
      tpu.yield
    }) : () -> ()
    %add3A_23 = arith.constant 560 : i32
    %add3A_24 = arith.addi %mul3A_8, %add3A_23 : i32
    "tpu.region"() ({
      %run_scoped3A_62 = tpu.sem_alloc : memref<!tpu.dma_semaphore, #tpu.memory_space<semaphore_mem>>
      %dma_start3A_63 = arith.constant 0 : i32
      %dma_start3A_64 = arith.constant 0 : i32
      %dma_start3A_65 = tpu.memref_slice %arg6[%dma_start3A_63, %dma_start3A_64] : memref<80x16xf32, #tpu.memory_space<vmem>> -> memref<65x16xf32, #tpu.memory_space<vmem>>
      %dma_start3A_66 = arith.constant 0 : i32
      %dma_start3A_67 = tpu.memref_slice %arg7[%add3A_24, %dma_start3A_66] : memref<10000x16xf32, #tpu.memory_space<vmem_shared>> -> memref<65x16xf32, #tpu.memory_space<vmem_shared>>
      %dma_start3A_68 = arith.constant 0 : i32
      %dma_start3A_69 = tpu.memref_slice %arg7[%add3A_24, %dma_start3A_68] : memref<10000x16xf32, #tpu.memory_space<vmem_shared>> -> memref<65x16xf32, #tpu.memory_space<vmem_shared>>
      %dma_start3A_70 = arith.constant 0 : i32
      %dma_start3A_71 = arith.constant 0 : i32
      %dma_start3A_72 = tpu.memref_slice %arg6[%dma_start3A_70, %dma_start3A_71] : memref<80x16xf32, #tpu.memory_space<vmem>> -> memref<65x16xf32, #tpu.memory_space<vmem>>
      tpu.enqueue_dma source(%dma_start3A_72 : memref<65x16xf32, #tpu.memory_space<vmem>>) target(%dma_start3A_69 : memref<65x16xf32, #tpu.memory_space<vmem_shared>>) target_semaphore(%run_scoped3A_62 : memref<!tpu.dma_semaphore, #tpu.memory_space<semaphore_mem>>)
      %dma_wait3A_73 = arith.constant 0 : i32
      %dma_wait3A_74 = arith.constant 0 : i32
      %dma_wait3A_75 = tpu.memref_slice %arg6[%dma_wait3A_73, %dma_wait3A_74] : memref<80x16xf32, #tpu.memory_space<vmem>> -> memref<65x16xf32, #tpu.memory_space<vmem>>
      %dma_wait3A_76 = arith.constant 0 : i32
      %dma_wait3A_77 = tpu.memref_slice %arg7[%add3A_24, %dma_wait3A_76] : memref<10000x16xf32, #tpu.memory_space<vmem_shared>> -> memref<65x16xf32, #tpu.memory_space<vmem_shared>>
      %dma_wait3A_78 = arith.constant 0 : i32
      %dma_wait3A_79 = tpu.memref_slice %arg7[%add3A_24, %dma_wait3A_78] : memref<10000x16xf32, #tpu.memory_space<vmem_shared>> -> memref<65x16xf32, #tpu.memory_space<vmem_shared>>
      %dma_wait3A_80 = arith.constant 0 : i32
      %dma_wait3A_81 = arith.constant 0 : i32
      %dma_wait3A_82 = tpu.memref_slice %arg6[%dma_wait3A_80, %dma_wait3A_81] : memref<80x16xf32, #tpu.memory_space<vmem>> -> memref<65x16xf32, #tpu.memory_space<vmem>>
      tpu.wait_dma2 semaphore(%run_scoped3A_62 : memref<!tpu.dma_semaphore, #tpu.memory_space<semaphore_mem>>) src(%dma_wait3A_82 : memref<65x16xf32, #tpu.memory_space<vmem>>) dst(%dma_wait3A_79 : memref<65x16xf32, #tpu.memory_space<vmem_shared>>)
      tpu.yield
    }) : () -> ()
    %broadcast_in_dim3A_25 = arith.constant 1.000000e+00 : f32
    %broadcast_in_dim3A_26 = vector.broadcast %broadcast_in_dim3A_25 : f32 to vector<16xf32>
    %scan3A_27 = arith.constant 0 : i32
    %scan3A_28 = arith.constant 0 : i32
    %scan3A_29 = arith.constant 80 : i32
    %scan3A_30 = arith.addi %scan3A_28, %scan3A_29 : i32
    %scan3A_31 = arith.constant 1 : i32
    scf.for %scan3A_62 = %scan3A_28 to %scan3A_30 step %scan3A_31  : i32 {
      %jit3A = arith.constant 1 : i32
      %div3A = arith.divsi %scan3A_62, %jit3A : i32
      %sign3A = arith.constant 0 : i32
      %sign3A_63 = arith.cmpi sgt, %scan3A_62, %sign3A : i32
      %sign3A_64 = arith.extui %sign3A_63 : i1 to i32
      %sign3A_65 = arith.constant 0 : i32
      %sign3A_66 = arith.cmpi slt, %scan3A_62, %sign3A_65 : i32
      %sign3A_67 = arith.extui %sign3A_66 : i1 to i32
      %sign3A_68 = arith.subi %sign3A_64, %sign3A_67 : i32
      %sign3A_69 = arith.constant 0 : i32
      %sign3A_70 = arith.cmpi sgt, %jit3A, %sign3A_69 : i32
      %sign3A_71 = arith.extui %sign3A_70 : i1 to i32
      %sign3A_72 = arith.constant 0 : i32
      %sign3A_73 = arith.cmpi slt, %jit3A, %sign3A_72 : i32
      %sign3A_74 = arith.extui %sign3A_73 : i1 to i32
      %sign3A_75 = arith.subi %sign3A_71, %sign3A_74 : i32
      %ne3A = arith.cmpi ne, %sign3A_68, %sign3A_75 : i32
      %rem3A = arith.remsi %scan3A_62, %jit3A : i32
      %ne3A_76 = arith.constant 0 : i32
      %ne3A_77 = arith.cmpi ne, %rem3A, %ne3A_76 : i32
      %and3A = arith.andi %ne3A, %ne3A_77 : i1
      %sub3A = arith.constant 1 : i32
      %sub3A_78 = arith.subi %div3A, %sub3A : i32
      %select_n3A = arith.select %and3A, %sub3A_78, %div3A : i32
      %mul3A_79 = arith.constant 1 : i32
      %mul3A_80 = arith.muli %select_n3A, %mul3A_79 : i32
      %sub3A_81 = arith.subi %scan3A_62, %mul3A_80 : i32
      %mul3A_82 = arith.constant 16 : i32
      %mul3A_83 = arith.muli %sub3A_81, %mul3A_82 : i32
      %swap3A = arith.index_cast %select_n3A : i32 to index
      %swap3A_84 = arith.index_cast %mul3A_83 : i32 to index
      %swap3A_85 = tpu.vector_load %arg5[%swap3A, %swap3A_84] {strides = array<i32>} : memref<80x16xf32, #tpu.memory_space<vmem>>, vector<1x16xf32>,
      %swap3A_86 = vector.shape_cast %swap3A_85 : vector<1x16xf32> to vector<16xf32>
      %swap3A_87 = vector.shape_cast %broadcast_in_dim3A_26 : vector<16xf32> to vector<1x16xf32>
      tpu.vector_store %arg5[%swap3A, %swap3A_84], %swap3A_87 {strides = array<i32>} : memref<80x16xf32, #tpu.memory_space<vmem>>, vector<1x16xf32>,
    }
    %scan3A_32 = arith.constant 80 : i32
    %mul3A_33 = arith.constant 10000 : i32
    %mul3A_34 = arith.muli %add3A, %mul3A_33 : i32
    %run_scoped3A = arith.constant 1 : i32
    "tpu.region"() ({
      %run_scoped3A_62 = tpu.sem_alloc : memref<!tpu.dma_semaphore, #tpu.memory_space<semaphore_mem>>
      %dma_start3A_63 = tpu.memref_slice %arg2[%run_scoped3A, %mul3A_34] : memref<2x320000xi32, #tpu.memory_space<hbm>> -> memref<1x10000xi32, #tpu.memory_space<hbm>>
      %dma_start3A_64 = tpu.memref_squeeze %dma_start3A_63 : memref<1x10000xi32, #tpu.memory_space<hbm>> -> memref<10000xi32, #tpu.memory_space<hbm>>
      %dma_start3A_65 = tpu.memref_slice %arg2[%run_scoped3A, %mul3A_34] : memref<2x320000xi32, #tpu.memory_space<hbm>> -> memref<1x10000xi32, #tpu.memory_space<hbm>>
      %dma_start3A_66 = tpu.memref_squeeze %dma_start3A_65 : memref<1x10000xi32, #tpu.memory_space<hbm>> -> memref<10000xi32, #tpu.memory_space<hbm>>
      tpu.enqueue_dma source(%dma_start3A_66 : memref<10000xi32, #tpu.memory_space<hbm>>) target(%arg4 : memref<10000xi32, #tpu.memory_space<vmem>>) target_semaphore(%run_scoped3A_62 : memref<!tpu.dma_semaphore, #tpu.memory_space<semaphore_mem>>)
      %dma_wait3A_67 = tpu.memref_slice %arg2[%run_scoped3A, %mul3A_34] : memref<2x320000xi32, #tpu.memory_space<hbm>> -> memref<1x10000xi32, #tpu.memory_space<hbm>>
      %dma_wait3A_68 = tpu.memref_squeeze %dma_wait3A_67 : memref<1x10000xi32, #tpu.memory_space<hbm>> -> memref<10000xi32, #tpu.memory_space<hbm>>
      %dma_wait3A_69 = tpu.memref_slice %arg2[%run_scoped3A, %mul3A_34] : memref<2x320000xi32, #tpu.memory_space<hbm>> -> memref<1x10000xi32, #tpu.memory_space<hbm>>
      %dma_wait3A_70 = tpu.memref_squeeze %dma_wait3A_69 : memref<1x10000xi32, #tpu.memory_space<hbm>> -> memref<10000xi32, #tpu.memory_space<hbm>>
      tpu.wait_dma2 semaphore(%run_scoped3A_62 : memref<!tpu.dma_semaphore, #tpu.memory_space<semaphore_mem>>) src(%dma_wait3A_70 : memref<10000xi32, #tpu.memory_space<hbm>>) dst(%arg4 : memref<10000xi32, #tpu.memory_space<vmem>>)
      tpu.yield
    }) : () -> ()
    %barrier3A = arith.constant 0 : index
    tpu.barrier barrier_id(%barrier3A)
    %dma_start3A = arith.constant 0 : i32
    %dma_start3A_35 = tpu.memref_slice %arg4[%dma_start3A] : memref<10000xi32, #tpu.memory_space<vmem>> -> memref<80xi32, #tpu.memory_space<vmem>>
    %dma_start3A_36 = arith.constant 0 : i32
    %dma_start3A_37 = arith.constant 0 : i32
    %dma_start3A_38 = tpu.memref_slice %arg7[%dma_start3A_36, %dma_start3A_37] : memref<10000x16xf32, #tpu.memory_space<vmem_shared>> -> memref<10000x16xf32, #tpu.memory_space<vmem_shared>>
    tpu.enqueue_indirect_dma source(%arg5 : memref<80x16xf32, #tpu.memory_space<vmem>>) target(%dma_start3A_38 : memref<10000x16xf32, #tpu.memory_space<vmem_shared>>) offsets(%dma_start3A_35 : memref<80xi32, #tpu.memory_space<vmem>>) semaphore(%arg8 : memref<!tpu.dma_semaphore, #tpu.memory_space<semaphore_mem>>) {add = true}
    %dma_start3A_39 = arith.constant 80 : i32
    %dma_start3A_40 = tpu.memref_slice %arg4[%dma_start3A_39] : memref<10000xi32, #tpu.memory_space<vmem>> -> memref<80xi32, #tpu.memory_space<vmem>>
    %dma_start3A_41 = arith.constant 0 : i32
    %dma_start3A_42 = arith.constant 0 : i32
    %dma_start3A_43 = tpu.memref_slice %arg7[%dma_start3A_41, %dma_start3A_42] : memref<10000x16xf32, #tpu.memory_space<vmem_shared>> -> memref<10000x16xf32, #tpu.memory_space<vmem_shared>>
    tpu.enqueue_indirect_dma source(%arg5 : memref<80x16xf32, #tpu.memory_space<vmem>>) target(%dma_start3A_43 : memref<10000x16xf32, #tpu.memory_space<vmem_shared>>) offsets(%dma_start3A_40 : memref<80xi32, #tpu.memory_space<vmem>>) semaphore(%arg8 : memref<!tpu.dma_semaphore, #tpu.memory_space<semaphore_mem>>) {add = true}
    %scan3A_44 = arith.constant 0 : i32
    %scan3A_45 = arith.constant 0 : i32
    %scan3A_46 = arith.constant 123 : i32
    %scan3A_47 = arith.addi %scan3A_45, %scan3A_46 : i32
    %scan3A_48 = arith.constant 1 : i32
    scf.for %scan3A_62 = %scan3A_45 to %scan3A_47 step %scan3A_48  : i32 {
      %dma_wait3A_63 = arith.constant 0 : i32
      %dma_wait3A_64 = tpu.memref_slice %arg4[%dma_wait3A_63] : memref<10000xi32, #tpu.memory_space<vmem>> -> memref<80xi32, #tpu.memory_space<vmem>>
      %dma_wait3A_65 = arith.constant 0 : i32
      %dma_wait3A_66 = arith.constant 0 : i32
      %dma_wait3A_67 = tpu.memref_slice %arg7[%dma_wait3A_65, %dma_wait3A_66] : memref<10000x16xf32, #tpu.memory_space<vmem_shared>> -> memref<10000x16xf32, #tpu.memory_space<vmem_shared>>
      tpu.wait_indirect_dma semaphore(%arg8 : memref<!tpu.dma_semaphore, #tpu.memory_space<semaphore_mem>>) src(%arg5 : memref<80x16xf32, #tpu.memory_space<vmem>>) dst(%dma_wait3A_67 : memref<10000x16xf32, #tpu.memory_space<vmem_shared>>)
      %add3A_68 = arith.constant 2 : i32
      %add3A_69 = arith.addi %scan3A_62, %add3A_68 : i32
      %mul3A_70 = arith.constant 80 : i32
      %mul3A_71 = arith.muli %add3A_69, %mul3A_70 : i32
      %dma_start3A_72 = tpu.memref_slice %arg4[%mul3A_71] : memref<10000xi32, #tpu.memory_space<vmem>> -> memref<80xi32, #tpu.memory_space<vmem>>
      %dma_start3A_73 = arith.constant 0 : i32
      %dma_start3A_74 = arith.constant 0 : i32
      %dma_start3A_75 = tpu.memref_slice %arg7[%dma_start3A_73, %dma_start3A_74] : memref<10000x16xf32, #tpu.memory_space<vmem_shared>> -> memref<10000x16xf32, #tpu.memory_space<vmem_shared>>
      tpu.enqueue_indirect_dma source(%arg5 : memref<80x16xf32, #tpu.memory_space<vmem>>) target(%dma_start3A_75 : memref<10000x16xf32, #tpu.memory_space<vmem_shared>>) offsets(%dma_start3A_72 : memref<80xi32, #tpu.memory_space<vmem>>) semaphore(%arg8 : memref<!tpu.dma_semaphore, #tpu.memory_space<semaphore_mem>>) {add = true}
    }
    %scan3A_49 = arith.constant 123 : i32
    %dma_wait3A = arith.constant 0 : i32
    %dma_wait3A_50 = tpu.memref_slice %arg4[%dma_wait3A] : memref<10000xi32, #tpu.memory_space<vmem>> -> memref<80xi32, #tpu.memory_space<vmem>>
    %dma_wait3A_51 = arith.constant 0 : i32
    %dma_wait3A_52 = arith.constant 0 : i32
    %dma_wait3A_53 = tpu.memref_slice %arg7[%dma_wait3A_51, %dma_wait3A_52] : memref<10000x16xf32, #tpu.memory_space<vmem_shared>> -> memref<10000x16xf32, #tpu.memory_space<vmem_shared>>
    tpu.wait_indirect_dma semaphore(%arg8 : memref<!tpu.dma_semaphore, #tpu.memory_space<semaphore_mem>>) src(%arg5 : memref<80x16xf32, #tpu.memory_space<vmem>>) dst(%dma_wait3A_53 : memref<10000x16xf32, #tpu.memory_space<vmem_shared>>)
    %dma_wait3A_54 = arith.constant 0 : i32
    %dma_wait3A_55 = tpu.memref_slice %arg4[%dma_wait3A_54] : memref<10000xi32, #tpu.memory_space<vmem>> -> memref<80xi32, #tpu.memory_space<vmem>>
    %dma_wait3A_56 = arith.constant 0 : i32
    %dma_wait3A_57 = arith.constant 0 : i32
    %dma_wait3A_58 = tpu.memref_slice %arg7[%dma_wait3A_56, %dma_wait3A_57] : memref<10000x16xf32, #tpu.memory_space<vmem_shared>> -> memref<10000x16xf32, #tpu.memory_space<vmem_shared>>
    tpu.wait_indirect_dma semaphore(%arg8 : memref<!tpu.dma_semaphore, #tpu.memory_space<semaphore_mem>>) src(%arg5 : memref<80x16xf32, #tpu.memory_space<vmem>>) dst(%dma_wait3A_58 : memref<10000x16xf32, #tpu.memory_space<vmem_shared>>)
    %barrier3A_59 = arith.constant 0 : index
    tpu.barrier barrier_id(%barrier3A_59)
    %mul3A_60 = arith.constant 625 : i32
    %mul3A_61 = arith.muli %arg1, %mul3A_60 : i32
    "tpu.region"() ({
      %run_scoped3A_62 = tpu.sem_alloc : memref<!tpu.dma_semaphore, #tpu.memory_space<semaphore_mem>>
      %dma_start3A_63 = arith.constant 0 : i32
      %dma_start3A_64 = tpu.memref_slice %arg3[%arg0, %mul3A_61, %dma_start3A_63] : memref<2x10000x16xf32, #tpu.memory_space<hbm>> -> memref<1x625x16xf32, #tpu.memory_space<hbm>>
      %dma_start3A_65 = tpu.memref_squeeze %dma_start3A_64 : memref<1x625x16xf32, #tpu.memory_space<hbm>> -> memref<625x16xf32, #tpu.memory_space<hbm>>
      %dma_start3A_66 = arith.constant 0 : i32
      %dma_start3A_67 = tpu.memref_slice %arg7[%mul3A_61, %dma_start3A_66] : memref<10000x16xf32, #tpu.memory_space<vmem_shared>> -> memref<625x16xf32, #tpu.memory_space<vmem_shared>>
      tpu.enqueue_dma source(%dma_start3A_67 : memref<625x16xf32, #tpu.memory_space<vmem_shared>>) target(%dma_start3A_65 : memref<625x16xf32, #tpu.memory_space<hbm>>) target_semaphore(%run_scoped3A_62 : memref<!tpu.dma_semaphore, #tpu.memory_space<semaphore_mem>>)
      %dma_wait3A_68 = arith.constant 0 : i32
      %dma_wait3A_69 = tpu.memref_slice %arg3[%arg0, %mul3A_61, %dma_wait3A_68] : memref<2x10000x16xf32, #tpu.memory_space<hbm>> -> memref<1x625x16xf32, #tpu.memory_space<hbm>>
      %dma_wait3A_70 = tpu.memref_squeeze %dma_wait3A_69 : memref<1x625x16xf32, #tpu.memory_space<hbm>> -> memref<625x16xf32, #tpu.memory_space<hbm>>
      %dma_wait3A_71 = arith.constant 0 : i32
      %dma_wait3A_72 = tpu.memref_slice %arg7[%mul3A_61, %dma_wait3A_71] : memref<10000x16xf32, #tpu.memory_space<vmem_shared>> -> memref<625x16xf32, #tpu.memory_space<vmem_shared>>
      tpu.wait_dma2 semaphore(%run_scoped3A_62 : memref<!tpu.dma_semaphore, #tpu.memory_space<semaphore_mem>>) src(%dma_wait3A_72 : memref<625x16xf32, #tpu.memory_space<vmem_shared>>) dst(%dma_wait3A_70 : memref<625x16xf32, #tpu.memory_space<hbm>>)
      tpu.yield
    }) : () -> ()
    return
  }
}

module attributes {stable_mosaic.version = 14 : i64} {
  func.func @body(%arg0: i32, %arg1: memref<2000x128xf32, #tpu.memory_space<vmem>>, %arg2: memref<128x128xf32, #tpu.memory_space<vmem>>, %arg3: memref<2x2000x16xf32, #tpu.memory_space<vmem>>, %arg4: memref<2000x128xf32, #tpu.memory_space<vmem>>) attributes {dimension_semantics = [#tpu.dimension_semantics<arbitrary>], iteration_bounds = array<i64: 5>, scalar_prefetch = 0 : i64, scratch_operands = 0 : i64, tpu.core_type = #tpu.core_type<tc>, window_params = [{transform_indices = @transform_0, window_bounds = array<i64: 2000, 128>}, {pipeline_mode = #tpu.pipeline_mode<synchronous>, transform_indices = @transform_1, window_bounds = array<i64: 128, 128>}, {transform_indices = @transform_2, window_bounds = array<i64: 2, 2000, 16>}, {transform_indices = @transform_3, window_bounds = array<i64: 2000, 128>}]} {
    %get3A = arith.constant 0 : index
    %get3A_0 = arith.constant 0 : index
    %get3A_1 = vector.load %arg1[%get3A, %get3A_0] : memref<2000x128xf32, #tpu.memory_space<vmem>>, vector<2000x128xf32>
    %get3A_2 = arith.constant 0 : index
    %get3A_3 = arith.constant 0 : index
    %get3A_4 = vector.load %arg2[%get3A_2, %get3A_3] : memref<128x128xf32, #tpu.memory_space<vmem>>, vector<128x128xf32>
    %dot_general3A = arith.constant dense<0.000000e+00> : vector<2000x128xf32>
    %dot_general3A_5 = tpu.matmul %get3A_1, %get3A_4, %dot_general3A {dimension_numbers = #tpu.dot_dimension_numbers<[1], [0], [0], [1], [0, 0, 1, 1], [], []>, transpose_lhs_hint = false} : vector<2000x128xf32>, vector<128x128xf32>, vector<2000x128xf32> -> vector<2000x128xf32>
    %get3A_6 = arith.constant 0 : index
    %get3A_7 = arith.constant 0 : index
    %get3A_8 = arith.constant 0 : index
    %get3A_9 = vector.load %arg3[%get3A_6, %get3A_7, %get3A_8] : memref<2x2000x16xf32, #tpu.memory_space<vmem>>, vector<1x2000x16xf32>
    %get3A_10 = vector.shape_cast %get3A_9 : vector<1x2000x16xf32> to vector<2000x16xf32>
    %get3A_11 = arith.constant 1 : index
    %get3A_12 = arith.constant 0 : index
    %get3A_13 = arith.constant 0 : index
    %get3A_14 = vector.load %arg3[%get3A_11, %get3A_12, %get3A_13] : memref<2x2000x16xf32, #tpu.memory_space<vmem>>, vector<1x2000x16xf32>
    %get3A_15 = vector.shape_cast %get3A_14 : vector<1x2000x16xf32> to vector<2000x16xf32>
    %add3A = arith.addf %get3A_10, %get3A_15 : vector<2000x16xf32>
    %slice3A = vector.extract_strided_slice %add3A {offsets = [0, 0], sizes = [2000, 1], strides = [1, 1]} : vector<2000x16xf32> to vector<2000x1xf32>
    %add3A_16 = arith.constant 1.000000e+00 : f32
    %add3A_17 = vector.broadcast %add3A_16 : f32 to vector<2000x1xf32>
    %add3A_18 = arith.addf %slice3A, %add3A_17 : vector<2000x1xf32>
    %max3A = arith.constant 1.000000e+00 : f32
    %max3A_19 = vector.broadcast %max3A : f32 to vector<2000x1xf32>
    %max3A_20 = arith.maximumf %add3A_18, %max3A_19 : vector<2000x1xf32>
    %rsqrt3A = math.rsqrt %max3A_20 : vector<2000x1xf32>
    %mul3A = vector.broadcast %rsqrt3A : vector<2000x1xf32> to vector<2000x128xf32>
    %mul3A_21 = arith.mulf %dot_general3A_5, %mul3A : vector<2000x128xf32>
    %swap3A = arith.constant 0 : index
    %swap3A_22 = arith.constant 0 : index
    %swap3A_23 = vector.load %arg4[%swap3A, %swap3A_22] : memref<2000x128xf32, #tpu.memory_space<vmem>>, vector<2000x128xf32>
    tpu.vector_store %arg4[%swap3A, %swap3A_22], %mul3A_21 {strides = array<i32>} : memref<2000x128xf32, #tpu.memory_space<vmem>>, vector<2000x128xf32>,
    return
  }
  func.func @transform_0(%arg0: i32) -> (i32, i32) {
    %c0_i32 = arith.constant 0 : i32
    %c0_i32_0 = arith.constant 0 : i32
    return %arg0, %c0_i32 : i32, i32
  }
  func.func @transform_1(%arg0: i32) -> (i32, i32) {
    %c0_i32 = arith.constant 0 : i32
    %c0_i32_0 = arith.constant 0 : i32
    %c0_i32_1 = arith.constant 0 : i32
    return %c0_i32, %c0_i32_0 : i32, i32
  }
  func.func @transform_2(%arg0: i32) -> (i32, i32, i32) {
    %c0_i32 = arith.constant 0 : i32
    %c0_i32_0 = arith.constant 0 : i32
    %c0_i32_1 = arith.constant 0 : i32
    return %c0_i32, %arg0, %c0_i32_0 : i32, i32, i32
  }
  func.func @transform_3(%arg0: i32) -> (i32, i32) {
    %c0_i32 = arith.constant 0 : i32
    %c0_i32_0 = arith.constant 0 : i32
    return %arg0, %c0_i32 : i32, i32
  }
}

module attributes {stable_mosaic.version = 14 : i64} {
  func.func @body(%arg0: i32, %arg1: memref<2x2000x128xf32, #tpu.memory_space<vmem>>, %arg2: memref<2000x128xf32, #tpu.memory_space<vmem>>, %arg3: memref<2x2000x16xf32, #tpu.memory_space<vmem>>, %arg4: memref<1x128xf32, #tpu.memory_space<vmem>>, %arg5: memref<128x64xf32, #tpu.memory_space<vmem>>, %arg6: memref<64x16xf32, #tpu.memory_space<vmem>>, %arg7: memref<2000x16xf32, #tpu.memory_space<vmem>>) attributes {dimension_semantics = [#tpu.dimension_semantics<arbitrary>], iteration_bounds = array<i64: 5>, scalar_prefetch = 0 : i64, scratch_operands = 0 : i64, tpu.core_type = #tpu.core_type<tc>, window_params = [{transform_indices = @transform_0, window_bounds = array<i64: 2, 2000, 128>}, {transform_indices = @transform_1, window_bounds = array<i64: 2000, 128>}, {transform_indices = @transform_2, window_bounds = array<i64: 2, 2000, 16>}, {pipeline_mode = #tpu.pipeline_mode<synchronous>, transform_indices = @transform_3, window_bounds = array<i64: 1, 128>}, {pipeline_mode = #tpu.pipeline_mode<synchronous>, transform_indices = @transform_4, window_bounds = array<i64: 128, 64>}, {pipeline_mode = #tpu.pipeline_mode<synchronous>, transform_indices = @transform_5, window_bounds = array<i64: 64, 16>}, {transform_indices = @transform_6, window_bounds = array<i64: 2000, 16>}]} {
    %get3A = arith.constant 0 : index
    %get3A_0 = arith.constant 0 : index
    %get3A_1 = arith.constant 0 : index
    %get3A_2 = vector.load %arg3[%get3A, %get3A_0, %get3A_1] : memref<2x2000x16xf32, #tpu.memory_space<vmem>>, vector<1x2000x16xf32>
    %get3A_3 = vector.shape_cast %get3A_2 : vector<1x2000x16xf32> to vector<2000x16xf32>
    %get3A_4 = arith.constant 1 : index
    %get3A_5 = arith.constant 0 : index
    %get3A_6 = arith.constant 0 : index
    %get3A_7 = vector.load %arg3[%get3A_4, %get3A_5, %get3A_6] : memref<2x2000x16xf32, #tpu.memory_space<vmem>>, vector<1x2000x16xf32>
    %get3A_8 = vector.shape_cast %get3A_7 : vector<1x2000x16xf32> to vector<2000x16xf32>
    %add3A = arith.addf %get3A_3, %get3A_8 : vector<2000x16xf32>
    %slice3A = vector.extract_strided_slice %add3A {offsets = [0, 0], sizes = [2000, 1], strides = [1, 1]} : vector<2000x16xf32> to vector<2000x1xf32>
    %add3A_9 = arith.constant 1.000000e+00 : f32
    %add3A_10 = vector.broadcast %add3A_9 : f32 to vector<2000x1xf32>
    %add3A_11 = arith.addf %slice3A, %add3A_10 : vector<2000x1xf32>
    %max3A = arith.constant 1.000000e+00 : f32
    %max3A_12 = vector.broadcast %max3A : f32 to vector<2000x1xf32>
    %max3A_13 = arith.maximumf %add3A_11, %max3A_12 : vector<2000x1xf32>
    %rsqrt3A = math.rsqrt %max3A_13 : vector<2000x1xf32>
    %get3A_14 = arith.constant 0 : index
    %get3A_15 = arith.constant 0 : index
    %get3A_16 = arith.constant 0 : index
    %get3A_17 = vector.load %arg1[%get3A_14, %get3A_15, %get3A_16] : memref<2x2000x128xf32, #tpu.memory_space<vmem>>, vector<1x2000x128xf32>
    %get3A_18 = vector.shape_cast %get3A_17 : vector<1x2000x128xf32> to vector<2000x128xf32>
    %get3A_19 = arith.constant 1 : index
    %get3A_20 = arith.constant 0 : index
    %get3A_21 = arith.constant 0 : index
    %get3A_22 = vector.load %arg1[%get3A_19, %get3A_20, %get3A_21] : memref<2x2000x128xf32, #tpu.memory_space<vmem>>, vector<1x2000x128xf32>
    %get3A_23 = vector.shape_cast %get3A_22 : vector<1x2000x128xf32> to vector<2000x128xf32>
    %add3A_24 = arith.addf %get3A_18, %get3A_23 : vector<2000x128xf32>
    %get3A_25 = arith.constant 0 : index
    %get3A_26 = arith.constant 0 : index
    %get3A_27 = vector.load %arg2[%get3A_25, %get3A_26] : memref<2000x128xf32, #tpu.memory_space<vmem>>, vector<2000x128xf32>
    %add3A_28 = arith.addf %add3A_24, %get3A_27 : vector<2000x128xf32>
    %mul3A = vector.broadcast %rsqrt3A : vector<2000x1xf32> to vector<2000x128xf32>
    %mul3A_29 = arith.mulf %add3A_28, %mul3A : vector<2000x128xf32>
    %get3A_30 = arith.constant 0 : index
    %get3A_31 = arith.constant 0 : index
    %get3A_32 = vector.load %arg4[%get3A_30, %get3A_31] : memref<1x128xf32, #tpu.memory_space<vmem>>, vector<1x128xf32>
    %add3A_33 = vector.broadcast %get3A_32 : vector<1x128xf32> to vector<2000x128xf32>
    %add3A_34 = arith.addf %mul3A_29, %add3A_33 : vector<2000x128xf32>
    %max3A_35 = arith.constant 0.000000e+00 : f32
    %max3A_36 = vector.broadcast %max3A_35 : f32 to vector<2000x128xf32>
    %max3A_37 = arith.maximumf %add3A_34, %max3A_36 : vector<2000x128xf32>
    %get3A_38 = arith.constant 0 : index
    %get3A_39 = arith.constant 0 : index
    %get3A_40 = vector.load %arg5[%get3A_38, %get3A_39] : memref<128x64xf32, #tpu.memory_space<vmem>>, vector<128x64xf32>
    %get3A_41 = arith.constant 0 : index
    %get3A_42 = arith.constant 0 : index
    %get3A_43 = vector.load %arg6[%get3A_41, %get3A_42] : memref<64x16xf32, #tpu.memory_space<vmem>>, vector<64x16xf32>
    %dot_general3A = arith.constant dense<0.000000e+00> : vector<128x16xf32>
    %dot_general3A_44 = tpu.matmul %get3A_40, %get3A_43, %dot_general3A {dimension_numbers = #tpu.dot_dimension_numbers<[1], [0], [0], [1], [0, 0, 1, 1], [], []>, transpose_lhs_hint = false} : vector<128x64xf32>, vector<64x16xf32>, vector<128x16xf32> -> vector<128x16xf32>
    %dot_general3A_45 = arith.constant dense<0.000000e+00> : vector<2000x16xf32>
    %dot_general3A_46 = tpu.matmul %max3A_37, %dot_general3A_44, %dot_general3A_45 {dimension_numbers = #tpu.dot_dimension_numbers<[1], [0], [0], [1], [0, 0, 1, 1], [], []>, transpose_lhs_hint = false} : vector<2000x128xf32>, vector<128x16xf32>, vector<2000x16xf32> -> vector<2000x16xf32>
    %mul3A_47 = vector.broadcast %rsqrt3A : vector<2000x1xf32> to vector<2000x16xf32>
    %mul3A_48 = arith.mulf %dot_general3A_46, %mul3A_47 : vector<2000x16xf32>
    %swap3A = arith.constant 0 : index
    %swap3A_49 = arith.constant 0 : index
    %swap3A_50 = vector.load %arg7[%swap3A, %swap3A_49] : memref<2000x16xf32, #tpu.memory_space<vmem>>, vector<2000x16xf32>
    tpu.vector_store %arg7[%swap3A, %swap3A_49], %mul3A_48 {strides = array<i32>} : memref<2000x16xf32, #tpu.memory_space<vmem>>, vector<2000x16xf32>,
    return
  }
  func.func @transform_0(%arg0: i32) -> (i32, i32, i32) {
    %c0_i32 = arith.constant 0 : i32
    %c0_i32_0 = arith.constant 0 : i32
    %c0_i32_1 = arith.constant 0 : i32
    return %c0_i32, %arg0, %c0_i32_0 : i32, i32, i32
  }
  func.func @transform_1(%arg0: i32) -> (i32, i32) {
    %c0_i32 = arith.constant 0 : i32
    %c0_i32_0 = arith.constant 0 : i32
    return %arg0, %c0_i32 : i32, i32
  }
  func.func @transform_2(%arg0: i32) -> (i32, i32, i32) {
    %c0_i32 = arith.constant 0 : i32
    %c0_i32_0 = arith.constant 0 : i32
    %c0_i32_1 = arith.constant 0 : i32
    return %c0_i32, %arg0, %c0_i32_0 : i32, i32, i32
  }
  func.func @transform_3(%arg0: i32) -> (i32, i32) {
    %c0_i32 = arith.constant 0 : i32
    %c0_i32_0 = arith.constant 0 : i32
    %c0_i32_1 = arith.constant 0 : i32
    return %c0_i32, %c0_i32_0 : i32, i32
  }
  func.func @transform_4(%arg0: i32) -> (i32, i32) {
    %c0_i32 = arith.constant 0 : i32
    %c0_i32_0 = arith.constant 0 : i32
    %c0_i32_1 = arith.constant 0 : i32
    return %c0_i32, %c0_i32_0 : i32, i32
  }
  func.func @transform_5(%arg0: i32) -> (i32, i32) {
    %c0_i32 = arith.constant 0 : i32
    %c0_i32_0 = arith.constant 0 : i32
    %c0_i32_1 = arith.constant 0 : i32
    return %c0_i32, %c0_i32_0 : i32, i32
  }
  func.func @transform_6(%arg0: i32) -> (i32, i32) {
    %c0_i32 = arith.constant 0 : i32
    %c0_i32_0 = arith.constant 0 : i32
    return %arg0, %c0_i32 : i32, i32
  }
}

module attributes {stable_mosaic.version = 14 : i64} {
  func.func @body(%arg0: i32, %arg1: memref<2x2000x16xf32, #tpu.memory_space<vmem>>, %arg2: memref<2000x16xf32, #tpu.memory_space<vmem>>, %arg3: memref<2x2000x16xf32, #tpu.memory_space<vmem>>, %arg4: memref<1x64xf32, #tpu.memory_space<vmem>>, %arg5: memref<64x16xf32, #tpu.memory_space<vmem>>, %arg6: memref<1x16xf32, #tpu.memory_space<vmem>>, %arg7: memref<2000x16xf32, #tpu.memory_space<vmem>>) attributes {dimension_semantics = [#tpu.dimension_semantics<arbitrary>], iteration_bounds = array<i64: 5>, scalar_prefetch = 0 : i64, scratch_operands = 0 : i64, tpu.core_type = #tpu.core_type<tc>, window_params = [{transform_indices = @transform_0, window_bounds = array<i64: 2, 2000, 16>}, {transform_indices = @transform_1, window_bounds = array<i64: 2000, 16>}, {transform_indices = @transform_2, window_bounds = array<i64: 2, 2000, 16>}, {pipeline_mode = #tpu.pipeline_mode<synchronous>, transform_indices = @transform_3, window_bounds = array<i64: 1, 64>}, {pipeline_mode = #tpu.pipeline_mode<synchronous>, transform_indices = @transform_4, window_bounds = array<i64: 64, 16>}, {pipeline_mode = #tpu.pipeline_mode<synchronous>, transform_indices = @transform_5, window_bounds = array<i64: 1, 16>}, {transform_indices = @transform_6, window_bounds = array<i64: 2000, 16>}]} {
    %get3A = arith.constant 0 : index
    %get3A_0 = arith.constant 0 : index
    %get3A_1 = arith.constant 0 : index
    %get3A_2 = vector.load %arg3[%get3A, %get3A_0, %get3A_1] : memref<2x2000x16xf32, #tpu.memory_space<vmem>>, vector<1x2000x16xf32>
    %get3A_3 = vector.shape_cast %get3A_2 : vector<1x2000x16xf32> to vector<2000x16xf32>
    %get3A_4 = arith.constant 1 : index
    %get3A_5 = arith.constant 0 : index
    %get3A_6 = arith.constant 0 : index
    %get3A_7 = vector.load %arg3[%get3A_4, %get3A_5, %get3A_6] : memref<2x2000x16xf32, #tpu.memory_space<vmem>>, vector<1x2000x16xf32>
    %get3A_8 = vector.shape_cast %get3A_7 : vector<1x2000x16xf32> to vector<2000x16xf32>
    %add3A = arith.addf %get3A_3, %get3A_8 : vector<2000x16xf32>
    %slice3A = vector.extract_strided_slice %add3A {offsets = [0, 0], sizes = [2000, 1], strides = [1, 1]} : vector<2000x16xf32> to vector<2000x1xf32>
    %add3A_9 = arith.constant 1.000000e+00 : f32
    %add3A_10 = vector.broadcast %add3A_9 : f32 to vector<2000x1xf32>
    %add3A_11 = arith.addf %slice3A, %add3A_10 : vector<2000x1xf32>
    %max3A = arith.constant 1.000000e+00 : f32
    %max3A_12 = vector.broadcast %max3A : f32 to vector<2000x1xf32>
    %max3A_13 = arith.maximumf %add3A_11, %max3A_12 : vector<2000x1xf32>
    %rsqrt3A = math.rsqrt %max3A_13 : vector<2000x1xf32>
    %get3A_14 = arith.constant 0 : index
    %get3A_15 = arith.constant 0 : index
    %get3A_16 = vector.load %arg4[%get3A_14, %get3A_15] : memref<1x64xf32, #tpu.memory_space<vmem>>, vector<1x64xf32>
    %get3A_17 = arith.constant 0 : index
    %get3A_18 = arith.constant 0 : index
    %get3A_19 = vector.load %arg5[%get3A_17, %get3A_18] : memref<64x16xf32, #tpu.memory_space<vmem>>, vector<64x16xf32>
    %dot_general3A = arith.constant dense<0.000000e+00> : vector<1x16xf32>
    %dot_general3A_20 = tpu.matmul %get3A_16, %get3A_19, %dot_general3A {dimension_numbers = #tpu.dot_dimension_numbers<[1], [0], [0], [1], [0, 0, 1, 1], [], []>, transpose_lhs_hint = false} : vector<1x64xf32>, vector<64x16xf32>, vector<1x16xf32> -> vector<1x16xf32>
    %get3A_21 = arith.constant 0 : index
    %get3A_22 = arith.constant 0 : index
    %get3A_23 = arith.constant 0 : index
    %get3A_24 = vector.load %arg1[%get3A_21, %get3A_22, %get3A_23] : memref<2x2000x16xf32, #tpu.memory_space<vmem>>, vector<1x2000x16xf32>
    %get3A_25 = vector.shape_cast %get3A_24 : vector<1x2000x16xf32> to vector<2000x16xf32>
    %get3A_26 = arith.constant 1 : index
    %get3A_27 = arith.constant 0 : index
    %get3A_28 = arith.constant 0 : index
    %get3A_29 = vector.load %arg1[%get3A_26, %get3A_27, %get3A_28] : memref<2x2000x16xf32, #tpu.memory_space<vmem>>, vector<1x2000x16xf32>
    %get3A_30 = vector.shape_cast %get3A_29 : vector<1x2000x16xf32> to vector<2000x16xf32>
    %add3A_31 = arith.addf %get3A_25, %get3A_30 : vector<2000x16xf32>
    %get3A_32 = arith.constant 0 : index
    %get3A_33 = arith.constant 0 : index
    %get3A_34 = vector.load %arg2[%get3A_32, %get3A_33] : memref<2000x16xf32, #tpu.memory_space<vmem>>, vector<2000x16xf32>
    %add3A_35 = arith.addf %add3A_31, %get3A_34 : vector<2000x16xf32>
    %mul3A = vector.broadcast %rsqrt3A : vector<2000x1xf32> to vector<2000x16xf32>
    %mul3A_36 = arith.mulf %add3A_35, %mul3A : vector<2000x16xf32>
    %add3A_37 = vector.broadcast %dot_general3A_20 : vector<1x16xf32> to vector<2000x16xf32>
    %add3A_38 = arith.addf %mul3A_36, %add3A_37 : vector<2000x16xf32>
    %get3A_39 = arith.constant 0 : index
    %get3A_40 = arith.constant 0 : index
    %get3A_41 = vector.load %arg6[%get3A_39, %get3A_40] : memref<1x16xf32, #tpu.memory_space<vmem>>, vector<1x16xf32>
    %add3A_42 = vector.broadcast %get3A_41 : vector<1x16xf32> to vector<2000x16xf32>
    %add3A_43 = arith.addf %add3A_38, %add3A_42 : vector<2000x16xf32>
    %neg3A = arith.constant 0.000000e+00 : f32
    %neg3A_44 = vector.broadcast %neg3A : f32 to vector<2000x16xf32>
    %neg3A_45 = arith.subf %neg3A_44, %add3A_43 : vector<2000x16xf32>
    %exp3A = math.exp %neg3A_45 : vector<2000x16xf32>
    %add3A_46 = arith.constant 1.000000e+00 : f32
    %add3A_47 = vector.broadcast %add3A_46 : f32 to vector<2000x16xf32>
    %add3A_48 = arith.addf %add3A_47, %exp3A : vector<2000x16xf32>
    %div3A = arith.constant 1.000000e+00 : f32
    %div3A_49 = vector.broadcast %div3A : f32 to vector<2000x16xf32>
    %div3A_50 = arith.divf %div3A_49, %add3A_48 : vector<2000x16xf32>
    %swap3A = arith.constant 0 : index
    %swap3A_51 = arith.constant 0 : index
    %swap3A_52 = vector.load %arg7[%swap3A, %swap3A_51] : memref<2000x16xf32, #tpu.memory_space<vmem>>, vector<2000x16xf32>
    tpu.vector_store %arg7[%swap3A, %swap3A_51], %div3A_50 {strides = array<i32>} : memref<2000x16xf32, #tpu.memory_space<vmem>>, vector<2000x16xf32>,
    return
  }
  func.func @transform_0(%arg0: i32) -> (i32, i32, i32) {
    %c0_i32 = arith.constant 0 : i32
    %c0_i32_0 = arith.constant 0 : i32
    %c0_i32_1 = arith.constant 0 : i32
    return %c0_i32, %arg0, %c0_i32_0 : i32, i32, i32
  }
  func.func @transform_1(%arg0: i32) -> (i32, i32) {
    %c0_i32 = arith.constant 0 : i32
    %c0_i32_0 = arith.constant 0 : i32
    return %arg0, %c0_i32 : i32, i32
  }
  func.func @transform_2(%arg0: i32) -> (i32, i32, i32) {
    %c0_i32 = arith.constant 0 : i32
    %c0_i32_0 = arith.constant 0 : i32
    %c0_i32_1 = arith.constant 0 : i32
    return %c0_i32, %arg0, %c0_i32_0 : i32, i32, i32
  }
  func.func @transform_3(%arg0: i32) -> (i32, i32) {
    %c0_i32 = arith.constant 0 : i32
    %c0_i32_0 = arith.constant 0 : i32
    %c0_i32_1 = arith.constant 0 : i32
    return %c0_i32, %c0_i32_0 : i32, i32
  }
  func.func @transform_4(%arg0: i32) -> (i32, i32) {
    %c0_i32 = arith.constant 0 : i32
    %c0_i32_0 = arith.constant 0 : i32
    %c0_i32_1 = arith.constant 0 : i32
    return %c0_i32, %c0_i32_0 : i32, i32
  }
  func.func @transform_5(%arg0: i32) -> (i32, i32) {
    %c0_i32 = arith.constant 0 : i32
    %c0_i32_0 = arith.constant 0 : i32
    %c0_i32_1 = arith.constant 0 : i32
    return %c0_i32, %c0_i32_0 : i32, i32
  }
  func.func @transform_6(%arg0: i32) -> (i32, i32) {
    %c0_i32 = arith.constant 0 : i32
    %c0_i32_0 = arith.constant 0 : i32
    return %arg0, %c0_i32 : i32, i32
  }
}

</mosaic_0001>

<sc_bundles>
// kernel: kernel.11.cloned.1.call-start
scs
__scs_entry_jumppad:
0x0: {  	(pc) =	sbr.rel $0x88, $3  }
0x1: {  	(tag) =	ssettag $0x0;
	lr =	simm.s32 $0x1  }
0x2: {  	[smem:$0x3F99] =	sst lr;
	_ =	strace $0xD0000000  }
0x3: {  	_ = 	snop  }
0x4: {  	_ = 	snop  }
0x5: {  	_ = 	snop  }
0x6: {  	_ = 	snop  }
0x7: {  	_ = 	snop  }
__scs_overlays_trampoline_lowered:
0x8: {  	[smem:$0x3FA8] =	sst s0  }
0x9: {  	[smem:$0x3FA9] =	sst s1  }
0xa: {  	[smem:$0x3FAA] =	sst s2  }
0xb: {  	[smem:$0x3FAB] =	sst s3  }
0xc: {  	[smem:$0x3FAC] =	sst s4  }
0xd: {  	[smem:$0x3FAD] =	sst s5  }
0xe: {  	[smem:$0x3FAE] =	sst s6  }
0xf: {  	[smem:$0x3FAF] =	sst s7  }
0x10: {  	[smem:$0x3FB0] =	sst s8  }
0x11: {  	[smem:$0x3FB1] =	sst s9;
	s0 =	simm.s32 @!p0 $0x0  }
0x12: {  	s1 =	sld [smem:$0x3F97];
	s0 =	simm.s32 @p0 $0x1  }
0x13: {  	[smem:$0x3FB2] =	sst s0;
	s0 =	simm.s32 @!p1 $0x0  }
0x14: {  	s2 =	sld [smem:$0x3F96];
	s0 =	simm.s32 @p1 $0x1  }
0x15: {  	[smem:$0x3FB3] =	sst s0;
	s0 =	simm.s32 @!p2 $0x0  }
0x16: {  	s3 =	sld [smem:$0x3FDB];
	s0 =	simm.s32 @p2 $0x1  }
0x17: {  	s4 =	simm.s32 $0x1BF5;
	[smem:$0x3FB5] =	sst s0  }
0x18: {  	s0 =	sld [smem:$0x3F98];
	_ =	swait.ge [sflag:s4], $0x0  }
0x19: {  	s7 =	sld [smem:$0x3F99]  }
0x1a: {  	s8 =	sadd.s32 $0xFFFFE003, lr  }
0x1b: {  	s9 =	sadd.s32 $0xFFFFFEF7, lr;
	s5 =	simm.s32 $0xFFFFFFFF;
	p2 =	slt.u32 s8, $0xFFFFF086  }
0x1c: {  	p1 =	slt.u32 s9, $0xF7A;
	s5 =	simm.s32 @!p2 $0x0  }
0x1d: {  	s5 =	simm.s32 @p1 $0x1;
	p0 =	seq.s32 s7, s2  }
0x1e: {  	s7 =	smul.u32 @!p0 $0xF7A, s2;
	p2 =	seq.s32 @!p0 s5, $0x0  }
0x1f: {  	s9 =	smul.u32 $0xF7A, s1;
	s8 =	simm.s32 @!p0 $0x1BF5;
	p2 =	por !p2, p0  }
0x20: {  	[sflag:s8] =	ssyncset.s32 @!p0 $0xFFFFF086;
	s6 =	sadd.s32 @!p0 s3, s7;
	s7 =	simm.s32 @!p0 $0x108  }
0x21: {  	s3 =	sadd.s32 s3, s9;
	s6 =	sadd.s32 @!p0 $0x88, s6;
	s7 =	simm.s32 @p2 $0x1082  }
0x22: {  	[simem:s7], [sflag:s8] =	dma.local @!p0 [hbm:s6], $0xF7A  }
0x23: {  	s9 =	sor.u32 $0xD0000000, s2;
	s6 =	simm.s32 $0x108;
	_ =	swait.ge @!p0 [sflag:s8], $0x0  }
0x24: {  	s3 =	sadd.s32 $0x88, s3;
	s6 =	simm.s32 @!p1 $0x1082;
	[sflag:s4] =	ssyncset.s32 $0xFFFFF086  }
0x25: {  	[simem:s6], [sflag:s4] =	dma.local [hbm:s3], $0xF7A  }
0x26: {  	[smem:$0x3F99] =	sst s1;
	(tag) =	ssettag s2;
	_ =	strace s9  }
0x27: {  	s1 =	sld [smem:$0x3FA9]  }
0x28: {  	s2 =	sld [smem:$0x3FAA]  }
0x29: {  	s4 =	sld [smem:$0x3FAC]  }
0x2a: {  	p0 =	seq.s32 s5, $0x0;
	s5 =	sld [smem:$0x3FAD]  }
0x2b: {  	s6 =	sld [smem:$0x3FAE]  }
0x2c: {  	s7 =	sld [smem:$0x3FAF]  }
0x2d: {  	s3 =	simm.s32 $0x108;
	s8 =	sld [smem:$0x3FB0]  }
0x2e: {  	s3 =	simm.s32 @!p0 $0x1082;
	s9 =	sld [smem:$0x3FB1]  }
0x2f: {  	lr =	sadd.s32 s0, s3;
	s0 =	sld [smem:$0x3FA8]  }
0x30: {  	s3 =	sld [smem:$0x3FAB]  }
0x31: {  	[smem:$0x3FB4] =	sst s10  }
0x32: {  	s10 =	sld [smem:$0x3FB2];
	_ =	sdelay $0x3  }
0x33: {  	p0 =	seq.s32 s10, $0x1;
	s10 =	sld [smem:$0x3FB4];
	_ =	sdelay $0x3  }
0x34: {  	[smem:$0x3FB4] =	sst s10  }
0x35: {  	s10 =	sld [smem:$0x3FB3];
	_ =	sdelay $0x3  }
0x36: {  	p1 =	seq.s32 s10, $0x1;
	s10 =	sld [smem:$0x3FB4];
	_ =	sdelay $0x3  }
0x37: {  	[smem:$0x3FB4] =	sst s10  }
0x38: {  	s10 =	sld [smem:$0x3FB5]  }
0x39: {  	_ = 	snop;
	(pc) =	sbr.ind lr, $3  }
0x3a: {  	_ = 	snop  }
0x3b: {  	_ = 	snop  }
0x3c: {  	p2 =	seq.s32 s10, $0x1;
	s10 =	sld [smem:$0x3FB4]  }
0x3d: {  	_ =	shalt  }
0x3e: {  	_ =	shalt  }
0x3f: {  	_ =	shalt  }
0x40: {  	_ =	shalt  }
0x41: {  	_ =	shalt  }
0x42: {  	_ =	shalt  }
0x43: {  	_ =	shalt  }
0x44: {  	_ =	shalt  }
0x45: {  	_ =	shalt  }
0x46: {  	_ =	shalt  }
0x47: {  	_ =	shalt  }
0x48: {  	_ =	shalt  }
0x49: {  	_ =	shalt  }
0x4a: {  	_ =	shalt  }
0x4b: {  	_ =	shalt  }
0x4c: {  	_ =	shalt  }
0x4d: {  	_ =	shalt  }
0x4e: {  	_ =	shalt  }
0x4f: {  	_ =	shalt  }
0x50: {  	_ =	shalt  }
0x51: {  	_ =	shalt  }
0x52: {  	_ =	shalt  }
0x53: {  	_ =	shalt  }
0x54: {  	_ =	shalt  }
0x55: {  	_ =	shalt  }
0x56: {  	_ =	shalt  }
0x57: {  	_ =	shalt  }
0x58: {  	_ =	shalt  }
0x59: {  	_ =	shalt  }
0x5a: {  	_ =	shalt  }
0x5b: {  	_ =	shalt  }
0x5c: {  	_ =	shalt  }
0x5d: {  	_ =	shalt  }
0x5e: {  	_ =	shalt  }
0x5f: {  	_ =	shalt  }
0x60: {  	_ =	shalt  }
0x61: {  	_ =	shalt  }
0x62: {  	_ =	shalt  }
0x63: {  	_ =	shalt  }
0x64: {  	_ =	shalt  }
0x65: {  	_ =	shalt  }
0x66: {  	_ =	shalt  }
0x67: {  	_ =	shalt  }
0x68: {  	_ =	shalt  }
0x69: {  	_ =	shalt  }
0x6a: {  	_ =	shalt  }
0x6b: {  	_ =	shalt  }
0x6c: {  	_ =	shalt  }
0x6d: {  	_ =	shalt  }
0x6e: {  	_ =	shalt  }
0x6f: {  	_ =	shalt  }
0x70: {  	_ =	shalt  }
0x71: {  	_ =	shalt  }
0x72: {  	_ =	shalt  }
0x73: {  	_ =	shalt  }
0x74: {  	_ =	shalt  }
0x75: {  	_ =	shalt  }
0x76: {  	_ =	shalt  }
0x77: {  	_ =	shalt  }
0x78: {  	_ =	shalt  }
0x79: {  	_ =	shalt  }
0x7a: {  	_ =	shalt  }
0x7b: {  	_ =	shalt  }
0x7c: {  	_ =	shalt  }
0x7d: {  	_ =	shalt  }
0x7e: {  	_ =	shalt  }
0x7f: {  	_ =	shalt  }
0x80: {  	_ =	shalt  }
0x81: {  	_ =	shalt  }
0x82: {  	_ =	shalt  }
0x83: {  	_ =	shalt  }
0x84: {  	_ =	shalt  }
0x85: {  	_ =	shalt  }
0x86: {  	_ =	shalt  }
0x87: {  	_ =	shalt  }
.Lfunc_end0:
.L_simem_size_0:
called_computation.1_lowered:
.L_overlay_start_0:
0x88: {  	s2 =	sld [smem:$0x3FD9]  }
0x89: {  	s3 =	sld [smem:$0x3FFE];
	_ =	sdelay $0x1  }
0x8a: {  	s1 =	srdreg.scid  }
0x8b: {  	s0 =	sand.u32 $0x1, s1  }
0x8c: {  	s16 =	sshll.u32 s0, $0xA;
	s2 =	sadd.s32 s3, s2  }
0x8d: {  	s2 =	sadd.s32 s2, s16  }
0x8e: {  	[smem:$0x3FC0] =	sst s2  }
0x8f: {  	_ = 	snop  }
0x90: {  	(tm) =	ssettm $0x1  }
0x91: {  	s17 =	sld [smem:$0x3FFB];
	_ =	sdelay $0x3  }
0x92: {  	_ =	strace s17  }
0x93: {  	s2 =	sld [smem:$0x3FFC];
	_ =	sdelay $0x3  }
0x94: {  	_ =	strace s2  }
0x95: {  	s2 =	sld [smem:$0x3FFD];
	_ =	sdelay $0x3  }
0x96: {  	_ =	strace s2  }
0x97: {  	_ =	strace $0x8FFFFFFF  }
0x98: {  	s18 =	sld [smem:$0x3FDB];
	_ =	sdelay $0x1  }
0x99: {  	s19 =	simm.s32 $_scs_section_size  }
0x9a: {  	s4 =	simm.s32 $_size__tile_overlayer_lowered;
	s5 =	simm.s32 $_tile_overlayer_lowered  }
0x9b: {  	s22 =	simm.s32 $0x1BFF;
	s21 =	sshll.u32 s5, $0x1;
	s2 =	sadd.s32 s19, s18  }
0x9c: {  	s6 =	simm.s32 $0x0;
	s20 =	sshll.u32 s4, $0x1;
	s4 =	sadd.s32 s21, s2  }
0x9d: {  	[timem:s6], [sflag:s22] =	dma.local [hbm:s4], s20  }
0x9e: {  	_ =	swait.ge [sflag:s22], s20  }
0x9f: {  	s3 =	ssub.s32 $0x0, s20;
	[sflag:s22] =	ssyncset.done $0x0  }
0xa0: {  	[sflag:s22] =	ssyncadd.s32 s3;
	_ =	sdelay $0x1  }
0xa1: {  	s23 =	simm.s32 $0x1B8B  }
0xa2: {  	_ =	swait.ge [sflag:s23], $0x1  }
0xa3: {  	[sflag:s23] =	ssyncset.done $0x0  }
0xa4: {  	s25 =	simm.s32 $0x1B8E;
	s24 =	sld [smem:$0x3FFE];
	[sflag:s23] =	ssyncadd.s32 $0xFFFFFFFF  }
0xa5: {  	s26 =	simm.s32 $execute0_lowered;
	[smem:$0x3FD2] =	sst s25  }
0xa6: {  	s4 =	sshll.u32 s26, $0x1;
	_ =	strace $0x80000049;
	[dreg:$0x1] =	wrdreg $0xFFFFFFFF  }
0xa7: {  	s28 =	simm.s32 $_size_execute0_lowered;
	s2 =	sadd.s32 s2, s4;
	[dreg:$0x0] =	wrdreg $0x0  }
0xa8: {  	s4 =	sshll.u32 s28, $0x1;
	[dreg:$0x2] =	wrdreg s2  }
0xa9: {  	[dreg:$0x3] =	wrdreg s4  }
0xaa: {  	[dreg:$0x4] =	wrdreg $0xC0  }
0xab: {  	_ =	task [dreg:s6], $0x5FFFF  }
0xac: {  	[dreg:$0x1] =	wrdreg $0xFFFFFFFF  }
0xad: {  	[dreg:$0x0] =	wrdreg $0x60  }
0xae: {  	[dreg:$0x2] =	wrdreg s24  }
0xaf: {  	[dreg:$0x3] =	wrdreg $0xB2200  }
0xb0: {  	[dreg:$0x4] =	wrdreg $0x9  }
0xb1: {  	_ =	task.clear_ibuf [dreg:s6], $0x5FFFF;
	_ =	strace $0x90000049  }
0xb2: {  	s29 =	simm.s32 $0x9;
	_ =	strace $0x8000004B  }
0xb3: {  	_ =	swait.ge [sflag:s29], $0x1  }
0xb4: {  	[sflag:s29] =	ssyncadd.s32 $0xFFFFFFFF  }
0xb5: {  	_ =	strace $0x9000004B  }
0xb6: {  	_ =	sfence  }
0xb7: {  	s30 =	sld [smem:$0x0];
	_ =	sdelay $0x2  }
0xb8: {  	s31 =	sshll.u32 s1, $0xD;
	s1 =	sshrl.u32 s1, $0x2  }
0xb9: {  	s3 =	sand.u32 $0x4000, s31;
	s1 =	sadd.s32 s1, s30  }
0xba: {  	s0 =	sor.u32 s3, s0;
	s1 =	sshll.u32 s1, $0x11  }
0xbb: {  	s0 =	sor.u32 s1, s0  }
0xbc: {  	s0 =	sadd.s32 $0x8F2B, s0  }
0xbd: {  	[sflag:s0] =	ssyncadd.remote.s32 $0x1  }
0xbe: {  	_ =	sfence.sel $0xFFFF  }
0xbf: {  	[dreg:$0x0] =	wrdreg $0xFFFFFFFF;
	(pc) =	sbr.abs _section_cstart, $3  }
0xc0: {  	[dreg:$0x1] =	wrdreg $0xFFFFFFFF  }
0xc1: {  	_ =	task.clear_ibuf [dreg:s6], $0x2FFFF;
	_ =	strace $0x9FFFFFFF  }
0xc2: {  	(tm) =	ssettm $0x7FFFFFFF  }
0xc3: {  	_ =	shalt  }
tec
execute0_lowered:
.L_overlay_start_1:
0x0: {  	(tag) =	ssettag $0x1  }
0x1: {  	s0 =	srdreg.scid;
	s5 =	rddreg [dreg:$0x0]  }
0x2: {  	s4 =	stileid.u32;
	s2 =	rddreg [dreg:$0x1]  }
0x3: {  	s3 =	simm.s32 $0x0;
	s28 =	simm.s32 $0x2710;
	s29 =	simm.s32 $0x28  }
0x4: {  	s30 =	simm.s32 $0x6220;
	s31 =	simm.s32 $0x8A20;
	s6 =	smul.u32 $0x13880, s4  }
0x5: {  	s0 =	sand.u32 $0x1, s0;
	[smem:$0x7FF] =	sst s3;
	s8 =	smul.u32 $0x4E200, s4  }
0x6: {  	s1 =	sshll.u32 s0, $0x4;
	s7 =	smul.u32 $0x138800, s0;
	_ =	strace $0x8000004A  }
0x7: {  	s0 =	ssub.s32 $0x2, s0;
	s1 =	sor.u32 s4, s1;
	s8 =	sshrl.u32 s8, $0x2  }
0x8: {  	s4 =	sadd.s32 $0x64400, s5;
	s18 =	sshrl.u32 s0, $0x1;
	s8 =	sadd.s32 s8, s2  }
0x9: {  	s1 =	smul.u32 $0x2710, s1;
	s7 =	sadd.s32 s6, s7;
	s19 =	sadd.s32 $0x1400, s8  }
0xa: {  	s0 =	ssub.s32 s0, s18;
	s20 =	sadd.s32 $0x2800, s8;
	[dreg:$0x3] =	wrdreg s19  }
0xb: {  	s7 =	sshrl.u32 s7, $0x3;
	s21 =	sadd.s32 $0x3C00, s8;
	[dreg:$0x4] =	wrdreg s20  }
0xc: {  	s22 =	sadd.s32 $0x5000, s8;
	s23 =	sadd.s32 $0x6400, s8;
	[dreg:$0x5] =	wrdreg s21  }
0xd: {  	s24 =	sadd.s32 $0x7800, s8;
	s25 =	sadd.s32 $0x8C00, s8;
	[dreg:$0x6] =	wrdreg s22  }
0xe: {  	s26 =	sadd.s32 $0xA000, s8;
	s14 =	sadd.s32 $0xB400, s8;
	[dreg:$0x7] =	wrdreg s23  }
0xf: {  	s15 =	sadd.s32 $0xC800, s8;
	s16 =	sadd.s32 $0xDC00, s8;
	[dreg:$0x8] =	wrdreg s24  }
0x10: {  	s17 =	sadd.s32 $0xF000, s8;
	s18 =	sadd.s32 $0x10400, s8;
	[dreg:$0x9] =	wrdreg s25  }
0x11: {  	s1 =	sshrl.u32 s1, $0x3;
	s7 =	sadd.s32 s7, s5;
	[dreg:$0xa] =	wrdreg s26  }
.Ltmp0:
0x12: {  	s19 =	sadd.s32 $0x11800, s8;
	s20 =	sadd.s32 $0x12C00, s8;
	(pc) =	sbr.rel .LBB2_1-.Ltmp0, $4  }
0x13: {  	s24 =	smax.u32 s0, $0x1;
	s25 =	simm.s32 $0x4E20;
	s26 =	simm.s32 $0x3  }
0x14: {  	s0 =	simm.s32 $0x1;
	s1 =	sadd.s32 s1, s5;
	s5 =	sadd.s32 s6, s2  }
0x15: {  	s23 =	sadd.s32 $0x8B600, s7;
	s6 =	simm.s32 $0x9E20;
	s7 =	simm.s32 $0x2  }
0x16: {  	v0 =	vimm.f32 $0.0e+00;
	s21 =	sadd.s32 $0x2800, s1;
	s22 =	sadd.s32 $0xC440, s1;
	s1 =	simm.s32 $0x7620  }
.LBB2_6:
0x17: {  	_ =	swait.ge [sflag:s0], $0x1400  }
0x18: {  	[sflag:s0] =	ssyncset.done $0x0  }
0x19: {  	[sflag:s0] =	ssyncadd.s32 $0xFFFFEC00  }
0x1a: {  	[spmem:s2] =	stream.indirect.scatter.add.f32 [tilespmem:s6], [sflag:$0x2], $0x80, s10, s29, $0xb8;
	[tilespmem:$0x1EAA0] =	vst v63  }
0x1b: {  	_ =	swait.ge [sflag:s7], $0x1400  }
0x1c: {  	[sflag:s7] =	ssyncset.done $0x0  }
0x1d: {  	[sflag:s7] =	ssyncadd.s32 $0xFFFFEC00  }
0x1e: {  	s8 =	stileid.u32;
	_ =	swait.ge [sflag:s7], $0x1400  }
0x1f: {  	s9 =	sshrl.u32 s5, $0x3;
	s3 =	sadd.s32 $0x1, s3;
	[sflag:s7] =	ssyncset.done $0x0  }
0x20: {  	s8 =	sshll.u32 s8, $0x6;
	p0 =	sne.s32 s3, s24;
	[sflag:s7] =	ssyncadd.s32 $0xFFFFEC00  }
.Ltmp1:
0x21: {  	s8 =	sor.u32 $0x1C03, s8;
	[bflag:$0x0] =	sbarrier.arrive $0xFFFF;
	(pc) =	sbr.rel @!p0 .LBB2_7-.Ltmp1, $4  }
0x22: {  	[hbm:s23], [sflag:s8] =	dma.local [spmem:s9], $0x2710  }
0x23: {  	_ =	swait.ge [sflag:s26], $0x2710  }
0x24: {  	[sflag:s26] =	ssyncset.done $0x0  }
0x25: {  	[sflag:s26] =	ssyncadd.s32 $0xFFFFD8F0  }
.LBB2_1:
0x26: {  	s8 =	simm.s32 $0x1;
	[tilespmem:s25+$0x0] =	vst v0;
	s9 =	simm.s32 $0x4E20  }
.LBB2_2:
0x27: {  	p0 =	sne.s32 s8, $0x13F  }
.Ltmp2:
0x28: {  	_ = 	snop;
	(pc) =	sbr.rel @p0 .LBB2_2-.Ltmp2, $3  }
0x29: {  	_ =	sdelay $0x1  }
0x2a: {  	s8 =	sadd.s32 $0x1, s8;
	s9 =	sadd.s32 $0x10, s9  }
0x2b: {  	[tilespmem:s9+$0x0] =	vst v0  }
0x2c: {  	[spmem:s5] =	stream.linear.scatter [tilespmem:s25], [sflag:$0x3], $0x1400, $0x38;
	[tilespmem:$0x1EAA0] =	vst v63  }
0x2d: {  	_ =	swait.ge [sflag:s26], $0x1400  }
0x2e: {  	[sflag:s26] =	ssyncset.done $0x0  }
0x2f: {  	s8 =	rddreg [dreg:$0x3];
	[sflag:s26] =	ssyncadd.s32 $0xFFFFEC00  }
0x30: {  	[spmem:s8] =	stream.linear.scatter [tilespmem:s25], [sflag:$0x3], $0x1400, $0x38;
	[tilespmem:$0x1EAA0] =	vst v63  }
0x31: {  	_ =	swait.ge [sflag:s26], $0x1400  }
0x32: {  	[sflag:s26] =	ssyncset.done $0x0  }
0x33: {  	s10 =	rddreg [dreg:$0x4];
	[sflag:s26] =	ssyncadd.s32 $0xFFFFEC00  }
0x34: {  	[spmem:s10] =	stream.linear.scatter [tilespmem:s25], [sflag:$0x3], $0x1400, $0x38;
	[tilespmem:$0x1EAA0] =	vst v63  }
0x35: {  	_ =	swait.ge [sflag:s26], $0x1400  }
0x36: {  	[sflag:s26] =	ssyncset.done $0x0  }
0x37: {  	s11 =	rddreg [dreg:$0x5];
	[sflag:s26] =	ssyncadd.s32 $0xFFFFEC00  }
0x38: {  	[spmem:s11] =	stream.linear.scatter [tilespmem:s25], [sflag:$0x3], $0x1400, $0x38;
	[tilespmem:$0x1EAA0] =	vst v63  }
0x39: {  	_ =	swait.ge [sflag:s26], $0x1400  }
0x3a: {  	[sflag:s26] =	ssyncset.done $0x0  }
0x3b: {  	s12 =	rddreg [dreg:$0x6];
	[sflag:s26] =	ssyncadd.s32 $0xFFFFEC00  }
0x3c: {  	[spmem:s12] =	stream.linear.scatter [tilespmem:s25], [sflag:$0x3], $0x1400, $0x38;
	[tilespmem:$0x1EAA0] =	vst v63  }
0x3d: {  	_ =	swait.ge [sflag:s26], $0x1400  }
0x3e: {  	[sflag:s26] =	ssyncset.done $0x0  }
0x3f: {  	s13 =	rddreg [dreg:$0x7];
	[sflag:s26] =	ssyncadd.s32 $0xFFFFEC00  }
0x40: {  	[spmem:s13] =	stream.linear.scatter [tilespmem:s25], [sflag:$0x3], $0x1400, $0x38;
	[tilespmem:$0x1EAA0] =	vst v63  }
0x41: {  	_ =	swait.ge [sflag:s26], $0x1400  }
0x42: {  	[sflag:s26] =	ssyncset.done $0x0  }
0x43: {  	s9 =	rddreg [dreg:$0x8];
	[sflag:s26] =	ssyncadd.s32 $0xFFFFEC00  }
0x44: {  	[spmem:s9] =	stream.linear.scatter [tilespmem:s25], [sflag:$0x3], $0x1400, $0x38;
	[tilespmem:$0x1EAA0] =	vst v63  }
0x45: {  	_ =	swait.ge [sflag:s26], $0x1400  }
0x46: {  	[sflag:s26] =	ssyncset.done $0x0  }
0x47: {  	s10 =	rddreg [dreg:$0x9];
	[sflag:s26] =	ssyncadd.s32 $0xFFFFEC00  }
0x48: {  	[spmem:s10] =	stream.linear.scatter [tilespmem:s25], [sflag:$0x3], $0x1400, $0x38;
	[tilespmem:$0x1EAA0] =	vst v63  }
0x49: {  	_ =	swait.ge [sflag:s26], $0x1400  }
0x4a: {  	[sflag:s26] =	ssyncset.done $0x0  }
0x4b: {  	s11 =	rddreg [dreg:$0xa];
	[sflag:s26] =	ssyncadd.s32 $0xFFFFEC00  }
0x4c: {  	[spmem:s11] =	stream.linear.scatter [tilespmem:s25], [sflag:$0x3], $0x1400, $0x38;
	[tilespmem:$0x1EAA0] =	vst v63  }
0x4d: {  	_ =	swait.ge [sflag:s26], $0x1400  }
0x4e: {  	[sflag:s26] =	ssyncset.done $0x0  }
0x4f: {  	[sflag:s26] =	ssyncadd.s32 $0xFFFFEC00  }
0x50: {  	[spmem:s14] =	stream.linear.scatter [tilespmem:s25], [sflag:$0x3], $0x1400, $0x38;
	[tilespmem:$0x1EAA0] =	vst v63  }
0x51: {  	_ =	swait.ge [sflag:s26], $0x1400  }
0x52: {  	[sflag:s26] =	ssyncset.done $0x0  }
0x53: {  	[sflag:s26] =	ssyncadd.s32 $0xFFFFEC00  }
0x54: {  	[spmem:s15] =	stream.linear.scatter [tilespmem:s25], [sflag:$0x3], $0x1400, $0x38;
	[tilespmem:$0x1EAA0] =	vst v63  }
0x55: {  	_ =	swait.ge [sflag:s26], $0x1400  }
0x56: {  	[sflag:s26] =	ssyncset.done $0x0  }
0x57: {  	[sflag:s26] =	ssyncadd.s32 $0xFFFFEC00  }
0x58: {  	[spmem:s16] =	stream.linear.scatter [tilespmem:s25], [sflag:$0x3], $0x1400, $0x38;
	[tilespmem:$0x1EAA0] =	vst v63  }
0x59: {  	_ =	swait.ge [sflag:s26], $0x1400  }
0x5a: {  	[sflag:s26] =	ssyncset.done $0x0  }
0x5b: {  	[sflag:s26] =	ssyncadd.s32 $0xFFFFEC00  }
0x5c: {  	[spmem:s17] =	stream.linear.scatter [tilespmem:s25], [sflag:$0x3], $0x1400, $0x38;
	[tilespmem:$0x1EAA0] =	vst v63  }
0x5d: {  	_ =	swait.ge [sflag:s26], $0x1400  }
0x5e: {  	[sflag:s26] =	ssyncset.done $0x0  }
0x5f: {  	[sflag:s26] =	ssyncadd.s32 $0xFFFFEC00  }
0x60: {  	[spmem:s18] =	stream.linear.scatter [tilespmem:s25], [sflag:$0x3], $0x1400, $0x38;
	[tilespmem:$0x1EAA0] =	vst v63  }
0x61: {  	_ =	swait.ge [sflag:s26], $0x1400  }
0x62: {  	[sflag:s26] =	ssyncset.done $0x0  }
0x63: {  	[sflag:s26] =	ssyncadd.s32 $0xFFFFEC00  }
0x64: {  	[spmem:s19] =	stream.linear.scatter [tilespmem:s25], [sflag:$0x3], $0x1400, $0x38;
	[tilespmem:$0x1EAA0] =	vst v63  }
0x65: {  	_ =	swait.ge [sflag:s26], $0x1400  }
0x66: {  	[sflag:s26] =	ssyncset.done $0x0  }
0x67: {  	[sflag:s26] =	ssyncadd.s32 $0xFFFFEC00  }
0x68: {  	[spmem:s20] =	stream.linear.scatter [tilespmem:s25], [sflag:$0x3], $0xC80, $0x38;
	[tilespmem:$0x1EAA0] =	vst v63  }
0x69: {  	_ =	swait.ge [sflag:s26], $0xC80  }
0x6a: {  	[sflag:s26] =	ssyncset.done $0x0  }
0x6b: {  	[sflag:s26] =	ssyncadd.s32 $0xFFFFF380  }
0x6c: {  	s8 =	simm.s32 $0x0;
	[bflag:$0x0] =	sbarrier.arrive $0xFFFF  }
0x6d: {  	[tilespmem:s8], [sflag:$0x3] =	stream.linear.gather [hbm4b:s21+s8], $0x2710, $0x38;
	[tilespmem:$0x1EAA0] =	vst v63  }
0x6e: {  	_ =	swait.ge [sflag:s26], $0x2710  }
0x6f: {  	[sflag:s26] =	ssyncset.done $0x0  }
0x70: {  	[sflag:s26] =	ssyncadd.s32 $0xFFFFD8F0  }
0x71: {  	[tilespmem:s28], [sflag:$0x3] =	stream.linear.gather [hbm4b:s22+s8], $0x2710, $0x38;
	[tilespmem:$0x1EAA0] =	vst v63  }
0x72: {  	_ =	swait.ge [sflag:s26], $0x2710  }
0x73: {  	[sflag:s26] =	ssyncset.done $0x0  }
0x74: {  	[sflag:s26] =	ssyncadd.s32 $0xFFFFD8F0  }
0x75: {  	[tilespmem:s25], [sflag:$0x1] =	stream.indirect.gather [hbm4b:s4+s29], $0x80, s8, s29, $0xb8;
	[tilespmem:$0x1EAA0] =	vst v63  }
0x76: {  	_ = 	snop  }
0x77: {  	[tilespmem:s30], [sflag:$0x1] =	stream.indirect.gather [hbm4b:s4+s29], $0x80, s29, s29, $0xb8;
	[tilespmem:$0x1EAA0] =	vst v63  }
0x78: {  	s9 =	simm.s32 $0x50  }
0x79: {  	[tilespmem:s1], [sflag:$0x1] =	stream.indirect.gather [hbm4b:s4+s29], $0x80, s9, s29, $0xb8;
	[tilespmem:$0x1EAA0] =	vst v63  }
0x7a: {  	s12 =	simm.s32 $0x78  }
0x7b: {  	[tilespmem:s31], [sflag:$0x1] =	stream.indirect.gather [hbm4b:s4+s29], $0x80, s12, s29, $0xb8;
	[tilespmem:$0x1EAA0] =	vst v63  }
0x7c: {  	_ =	swait.ge [sflag:s0], $0x1400  }
0x7d: {  	[sflag:s0] =	ssyncset.done $0x0  }
0x7e: {  	[sflag:s0] =	ssyncadd.s32 $0xFFFFEC00  }
0x7f: {  	[spmem:s2] =	stream.indirect.scatter.add.f32 [tilespmem:s25], [sflag:$0x2], $0x80, s28, s29, $0xb8;
	[tilespmem:$0x1EAA0] =	vst v63  }
0x80: {  	s13 =	simm.s32 $0xA0  }
0x81: {  	[tilespmem:s6], [sflag:$0x1] =	stream.indirect.gather [hbm4b:s4+s29], $0x80, s13, s29, $0xb8;
	[tilespmem:$0x1EAA0] =	vst v63  }
0x82: {  	_ =	swait.ge [sflag:s0], $0x1400  }
0x83: {  	[sflag:s0] =	ssyncset.done $0x0  }
0x84: {  	s10 =	simm.s32 $0x2738;
	[sflag:s0] =	ssyncadd.s32 $0xFFFFEC00  }
0x85: {  	[spmem:s2] =	stream.indirect.scatter.add.f32 [tilespmem:s30], [sflag:$0x2], $0x80, s10, s29, $0xb8;
	[tilespmem:$0x1EAA0] =	vst v63  }
0x86: {  	_ =	swait.ge [sflag:s7], $0x1400  }
0x87: {  	[sflag:s7] =	ssyncset.done $0x0  }
0x88: {  	s11 =	simm.s32 $0xC8;
	[sflag:s7] =	ssyncadd.s32 $0xFFFFEC00  }
0x89: {  	[tilespmem:s25], [sflag:$0x1] =	stream.indirect.gather [hbm4b:s4+s29], $0x80, s11, s29, $0xb8;
	[tilespmem:$0x1EAA0] =	vst v63  }
0x8a: {  	_ =	swait.ge [sflag:s0], $0x1400  }
0x8b: {  	[sflag:s0] =	ssyncset.done $0x0  }
0x8c: {  	s12 =	simm.s32 $0x2760;
	[sflag:s0] =	ssyncadd.s32 $0xFFFFEC00  }
0x8d: {  	[spmem:s2] =	stream.indirect.scatter.add.f32 [tilespmem:s1], [sflag:$0x2], $0x80, s12, s29, $0xb8;
	[tilespmem:$0x1EAA0] =	vst v63  }
0x8e: {  	_ =	swait.ge [sflag:s7], $0x1400  }
0x8f: {  	[sflag:s7] =	ssyncset.done $0x0  }
0x90: {  	s13 =	simm.s32 $0xF0;
	[sflag:s7] =	ssyncadd.s32 $0xFFFFEC00  }
0x91: {  	[tilespmem:s30], [sflag:$0x1] =	stream.indirect.gather [hbm4b:s4+s29], $0x80, s13, s29, $0xb8;
	[tilespmem:$0x1EAA0] =	vst v63  }
0x92: {  	_ =	swait.ge [sflag:s0], $0x1400  }
0x93: {  	[sflag:s0] =	ssyncset.done $0x0  }
0x94: {  	s10 =	simm.s32 $0x2788;
	[sflag:s0] =	ssyncadd.s32 $0xFFFFEC00  }
0x95: {  	[spmem:s2] =	stream.indirect.scatter.add.f32 [tilespmem:s31], [sflag:$0x2], $0x80, s10, s29, $0xb8;
	[tilespmem:$0x1EAA0] =	vst v63  }
0x96: {  	_ =	swait.ge [sflag:s7], $0x1400  }
0x97: {  	[sflag:s7] =	ssyncset.done $0x0  }
0x98: {  	s11 =	simm.s32 $0x118;
	[sflag:s7] =	ssyncadd.s32 $0xFFFFEC00  }
0x99: {  	[tilespmem:s1], [sflag:$0x1] =	stream.indirect.gather [hbm4b:s4+s29], $0x80, s11, s29, $0xb8;
	[tilespmem:$0x1EAA0] =	vst v63  }
0x9a: {  	_ =	swait.ge [sflag:s0], $0x1400  }
0x9b: {  	[sflag:s0] =	ssyncset.done $0x0  }
0x9c: {  	s12 =	simm.s32 $0x27B0;
	[sflag:s0] =	ssyncadd.s32 $0xFFFFEC00  }
0x9d: {  	[spmem:s2] =	stream.indirect.scatter.add.f32 [tilespmem:s6], [sflag:$0x2], $0x80, s12, s29, $0xb8;
	[tilespmem:$0x1EAA0] =	vst v63  }
0x9e: {  	_ =	swait.ge [sflag:s7], $0x1400  }
0x9f: {  	[sflag:s7] =	ssyncset.done $0x0  }
0xa0: {  	s13 =	simm.s32 $0x140;
	[sflag:s7] =	ssyncadd.s32 $0xFFFFEC00  }
0xa1: {  	[tilespmem:s31], [sflag:$0x1] =	stream.indirect.gather [hbm4b:s4+s29], $0x80, s13, s29, $0xb8;
	[tilespmem:$0x1EAA0] =	vst v63  }
.LBB2_4:
0xa2: {  	_ =	swait.ge [sflag:s0], $0x1400  }
0xa3: {  	s9 =	sshra.s32 s8, $0x2;
	[sflag:s0] =	ssyncset.done $0x0  }
0xa4: {  	s10 =	sadd.s32 $0x27D8, s9;
	[sflag:s0] =	ssyncadd.s32 $0xFFFFEC00  }
0xa5: {  	[spmem:s2] =	stream.indirect.scatter.add.f32 [tilespmem:s25], [sflag:$0x2], $0x80, s10, s29, $0xb8;
	[tilespmem:$0x1EAA0] =	vst v63  }
0xa6: {  	_ =	swait.ge [sflag:s7], $0x1400  }
0xa7: {  	[sflag:s7] =	ssyncset.done $0x0  }
0xa8: {  	s11 =	sadd.s32 $0x168, s9;
	[sflag:s7] =	ssyncadd.s32 $0xFFFFEC00  }
0xa9: {  	[tilespmem:s6], [sflag:$0x1] =	stream.indirect.gather [hbm4b:s4+s29], $0x80, s11, s29, $0xb8;
	[tilespmem:$0x1EAA0] =	vst v63  }
0xaa: {  	_ =	swait.ge [sflag:s0], $0x1400  }
0xab: {  	[sflag:s0] =	ssyncset.done $0x0  }
0xac: {  	s12 =	sadd.s32 $0x2800, s9;
	[sflag:s0] =	ssyncadd.s32 $0xFFFFEC00  }
0xad: {  	[spmem:s2] =	stream.indirect.scatter.add.f32 [tilespmem:s30], [sflag:$0x2], $0x80, s12, s29, $0xb8;
	[tilespmem:$0x1EAA0] =	vst v63  }
0xae: {  	_ =	swait.ge [sflag:s7], $0x1400  }
0xaf: {  	p0 =	seq.s32 s8, $0x9600;
	[sflag:s7] =	ssyncset.done $0x0  }
0xb0: {  	s10 =	simm.s32 @p0 $0x1;
	[sflag:s7] =	ssyncadd.s32 $0xFFFFEC00  }
0xb1: {  	_ =	swait.ge @p0 [sflag:s10], $0x1400  }
0xb2: {  	[sflag:s10] =	ssyncset.done @p0 $0x0  }
0xb3: {  	[sflag:s10] =	ssyncadd.s32 @p0 $0xFFFFEC00;
	s10 =	sshra.s32 @p0 s8, $0x2  }
0xb4: {  	s11 =	simm.s32 @p0 $0x28;
	s12 =	simm.s32 @p0 $0x7620;
	s10 =	sadd.s32 @p0 $0x2828, s10  }
0xb5: {  	[spmem:s2] =	stream.indirect.scatter.add.f32 @p0 [tilespmem:s12], [sflag:$0x2], $0x80, s10, s11, $0xb8;
	[tilespmem:$0x1EAA0] =	vst v63  }
0xb6: {  	s10 =	simm.s32 @p0 $0x2  }
0xb7: {  	_ =	swait.ge @p0 [sflag:s10], $0x1400  }
0xb8: {  	[sflag:s10] =	ssyncset.done @p0 $0x0  }
0xb9: {  	[sflag:s10] =	ssyncadd.s32 @p0 $0xFFFFEC00;
	s10 =	sshra.s32 @!p0 s8, $0x2  }
0xba: {  	s13 =	simm.s32 @!p0 $0x4E20;
	s12 =	simm.s32 @!p0 $0x28;
	s11 =	sadd.s32 @!p0 $0x190, s10  }
0xbb: {  	[tilespmem:s13], [sflag:$0x1] =	stream.indirect.gather @!p0 [hbm4b:s4+s12], $0x80, s11, s12, $0xb8;
	[tilespmem:$0x1EAA0] =	vst v63  }
0xbc: {  	s11 =	simm.s32 @!p0 $0x1  }
0xbd: {  	_ =	swait.ge @!p0 [sflag:s11], $0x1400  }
0xbe: {  	[sflag:s11] =	ssyncset.done @!p0 $0x0  }
0xbf: {  	s13 =	simm.s32 @!p0 $0x7620;
	[sflag:s11] =	ssyncadd.s32 @!p0 $0xFFFFEC00;
	s11 =	sadd.s32 @!p0 $0x2828, s10  }
0xc0: {  	[spmem:s2] =	stream.indirect.scatter.add.f32 @!p0 [tilespmem:s13], [sflag:$0x2], $0x80, s11, s12, $0xb8;
	[tilespmem:$0x1EAA0] =	vst v63  }
0xc1: {  	s11 =	simm.s32 @!p0 $0x2  }
0xc2: {  	_ =	swait.ge @!p0 [sflag:s11], $0x1400  }
0xc3: {  	[sflag:s11] =	ssyncset.done @!p0 $0x0  }
0xc4: {  	s10 =	sadd.s32 @!p0 $0x1B8, s10;
	[sflag:s11] =	ssyncadd.s32 @!p0 $0xFFFFEC00;
	s11 =	simm.s32 @!p0 $0x6220  }
0xc5: {  	[tilespmem:s11], [sflag:$0x1] =	stream.indirect.gather @!p0 [hbm4b:s4+s12], $0x80, s10, s12, $0xb8;
	[tilespmem:$0x1EAA0] =	vst v63  }
0xc6: {  	_ =	swait.ge [sflag:s0], $0x1400  }
0xc7: {  	[sflag:s0] =	ssyncset.done $0x0  }
.Ltmp3:
0xc8: {  	s13 =	sadd.s32 $0x2850, s9;
	[sflag:s0] =	ssyncadd.s32 $0xFFFFEC00;
	(pc) =	sbr.rel @p0 .LBB2_6-.Ltmp3, $4  }
0xc9: {  	[spmem:s2] =	stream.indirect.scatter.add.f32 [tilespmem:s31], [sflag:$0x2], $0x80, s13, s29, $0xb8;
	[tilespmem:$0x1EAA0] =	vst v63  }
0xca: {  	_ =	swait.ge [sflag:s7], $0x1400  }
0xcb: {  	[sflag:s7] =	ssyncset.done $0x0  }
0xcc: {  	s10 =	sadd.s32 $0x2878, s9;
	[sflag:s7] =	ssyncadd.s32 $0xFFFFEC00  }
0xcd: {  	s11 =	sadd.s32 $0x1E0, s9  }
0xce: {  	[tilespmem:s1], [sflag:$0x1] =	stream.indirect.gather [hbm4b:s4+s29], $0x80, s11, s29, $0xb8;
	[tilespmem:$0x1EAA0] =	vst v63  }
0xcf: {  	_ =	swait.ge [sflag:s0], $0x1400  }
0xd0: {  	[sflag:s0] =	ssyncset.done $0x0  }
0xd1: {  	[sflag:s0] =	ssyncadd.s32 $0xFFFFEC00  }
0xd2: {  	[spmem:s2] =	stream.indirect.scatter.add.f32 [tilespmem:s6], [sflag:$0x2], $0x80, s10, s29, $0xb8;
	[tilespmem:$0x1EAA0] =	vst v63  }
.Ltmp4:
0xd3: {  	_ = 	snop;
	(pc) =	sbr.rel .LBB2_4-.Ltmp4, $4  }
0xd4: {  	_ =	swait.ge [sflag:s7], $0x1400  }
0xd5: {  	[sflag:s7] =	ssyncset.done $0x0  }
0xd6: {  	s13 =	sadd.s32 $0x208, s9;
	s8 =	sadd.s32 $0x320, s8;
	[sflag:s7] =	ssyncadd.s32 $0xFFFFEC00  }
0xd7: {  	[tilespmem:s31], [sflag:$0x1] =	stream.indirect.gather [hbm4b:s4+s29], $0x80, s13, s29, $0xb8;
	[tilespmem:$0x1EAA0] =	vst v63  }
.LBB2_7:
0xd8: {  	_ =	sfence.sel $0x180000  }
0xd9: {  	[bflag:$0x0] =	sbarrier.arrive $0xFFFF  }
0xda: {  	_ =	strace $0x9000004A  }
0xdb: {  	s0 =	stileid.u32;
	[bflag:$0x2] =	sbarrier.arrive $0xFFFF  }
0xdc: {  	p0 =	sne.s32 s0, $0x0;
	s0 =	rddreg [dreg:$0x2]  }
0xdd: {  	s0 =	sadd.s32 @!p0 $0x100000, s0  }
0xde: {  	[sflag:s0] =	ssyncadd.tile.s32 @!p0 $0x1;
	_ =	shalt  }
.Lfunc_end2:
_tile_overlayer_lowered:
.L_overlay_start_2:
0xdf: {  	(tag) =	ssettag $0x2  }
0xe0: {  	s0 =	rddreg [dreg:$0x0];
	s2 =	stileid.u32  }
0xe1: {  	s1 =	rddreg [dreg:$0x1];
	p0 =	sne.s32 s2, $0x0  }
0xe2: {  	s3 =	rddreg [dreg:$0x2];
	[bflag:$0x3] =	sbarrier.arrive $0xFFFF;
	s2 =	simm.s32 @!p0 $0x1C03  }
0xe3: {  	[timem:s3], [sflag:s2] =	dma.local @!p0 [hbm:s0], s1  }
0xe4: {  	s0 =	simm.s32 @!p0 $0x3  }
0xe5: {  	_ =	swait.ge @!p0 [sflag:s0], s1  }
0xe6: {  	s1 =	ssub.s32 @!p0 $0x0, s1;
	[sflag:s0] =	ssyncset.done @!p0 $0x0  }
0xe7: {  	[sflag:s0] =	ssyncadd.s32 @!p0 s1  }
0xe8: {  	[bflag:$0x3] =	sbarrier.arrive $0xFFFF  }
0xe9: {  	_ =	shalt  }

// kernel: kernel.14.cloned.1.call-start
scs
__scs_entry_jumppad:
0x0: {  	(pc) =	sbr.rel $0x88, $3  }
0x1: {  	(tag) =	ssettag $0x0;
	lr =	simm.s32 $0x1  }
0x2: {  	[smem:$0x3F99] =	sst lr;
	_ =	strace $0xD0000000  }
0x3: {  	_ = 	snop  }
0x4: {  	_ = 	snop  }
0x5: {  	_ = 	snop  }
0x6: {  	_ = 	snop  }
0x7: {  	_ = 	snop  }
__scs_overlays_trampoline_lowered:
0x8: {  	[smem:$0x3FA8] =	sst s0  }
0x9: {  	[smem:$0x3FA9] =	sst s1  }
0xa: {  	[smem:$0x3FAA] =	sst s2  }
0xb: {  	[smem:$0x3FAB] =	sst s3  }
0xc: {  	[smem:$0x3FAC] =	sst s4  }
0xd: {  	[smem:$0x3FAD] =	sst s5  }
0xe: {  	[smem:$0x3FAE] =	sst s6  }
0xf: {  	[smem:$0x3FAF] =	sst s7  }
0x10: {  	[smem:$0x3FB0] =	sst s8  }
0x11: {  	[smem:$0x3FB1] =	sst s9;
	s0 =	simm.s32 @!p0 $0x0  }
0x12: {  	s1 =	sld [smem:$0x3F97];
	s0 =	simm.s32 @p0 $0x1  }
0x13: {  	[smem:$0x3FB2] =	sst s0;
	s0 =	simm.s32 @!p1 $0x0  }
0x14: {  	s2 =	sld [smem:$0x3F96];
	s0 =	simm.s32 @p1 $0x1  }
0x15: {  	[smem:$0x3FB3] =	sst s0;
	s0 =	simm.s32 @!p2 $0x0  }
0x16: {  	s3 =	sld [smem:$0x3FDB];
	s0 =	simm.s32 @p2 $0x1  }
0x17: {  	s4 =	simm.s32 $0x1BF5;
	[smem:$0x3FB5] =	sst s0  }
0x18: {  	s0 =	sld [smem:$0x3F98];
	_ =	swait.ge [sflag:s4], $0x0  }
0x19: {  	s7 =	sld [smem:$0x3F99]  }
0x1a: {  	s8 =	sadd.s32 $0xFFFFE003, lr  }
0x1b: {  	s9 =	sadd.s32 $0xFFFFFEF7, lr;
	s5 =	simm.s32 $0xFFFFFFFF;
	p2 =	slt.u32 s8, $0xFFFFF086  }
0x1c: {  	p1 =	slt.u32 s9, $0xF7A;
	s5 =	simm.s32 @!p2 $0x0  }
0x1d: {  	s5 =	simm.s32 @p1 $0x1;
	p0 =	seq.s32 s7, s2  }
0x1e: {  	s7 =	smul.u32 @!p0 $0xF7A, s2;
	p2 =	seq.s32 @!p0 s5, $0x0  }
0x1f: {  	s9 =	smul.u32 $0xF7A, s1;
	s8 =	simm.s32 @!p0 $0x1BF5;
	p2 =	por !p2, p0  }
0x20: {  	[sflag:s8] =	ssyncset.s32 @!p0 $0xFFFFF086;
	s6 =	sadd.s32 @!p0 s3, s7;
	s7 =	simm.s32 @!p0 $0x108  }
0x21: {  	s3 =	sadd.s32 s3, s9;
	s6 =	sadd.s32 @!p0 $0x88, s6;
	s7 =	simm.s32 @p2 $0x1082  }
0x22: {  	[simem:s7], [sflag:s8] =	dma.local @!p0 [hbm:s6], $0xF7A  }
0x23: {  	s9 =	sor.u32 $0xD0000000, s2;
	s6 =	simm.s32 $0x108;
	_ =	swait.ge @!p0 [sflag:s8], $0x0  }
0x24: {  	s3 =	sadd.s32 $0x88, s3;
	s6 =	simm.s32 @!p1 $0x1082;
	[sflag:s4] =	ssyncset.s32 $0xFFFFF086  }
0x25: {  	[simem:s6], [sflag:s4] =	dma.local [hbm:s3], $0xF7A  }
0x26: {  	[smem:$0x3F99] =	sst s1;
	(tag) =	ssettag s2;
	_ =	strace s9  }
0x27: {  	s1 =	sld [smem:$0x3FA9]  }
0x28: {  	s2 =	sld [smem:$0x3FAA]  }
0x29: {  	s4 =	sld [smem:$0x3FAC]  }
0x2a: {  	p0 =	seq.s32 s5, $0x0;
	s5 =	sld [smem:$0x3FAD]  }
0x2b: {  	s6 =	sld [smem:$0x3FAE]  }
0x2c: {  	s7 =	sld [smem:$0x3FAF]  }
0x2d: {  	s3 =	simm.s32 $0x108;
	s8 =	sld [smem:$0x3FB0]  }
0x2e: {  	s3 =	simm.s32 @!p0 $0x1082;
	s9 =	sld [smem:$0x3FB1]  }
0x2f: {  	lr =	sadd.s32 s0, s3;
	s0 =	sld [smem:$0x3FA8]  }
0x30: {  	s3 =	sld [smem:$0x3FAB]  }
0x31: {  	[smem:$0x3FB4] =	sst s10  }
0x32: {  	s10 =	sld [smem:$0x3FB2];
	_ =	sdelay $0x3  }
0x33: {  	p0 =	seq.s32 s10, $0x1;
	s10 =	sld [smem:$0x3FB4];
	_ =	sdelay $0x3  }
0x34: {  	[smem:$0x3FB4] =	sst s10  }
0x35: {  	s10 =	sld [smem:$0x3FB3];
	_ =	sdelay $0x3  }
0x36: {  	p1 =	seq.s32 s10, $0x1;
	s10 =	sld [smem:$0x3FB4];
	_ =	sdelay $0x3  }
0x37: {  	[smem:$0x3FB4] =	sst s10  }
0x38: {  	s10 =	sld [smem:$0x3FB5]  }
0x39: {  	_ = 	snop;
	(pc) =	sbr.ind lr, $3  }
0x3a: {  	_ = 	snop  }
0x3b: {  	_ = 	snop  }
0x3c: {  	p2 =	seq.s32 s10, $0x1;
	s10 =	sld [smem:$0x3FB4]  }
0x3d: {  	_ =	shalt  }
0x3e: {  	_ =	shalt  }
0x3f: {  	_ =	shalt  }
0x40: {  	_ =	shalt  }
0x41: {  	_ =	shalt  }
0x42: {  	_ =	shalt  }
0x43: {  	_ =	shalt  }
0x44: {  	_ =	shalt  }
0x45: {  	_ =	shalt  }
0x46: {  	_ =	shalt  }
0x47: {  	_ =	shalt  }
0x48: {  	_ =	shalt  }
0x49: {  	_ =	shalt  }
0x4a: {  	_ =	shalt  }
0x4b: {  	_ =	shalt  }
0x4c: {  	_ =	shalt  }
0x4d: {  	_ =	shalt  }
0x4e: {  	_ =	shalt  }
0x4f: {  	_ =	shalt  }
0x50: {  	_ =	shalt  }
0x51: {  	_ =	shalt  }
0x52: {  	_ =	shalt  }
0x53: {  	_ =	shalt  }
0x54: {  	_ =	shalt  }
0x55: {  	_ =	shalt  }
0x56: {  	_ =	shalt  }
0x57: {  	_ =	shalt  }
0x58: {  	_ =	shalt  }
0x59: {  	_ =	shalt  }
0x5a: {  	_ =	shalt  }
0x5b: {  	_ =	shalt  }
0x5c: {  	_ =	shalt  }
0x5d: {  	_ =	shalt  }
0x5e: {  	_ =	shalt  }
0x5f: {  	_ =	shalt  }
0x60: {  	_ =	shalt  }
0x61: {  	_ =	shalt  }
0x62: {  	_ =	shalt  }
0x63: {  	_ =	shalt  }
0x64: {  	_ =	shalt  }
0x65: {  	_ =	shalt  }
0x66: {  	_ =	shalt  }
0x67: {  	_ =	shalt  }
0x68: {  	_ =	shalt  }
0x69: {  	_ =	shalt  }
0x6a: {  	_ =	shalt  }
0x6b: {  	_ =	shalt  }
0x6c: {  	_ =	shalt  }
0x6d: {  	_ =	shalt  }
0x6e: {  	_ =	shalt  }
0x6f: {  	_ =	shalt  }
0x70: {  	_ =	shalt  }
0x71: {  	_ =	shalt  }
0x72: {  	_ =	shalt  }
0x73: {  	_ =	shalt  }
0x74: {  	_ =	shalt  }
0x75: {  	_ =	shalt  }
0x76: {  	_ =	shalt  }
0x77: {  	_ =	shalt  }
0x78: {  	_ =	shalt  }
0x79: {  	_ =	shalt  }
0x7a: {  	_ =	shalt  }
0x7b: {  	_ =	shalt  }
0x7c: {  	_ =	shalt  }
0x7d: {  	_ =	shalt  }
0x7e: {  	_ =	shalt  }
0x7f: {  	_ =	shalt  }
0x80: {  	_ =	shalt  }
0x81: {  	_ =	shalt  }
0x82: {  	_ =	shalt  }
0x83: {  	_ =	shalt  }
0x84: {  	_ =	shalt  }
0x85: {  	_ =	shalt  }
0x86: {  	_ =	shalt  }
0x87: {  	_ =	shalt  }
.Lfunc_end0:
.L_simem_size_0:
called_computation.2_lowered:
.L_overlay_start_0:
0x88: {  	s2 =	sld [smem:$0x3FD9]  }
0x89: {  	s3 =	sld [smem:$0x3FFE];
	_ =	sdelay $0x1  }
0x8a: {  	s1 =	srdreg.scid  }
0x8b: {  	s0 =	sand.u32 $0x1, s1  }
0x8c: {  	s17 =	sshll.u32 s0, $0xA;
	s2 =	sadd.s32 s3, s2  }
0x8d: {  	s2 =	sadd.s32 s2, s17  }
0x8e: {  	[smem:$0x3FC0] =	sst s2  }
0x8f: {  	_ = 	snop  }
0x90: {  	s2 =	sld [smem:$0x3FD0];
	(tm) =	ssettm $0x1  }
0x91: {  	s18 =	sld [smem:$0x3FFB];
	_ =	sdelay $0x3  }
0x92: {  	_ =	strace s18  }
0x93: {  	s3 =	sld [smem:$0x3FFC];
	_ =	sdelay $0x3  }
0x94: {  	_ =	strace s3  }
0x95: {  	s3 =	sld [smem:$0x3FFD];
	_ =	sdelay $0x3  }
0x96: {  	_ =	strace s3  }
0x97: {  	_ =	strace $0x8FFFFFFF  }
0x98: {  	s19 =	sld [smem:$0x3FDB];
	_ =	sdelay $0x1  }
0x99: {  	s4 =	simm.s32 $_scs_section_size  }
0x9a: {  	s5 =	simm.s32 $_size__tile_overlayer_lowered;
	s6 =	simm.s32 $_tile_overlayer_lowered  }
0x9b: {  	s22 =	simm.s32 $0x1BFF;
	s21 =	sshll.u32 s6, $0x1;
	s3 =	sadd.s32 s4, s19  }
0x9c: {  	s7 =	simm.s32 $0x0;
	s20 =	sshll.u32 s5, $0x1;
	s5 =	sadd.s32 s21, s3  }
0x9d: {  	[timem:s7], [sflag:s22] =	dma.local [hbm:s5], s20  }
0x9e: {  	_ =	swait.ge [sflag:s22], s20  }
0x9f: {  	s4 =	ssub.s32 $0x0, s20;
	[sflag:s22] =	ssyncset.done $0x0  }
0xa0: {  	[sflag:s22] =	ssyncadd.s32 s4;
	_ =	sdelay $0x1  }
0xa1: {  	s23 =	simm.s32 $0x1B8B  }
0xa2: {  	_ =	swait.ge [sflag:s23], $0x1  }
0xa3: {  	[sflag:s23] =	ssyncset.done $0x0  }
0xa4: {  	s25 =	simm.s32 $0x1B8E;
	s24 =	sld [smem:$0x3FFE];
	[sflag:s23] =	ssyncadd.s32 $0xFFFFFFFF  }
0xa5: {  	s26 =	simm.s32 $execute0_lowered;
	[smem:$0x3FD2] =	sst s25  }
0xa6: {  	s5 =	sshll.u32 s26, $0x1;
	_ =	strace $0x8000004C;
	[dreg:$0x1] =	wrdreg $0xFFFFFFFF  }
0xa7: {  	s28 =	simm.s32 $_size_execute0_lowered;
	s3 =	sadd.s32 s3, s5;
	[dreg:$0x0] =	wrdreg $0x0  }
0xa8: {  	s5 =	sshll.u32 s28, $0x1;
	[dreg:$0x2] =	wrdreg s3  }
0xa9: {  	[dreg:$0x3] =	wrdreg s5  }
0xaa: {  	[dreg:$0x4] =	wrdreg $0xC0  }
0xab: {  	_ =	task [dreg:s7], $0x5FFFF  }
0xac: {  	[dreg:$0x1] =	wrdreg $0xFFFFFFFF  }
0xad: {  	[dreg:$0x0] =	wrdreg $0x60  }
0xae: {  	[dreg:$0x2] =	wrdreg s2  }
0xaf: {  	[dreg:$0x3] =	wrdreg s24  }
0xb0: {  	[dreg:$0x4] =	wrdreg $0xCB200  }
0xb1: {  	[dreg:$0x5] =	wrdreg $0x9  }
0xb2: {  	_ =	task.clear_ibuf [dreg:s7], $0x6FFFF;
	_ =	strace $0x9000004C  }
0xb3: {  	s29 =	simm.s32 $0x9;
	_ =	strace $0x8000004E  }
0xb4: {  	_ =	swait.ge [sflag:s29], $0x1  }
0xb5: {  	[sflag:s29] =	ssyncadd.s32 $0xFFFFFFFF  }
0xb6: {  	_ =	strace $0x9000004E  }
0xb7: {  	_ =	sfence  }
0xb8: {  	s30 =	sld [smem:$0x0];
	_ =	sdelay $0x2  }
0xb9: {  	s31 =	sshll.u32 s1, $0xD;
	s1 =	sshrl.u32 s1, $0x2  }
0xba: {  	s3 =	sand.u32 $0x4000, s31;
	s1 =	sadd.s32 s1, s30  }
0xbb: {  	s0 =	sor.u32 s3, s0;
	s1 =	sshll.u32 s1, $0x11  }
0xbc: {  	s0 =	sor.u32 s1, s0  }
0xbd: {  	s0 =	sadd.s32 $0x8F2B, s0  }
0xbe: {  	[sflag:s0] =	ssyncadd.remote.s32 $0x1  }
0xbf: {  	_ =	sfence.sel $0xFFFF  }
0xc0: {  	[dreg:$0x0] =	wrdreg $0xFFFFFFFF;
	(pc) =	sbr.abs _section_cstart, $3  }
0xc1: {  	[dreg:$0x1] =	wrdreg $0xFFFFFFFF  }
0xc2: {  	_ =	task.clear_ibuf [dreg:s7], $0x2FFFF;
	_ =	strace $0x9FFFFFFF  }
0xc3: {  	(tm) =	ssettm $0x7FFFFFFF  }
tec
execute0_lowered:
.L_overlay_start_1:
0x0: {  	(tag) =	ssettag $0x1  }
0x1: {  	s1 =	rddreg [dreg:$0x0]  }
0x2: {  	s0 =	srdreg.scid;
	s5 =	rddreg [dreg:$0x1]  }
0x3: {  	s8 =	stileid.u32;
	s3 =	rddreg [dreg:$0x2];
	s4 =	simm.s32 $0x0  }
0x4: {  	s11 =	simm.s32 $0x4E20;
	s12 =	simm.s32 $0x3;
	s13 =	simm.s32 $0x2710  }
0x5: {  	s14 =	simm.s32 $0x190;
	s15 =	simm.s32 $0x6720;
	s17 =	simm.s32 $0x8020  }
0x6: {  	s19 =	simm.s32 $0x9920;
	s20 =	simm.s32 $0x1;
	s22 =	simm.s32 $0xB220  }
0x7: {  	s21 =	simm.s32 $0x2260;
	s23 =	simm.s32 $0x44C0;
	s28 =	simm.s32 $0x2580  }
0x8: {  	s29 =	simm.s32 $0x47E0;
	s30 =	simm.s32 $0x4970;
	s31 =	simm.s32 $0x4B00  }
0x9: {  	s16 =	simm.s32 $0x0;
	s0 =	sand.u32 $0x1, s0;
	s6 =	smul.u32 $0x2710, s8  }
0xa: {  	[smem:$0x7FF] =	sst s4;
	s2 =	sshll.u32 s0, $0x4;
	s7 =	smul.u32 $0x27100, s0  }
0xb: {  	s0 =	ssub.s32 $0x2, s0;
	s2 =	sor.u32 s8, s2;
	s8 =	smul.u32 $0x9C40, s8  }
0xc: {  	_ =	strace $0x8000004D;
	s24 =	sshrl.u32 s0, $0x1;
	s2 =	smul.u32 $0x2710, s2  }
0xd: {  	s7 =	sadd.s32 s6, s7;
	s0 =	ssub.s32 s0, s24;
	s24 =	simm.s32 $0x2  }
0xe: {  	s7 =	sshrl.u32 s7, $0x3;
	s25 =	sshrl.u32 s8, $0x2;
	s10 =	smax.u32 s0, $0x1  }
0xf: {  	s2 =	sshrl.u32 s2, $0x3;
	s9 =	sadd.s32 s7, s5;
	s26 =	sadd.s32 s25, s3  }
0x10: {  	s25 =	simm.s32 $0x23F0;
	s2 =	sadd.s32 s2, s5;
	s5 =	sadd.s32 s6, s3  }
0x11: {  	s6 =	sadd.s32 $0x1900, s26;
	s9 =	sadd.s32 $0x64400, s9;
	s26 =	simm.s32 $0x4650  }
0x12: {  	v0 =	vimm.f32 $0.0e+00;
	s7 =	sadd.s32 $0x2800, s2;
	s8 =	sadd.s32 $0xC440, s2;
	s2 =	simm.s32 $0x4C90  }
.LBB2_1:
0x13: {  	s0 =	simm.s32 $0x40;
	s18 =	simm.s32 $0x0  }
.LBB2_2:
0x14: {  	p0 =	sne.s32 s0, $0x63C0;
	[tilespmem:s18+$0x4E20] =	vst v0;
	s18 =	smov.u32 s0;
	s0 =	sadd.s32 $0x40, s0  }
.Ltmp0:
0x15: {  	(pc) =	sbr.rel @p0 .LBB2_2-.Ltmp0, $2  }
0x16: {  	_ =	sdelay $0x2  }
0x17: {  	s18 =	sshra.s32 s18, $0x2  }
0x18: {  	[tilespmem:s18+$0x4E20] =	vst v0  }
0x19: {  	[spmem:s5] =	stream.linear.scatter [tilespmem:s11], [sflag:$0x3], $0x1900, $0x38;
	[tilespmem:$0xF230] =	vst v63  }
0x1a: {  	_ =	swait.ge [sflag:s12], $0x1900  }
0x1b: {  	[sflag:s12] =	ssyncset.done $0x0  }
0x1c: {  	[sflag:s12] =	ssyncadd.s32 $0xFFFFE700  }
0x1d: {  	[spmem:s6] =	stream.linear.scatter [tilespmem:s11], [sflag:$0x3], $0xE10, $0x38;
	[tilespmem:$0xF230] =	vst v63  }
0x1e: {  	_ =	swait.ge [sflag:s12], $0xE10  }
0x1f: {  	[sflag:s12] =	ssyncset.done $0x0  }
0x20: {  	[sflag:s12] =	ssyncadd.s32 $0xFFFFF1F0  }
0x21: {  	[bflag:$0x0] =	sbarrier.arrive $0xFFFF  }
0x22: {  	[tilespmem:s4], [sflag:$0x3] =	stream.linear.gather [hbm4b:s7+s4], $0x2710, $0x38;
	[tilespmem:$0xF230] =	vst v63  }
0x23: {  	_ =	swait.ge [sflag:s12], $0x2710  }
0x24: {  	[sflag:s12] =	ssyncset.done $0x0  }
0x25: {  	[sflag:s12] =	ssyncadd.s32 $0xFFFFD8F0  }
0x26: {  	[tilespmem:s13], [sflag:$0x3] =	stream.linear.gather [hbm4b:s8+s4], $0x2710, $0x38;
	[tilespmem:$0xF230] =	vst v63  }
0x27: {  	_ =	swait.ge [sflag:s12], $0x2710  }
0x28: {  	[sflag:s12] =	ssyncset.done $0x0  }
0x29: {  	[sflag:s12] =	ssyncadd.s32 $0xFFFFD8F0  }
0x2a: {  	[tilespmem:s11], [sflag:$0x1] =	stream.indirect.gather [hbm4b:s1+s14], $0x10, s4, s14, $0xb8;
	[tilespmem:$0xF230] =	vst v63  }
0x2b: {  	_ = 	snop  }
0x2c: {  	[tilespmem:s15], [sflag:$0x1] =	stream.indirect.gather [hbm4b:s1+s14], $0x10, s14, s14, $0xb8;
	[tilespmem:$0xF230] =	vst v63  }
0x2d: {  	s0 =	simm.s32 $0x320  }
0x2e: {  	[tilespmem:s17], [sflag:$0x1] =	stream.indirect.gather [hbm4b:s1+s14], $0x10, s0, s14, $0xb8;
	[tilespmem:$0xF230] =	vst v63  }
0x2f: {  	s18 =	simm.s32 $0x4B0  }
0x30: {  	[tilespmem:s19], [sflag:$0x1] =	stream.indirect.gather [hbm4b:s1+s14], $0x10, s18, s14, $0xb8;
	[tilespmem:$0xF230] =	vst v63  }
0x31: {  	_ =	swait.ge [sflag:s20], $0x1900  }
0x32: {  	[sflag:s20] =	ssyncset.done $0x0  }
0x33: {  	[sflag:s20] =	ssyncadd.s32 $0xFFFFE700  }
0x34: {  	[spmem:s3] =	stream.indirect.scatter.add.f32 [tilespmem:s11], [sflag:$0x2], $0x10, s13, s14, $0xb8;
	[tilespmem:$0xF230] =	vst v63  }
0x35: {  	s18 =	simm.s32 $0x640  }
0x36: {  	[tilespmem:s22], [sflag:$0x1] =	stream.indirect.gather [hbm4b:s1+s14], $0x10, s18, s14, $0xb8;
	[tilespmem:$0xF230] =	vst v63  }
0x37: {  	_ =	swait.ge [sflag:s20], $0x1900  }
0x38: {  	[sflag:s20] =	ssyncset.done $0x0  }
0x39: {  	s18 =	simm.s32 $0x28A0;
	[sflag:s20] =	ssyncadd.s32 $0xFFFFE700  }
0x3a: {  	[spmem:s3] =	stream.indirect.scatter.add.f32 [tilespmem:s15], [sflag:$0x2], $0x10, s18, s14, $0xb8;
	[tilespmem:$0xF230] =	vst v63  }
0x3b: {  	_ =	swait.ge [sflag:s24], $0x1900  }
0x3c: {  	[sflag:s24] =	ssyncset.done $0x0  }
0x3d: {  	s18 =	simm.s32 $0x7D0;
	[sflag:s24] =	ssyncadd.s32 $0xFFFFE700  }
0x3e: {  	[tilespmem:s11], [sflag:$0x1] =	stream.indirect.gather [hbm4b:s1+s14], $0x10, s18, s14, $0xb8;
	[tilespmem:$0xF230] =	vst v63  }
0x3f: {  	_ =	swait.ge [sflag:s20], $0x1900  }
0x40: {  	[sflag:s20] =	ssyncset.done $0x0  }
0x41: {  	s18 =	simm.s32 $0x2A30;
	[sflag:s20] =	ssyncadd.s32 $0xFFFFE700  }
0x42: {  	[spmem:s3] =	stream.indirect.scatter.add.f32 [tilespmem:s17], [sflag:$0x2], $0x10, s18, s14, $0xb8;
	[tilespmem:$0xF230] =	vst v63  }
0x43: {  	_ =	swait.ge [sflag:s24], $0x1900  }
0x44: {  	[sflag:s24] =	ssyncset.done $0x0  }
0x45: {  	s18 =	simm.s32 $0x960;
	[sflag:s24] =	ssyncadd.s32 $0xFFFFE700  }
0x46: {  	[tilespmem:s15], [sflag:$0x1] =	stream.indirect.gather [hbm4b:s1+s14], $0x10, s18, s14, $0xb8;
	[tilespmem:$0xF230] =	vst v63  }
0x47: {  	_ =	swait.ge [sflag:s20], $0x1900  }
0x48: {  	[sflag:s20] =	ssyncset.done $0x0  }
0x49: {  	s18 =	simm.s32 $0x2BC0;
	[sflag:s20] =	ssyncadd.s32 $0xFFFFE700  }
0x4a: {  	[spmem:s3] =	stream.indirect.scatter.add.f32 [tilespmem:s19], [sflag:$0x2], $0x10, s18, s14, $0xb8;
	[tilespmem:$0xF230] =	vst v63  }
0x4b: {  	_ =	swait.ge [sflag:s24], $0x1900  }
0x4c: {  	[sflag:s24] =	ssyncset.done $0x0  }
0x4d: {  	s18 =	simm.s32 $0xAF0;
	[sflag:s24] =	ssyncadd.s32 $0xFFFFE700  }
0x4e: {  	[tilespmem:s17], [sflag:$0x1] =	stream.indirect.gather [hbm4b:s1+s14], $0x10, s18, s14, $0xb8;
	[tilespmem:$0xF230] =	vst v63  }
0x4f: {  	_ =	swait.ge [sflag:s20], $0x1900  }
0x50: {  	[sflag:s20] =	ssyncset.done $0x0  }
0x51: {  	s18 =	simm.s32 $0x2D50;
	[sflag:s20] =	ssyncadd.s32 $0xFFFFE700  }
0x52: {  	[spmem:s3] =	stream.indirect.scatter.add.f32 [tilespmem:s22], [sflag:$0x2], $0x10, s18, s14, $0xb8;
	[tilespmem:$0xF230] =	vst v63  }
0x53: {  	_ =	swait.ge [sflag:s24], $0x1900  }
0x54: {  	[sflag:s24] =	ssyncset.done $0x0  }
0x55: {  	s18 =	simm.s32 $0xC80;
	[sflag:s24] =	ssyncadd.s32 $0xFFFFE700  }
0x56: {  	[tilespmem:s19], [sflag:$0x1] =	stream.indirect.gather [hbm4b:s1+s14], $0x10, s18, s14, $0xb8;
	[tilespmem:$0xF230] =	vst v63  }
0x57: {  	_ =	swait.ge [sflag:s20], $0x1900  }
0x58: {  	[sflag:s20] =	ssyncset.done $0x0  }
0x59: {  	s18 =	simm.s32 $0x2EE0;
	[sflag:s20] =	ssyncadd.s32 $0xFFFFE700  }
0x5a: {  	[spmem:s3] =	stream.indirect.scatter.add.f32 [tilespmem:s11], [sflag:$0x2], $0x10, s18, s14, $0xb8;
	[tilespmem:$0xF230] =	vst v63  }
0x5b: {  	_ =	swait.ge [sflag:s24], $0x1900  }
0x5c: {  	[sflag:s24] =	ssyncset.done $0x0  }
0x5d: {  	s18 =	simm.s32 $0xE10;
	[sflag:s24] =	ssyncadd.s32 $0xFFFFE700  }
0x5e: {  	[tilespmem:s22], [sflag:$0x1] =	stream.indirect.gather [hbm4b:s1+s14], $0x10, s18, s14, $0xb8;
	[tilespmem:$0xF230] =	vst v63  }
0x5f: {  	_ =	swait.ge [sflag:s20], $0x1900  }
0x60: {  	[sflag:s20] =	ssyncset.done $0x0  }
0x61: {  	s18 =	simm.s32 $0x3070;
	[sflag:s20] =	ssyncadd.s32 $0xFFFFE700  }
0x62: {  	[spmem:s3] =	stream.indirect.scatter.add.f32 [tilespmem:s15], [sflag:$0x2], $0x10, s18, s14, $0xb8;
	[tilespmem:$0xF230] =	vst v63  }
0x63: {  	_ =	swait.ge [sflag:s24], $0x1900  }
0x64: {  	[sflag:s24] =	ssyncset.done $0x0  }
0x65: {  	s18 =	simm.s32 $0xFA0;
	[sflag:s24] =	ssyncadd.s32 $0xFFFFE700  }
0x66: {  	[tilespmem:s11], [sflag:$0x1] =	stream.indirect.gather [hbm4b:s1+s14], $0x10, s18, s14, $0xb8;
	[tilespmem:$0xF230] =	vst v63  }
0x67: {  	_ =	swait.ge [sflag:s20], $0x1900  }
0x68: {  	[sflag:s20] =	ssyncset.done $0x0  }
0x69: {  	s18 =	simm.s32 $0x3200;
	[sflag:s20] =	ssyncadd.s32 $0xFFFFE700  }
0x6a: {  	[spmem:s3] =	stream.indirect.scatter.add.f32 [tilespmem:s17], [sflag:$0x2], $0x10, s18, s14, $0xb8;
	[tilespmem:$0xF230] =	vst v63  }
0x6b: {  	_ =	swait.ge [sflag:s24], $0x1900  }
0x6c: {  	[sflag:s24] =	ssyncset.done $0x0  }
0x6d: {  	s18 =	simm.s32 $0x1130;
	[sflag:s24] =	ssyncadd.s32 $0xFFFFE700  }
0x6e: {  	[tilespmem:s15], [sflag:$0x1] =	stream.indirect.gather [hbm4b:s1+s14], $0x10, s18, s14, $0xb8;
	[tilespmem:$0xF230] =	vst v63  }
0x6f: {  	_ =	swait.ge [sflag:s20], $0x1900  }
0x70: {  	[sflag:s20] =	ssyncset.done $0x0  }
0x71: {  	s18 =	simm.s32 $0x3390;
	[sflag:s20] =	ssyncadd.s32 $0xFFFFE700  }
0x72: {  	[spmem:s3] =	stream.indirect.scatter.add.f32 [tilespmem:s19], [sflag:$0x2], $0x10, s18, s14, $0xb8;
	[tilespmem:$0xF230] =	vst v63  }
0x73: {  	_ =	swait.ge [sflag:s24], $0x1900  }
0x74: {  	[sflag:s24] =	ssyncset.done $0x0  }
0x75: {  	s18 =	simm.s32 $0x12C0;
	[sflag:s24] =	ssyncadd.s32 $0xFFFFE700  }
0x76: {  	[tilespmem:s17], [sflag:$0x1] =	stream.indirect.gather [hbm4b:s1+s14], $0x10, s18, s14, $0xb8;
	[tilespmem:$0xF230] =	vst v63  }
0x77: {  	_ =	swait.ge [sflag:s20], $0x1900  }
0x78: {  	[sflag:s20] =	ssyncset.done $0x0  }
0x79: {  	s18 =	simm.s32 $0x3520;
	[sflag:s20] =	ssyncadd.s32 $0xFFFFE700  }
0x7a: {  	[spmem:s3] =	stream.indirect.scatter.add.f32 [tilespmem:s22], [sflag:$0x2], $0x10, s18, s14, $0xb8;
	[tilespmem:$0xF230] =	vst v63  }
0x7b: {  	_ =	swait.ge [sflag:s24], $0x1900  }
0x7c: {  	[sflag:s24] =	ssyncset.done $0x0  }
0x7d: {  	s18 =	simm.s32 $0x1450;
	[sflag:s24] =	ssyncadd.s32 $0xFFFFE700  }
0x7e: {  	[tilespmem:s19], [sflag:$0x1] =	stream.indirect.gather [hbm4b:s1+s14], $0x10, s18, s14, $0xb8;
	[tilespmem:$0xF230] =	vst v63  }
0x7f: {  	_ =	swait.ge [sflag:s20], $0x1900  }
0x80: {  	[sflag:s20] =	ssyncset.done $0x0  }
0x81: {  	s18 =	simm.s32 $0x36B0;
	[sflag:s20] =	ssyncadd.s32 $0xFFFFE700  }
0x82: {  	[spmem:s3] =	stream.indirect.scatter.add.f32 [tilespmem:s11], [sflag:$0x2], $0x10, s18, s14, $0xb8;
	[tilespmem:$0xF230] =	vst v63  }
0x83: {  	_ =	swait.ge [sflag:s24], $0x1900  }
0x84: {  	[sflag:s24] =	ssyncset.done $0x0  }
0x85: {  	s18 =	simm.s32 $0x15E0;
	[sflag:s24] =	ssyncadd.s32 $0xFFFFE700  }
0x86: {  	[tilespmem:s22], [sflag:$0x1] =	stream.indirect.gather [hbm4b:s1+s14], $0x10, s18, s14, $0xb8;
	[tilespmem:$0xF230] =	vst v63  }
0x87: {  	_ =	swait.ge [sflag:s20], $0x1900  }
0x88: {  	[sflag:s20] =	ssyncset.done $0x0  }
0x89: {  	s18 =	simm.s32 $0x3840;
	[sflag:s20] =	ssyncadd.s32 $0xFFFFE700  }
0x8a: {  	[spmem:s3] =	stream.indirect.scatter.add.f32 [tilespmem:s15], [sflag:$0x2], $0x10, s18, s14, $0xb8;
	[tilespmem:$0xF230] =	vst v63  }
0x8b: {  	_ =	swait.ge [sflag:s24], $0x1900  }
0x8c: {  	[sflag:s24] =	ssyncset.done $0x0  }
0x8d: {  	s18 =	simm.s32 $0x1770;
	[sflag:s24] =	ssyncadd.s32 $0xFFFFE700  }
0x8e: {  	[tilespmem:s11], [sflag:$0x1] =	stream.indirect.gather [hbm4b:s1+s14], $0x10, s18, s14, $0xb8;
	[tilespmem:$0xF230] =	vst v63  }
0x8f: {  	_ =	swait.ge [sflag:s20], $0x1900  }
0x90: {  	[sflag:s20] =	ssyncset.done $0x0  }
0x91: {  	s18 =	simm.s32 $0x39D0;
	[sflag:s20] =	ssyncadd.s32 $0xFFFFE700  }
0x92: {  	[spmem:s3] =	stream.indirect.scatter.add.f32 [tilespmem:s17], [sflag:$0x2], $0x10, s18, s14, $0xb8;
	[tilespmem:$0xF230] =	vst v63  }
0x93: {  	_ =	swait.ge [sflag:s24], $0x1900  }
0x94: {  	[sflag:s24] =	ssyncset.done $0x0  }
0x95: {  	s18 =	simm.s32 $0x1900;
	[sflag:s24] =	ssyncadd.s32 $0xFFFFE700  }
0x96: {  	[tilespmem:s15], [sflag:$0x1] =	stream.indirect.gather [hbm4b:s1+s14], $0x10, s18, s14, $0xb8;
	[tilespmem:$0xF230] =	vst v63  }
0x97: {  	_ =	swait.ge [sflag:s20], $0x1900  }
0x98: {  	[sflag:s20] =	ssyncset.done $0x0  }
0x99: {  	s18 =	simm.s32 $0x3B60;
	[sflag:s20] =	ssyncadd.s32 $0xFFFFE700  }
0x9a: {  	[spmem:s3] =	stream.indirect.scatter.add.f32 [tilespmem:s19], [sflag:$0x2], $0x10, s18, s14, $0xb8;
	[tilespmem:$0xF230] =	vst v63  }
0x9b: {  	_ =	swait.ge [sflag:s24], $0x1900  }
0x9c: {  	[sflag:s24] =	ssyncset.done $0x0  }
0x9d: {  	s18 =	simm.s32 $0x1A90;
	[sflag:s24] =	ssyncadd.s32 $0xFFFFE700  }
0x9e: {  	[tilespmem:s17], [sflag:$0x1] =	stream.indirect.gather [hbm4b:s1+s14], $0x10, s18, s14, $0xb8;
	[tilespmem:$0xF230] =	vst v63  }
0x9f: {  	_ =	swait.ge [sflag:s20], $0x1900  }
0xa0: {  	[sflag:s20] =	ssyncset.done $0x0  }
0xa1: {  	s18 =	simm.s32 $0x3CF0;
	[sflag:s20] =	ssyncadd.s32 $0xFFFFE700  }
0xa2: {  	[spmem:s3] =	stream.indirect.scatter.add.f32 [tilespmem:s22], [sflag:$0x2], $0x10, s18, s14, $0xb8;
	[tilespmem:$0xF230] =	vst v63  }
0xa3: {  	_ =	swait.ge [sflag:s24], $0x1900  }
0xa4: {  	[sflag:s24] =	ssyncset.done $0x0  }
0xa5: {  	s18 =	simm.s32 $0x1C20;
	[sflag:s24] =	ssyncadd.s32 $0xFFFFE700  }
0xa6: {  	[tilespmem:s19], [sflag:$0x1] =	stream.indirect.gather [hbm4b:s1+s14], $0x10, s18, s14, $0xb8;
	[tilespmem:$0xF230] =	vst v63  }
0xa7: {  	_ =	swait.ge [sflag:s20], $0x1900  }
0xa8: {  	[sflag:s20] =	ssyncset.done $0x0  }
0xa9: {  	s18 =	simm.s32 $0x3E80;
	[sflag:s20] =	ssyncadd.s32 $0xFFFFE700  }
0xaa: {  	[spmem:s3] =	stream.indirect.scatter.add.f32 [tilespmem:s11], [sflag:$0x2], $0x10, s18, s14, $0xb8;
	[tilespmem:$0xF230] =	vst v63  }
0xab: {  	_ =	swait.ge [sflag:s24], $0x1900  }
0xac: {  	[sflag:s24] =	ssyncset.done $0x0  }
0xad: {  	s18 =	simm.s32 $0x1DB0;
	[sflag:s24] =	ssyncadd.s32 $0xFFFFE700  }
0xae: {  	[tilespmem:s22], [sflag:$0x1] =	stream.indirect.gather [hbm4b:s1+s14], $0x10, s18, s14, $0xb8;
	[tilespmem:$0xF230] =	vst v63  }
0xaf: {  	_ =	swait.ge [sflag:s20], $0x1900  }
0xb0: {  	[sflag:s20] =	ssyncset.done $0x0  }
0xb1: {  	s18 =	simm.s32 $0x4010;
	[sflag:s20] =	ssyncadd.s32 $0xFFFFE700  }
0xb2: {  	[spmem:s3] =	stream.indirect.scatter.add.f32 [tilespmem:s15], [sflag:$0x2], $0x10, s18, s14, $0xb8;
	[tilespmem:$0xF230] =	vst v63  }
0xb3: {  	_ =	swait.ge [sflag:s24], $0x1900  }
0xb4: {  	[sflag:s24] =	ssyncset.done $0x0  }
0xb5: {  	s18 =	simm.s32 $0x1F40;
	[sflag:s24] =	ssyncadd.s32 $0xFFFFE700  }
0xb6: {  	[tilespmem:s11], [sflag:$0x1] =	stream.indirect.gather [hbm4b:s1+s14], $0x10, s18, s14, $0xb8;
	[tilespmem:$0xF230] =	vst v63  }
0xb7: {  	_ =	swait.ge [sflag:s20], $0x1900  }
0xb8: {  	[sflag:s20] =	ssyncset.done $0x0  }
0xb9: {  	s18 =	simm.s32 $0x41A0;
	[sflag:s20] =	ssyncadd.s32 $0xFFFFE700  }
0xba: {  	[spmem:s3] =	stream.indirect.scatter.add.f32 [tilespmem:s17], [sflag:$0x2], $0x10, s18, s14, $0xb8;
	[tilespmem:$0xF230] =	vst v63  }
0xbb: {  	_ =	swait.ge [sflag:s24], $0x1900  }
0xbc: {  	[sflag:s24] =	ssyncset.done $0x0  }
0xbd: {  	s18 =	simm.s32 $0x20D0;
	[sflag:s24] =	ssyncadd.s32 $0xFFFFE700  }
0xbe: {  	[tilespmem:s15], [sflag:$0x1] =	stream.indirect.gather [hbm4b:s1+s14], $0x10, s18, s14, $0xb8;
	[tilespmem:$0xF230] =	vst v63  }
0xbf: {  	_ =	swait.ge [sflag:s20], $0x1900  }
0xc0: {  	[sflag:s20] =	ssyncset.done $0x0  }
0xc1: {  	s18 =	simm.s32 $0x4330;
	[sflag:s20] =	ssyncadd.s32 $0xFFFFE700  }
0xc2: {  	[spmem:s3] =	stream.indirect.scatter.add.f32 [tilespmem:s19], [sflag:$0x2], $0x10, s18, s14, $0xb8;
	[tilespmem:$0xF230] =	vst v63  }
0xc3: {  	_ =	swait.ge [sflag:s24], $0x1900  }
0xc4: {  	[sflag:s24] =	ssyncset.done $0x0  }
0xc5: {  	[sflag:s24] =	ssyncadd.s32 $0xFFFFE700  }
0xc6: {  	[tilespmem:s17], [sflag:$0x1] =	stream.indirect.gather [hbm4b:s1+s14], $0x10, s21, s14, $0xb8;
	[tilespmem:$0xF230] =	vst v63  }
0xc7: {  	_ =	swait.ge [sflag:s20], $0x1900  }
0xc8: {  	[sflag:s20] =	ssyncset.done $0x0  }
0xc9: {  	[sflag:s20] =	ssyncadd.s32 $0xFFFFE700  }
0xca: {  	[spmem:s3] =	stream.indirect.scatter.add.f32 [tilespmem:s22], [sflag:$0x2], $0x10, s23, s14, $0xb8;
	[tilespmem:$0xF230] =	vst v63  }
0xcb: {  	_ =	swait.ge [sflag:s24], $0x1900  }
0xcc: {  	[sflag:s24] =	ssyncset.done $0x0  }
0xcd: {  	[sflag:s24] =	ssyncadd.s32 $0xFFFFE700  }
0xce: {  	[tilespmem:s19], [sflag:$0x1] =	stream.indirect.gather [hbm4b:s1+s14], $0x10, s25, s14, $0xb8;
	[tilespmem:$0xF230] =	vst v63  }
0xcf: {  	_ =	swait.ge [sflag:s20], $0x1900  }
0xd0: {  	[sflag:s20] =	ssyncset.done $0x0  }
0xd1: {  	[sflag:s20] =	ssyncadd.s32 $0xFFFFE700  }
0xd2: {  	[spmem:s3] =	stream.indirect.scatter.add.f32 [tilespmem:s11], [sflag:$0x2], $0x10, s26, s14, $0xb8;
	[tilespmem:$0xF230] =	vst v63  }
0xd3: {  	_ =	swait.ge [sflag:s24], $0x1900  }
0xd4: {  	[sflag:s24] =	ssyncset.done $0x0  }
0xd5: {  	[sflag:s24] =	ssyncadd.s32 $0xFFFFE700  }
0xd6: {  	[tilespmem:s22], [sflag:$0x1] =	stream.indirect.gather [hbm4b:s1+s14], $0x10, s28, s14, $0xb8;
	[tilespmem:$0xF230] =	vst v63  }
0xd7: {  	_ =	swait.ge [sflag:s20], $0x1900  }
0xd8: {  	[sflag:s20] =	ssyncset.done $0x0  }
0xd9: {  	[sflag:s20] =	ssyncadd.s32 $0xFFFFE700  }
0xda: {  	[spmem:s3] =	stream.indirect.scatter.add.f32 [tilespmem:s15], [sflag:$0x2], $0x10, s29, s14, $0xb8;
	[tilespmem:$0xF230] =	vst v63  }
0xdb: {  	_ =	swait.ge [sflag:s24], $0x1900  }
0xdc: {  	[sflag:s24] =	ssyncset.done $0x0  }
0xdd: {  	[sflag:s24] =	ssyncadd.s32 $0xFFFFE700  }
0xde: {  	_ =	swait.ge [sflag:s20], $0x1900  }
0xdf: {  	[sflag:s20] =	ssyncset.done $0x0  }
0xe0: {  	[sflag:s20] =	ssyncadd.s32 $0xFFFFE700  }
0xe1: {  	[spmem:s3] =	stream.indirect.scatter.add.f32 [tilespmem:s17], [sflag:$0x2], $0x10, s30, s14, $0xb8;
	[tilespmem:$0xF230] =	vst v63  }
0xe2: {  	_ =	swait.ge [sflag:s24], $0x1900  }
0xe3: {  	[sflag:s24] =	ssyncset.done $0x0  }
0xe4: {  	[sflag:s24] =	ssyncadd.s32 $0xFFFFE700  }
0xe5: {  	_ =	swait.ge [sflag:s20], $0x1900  }
0xe6: {  	[sflag:s20] =	ssyncset.done $0x0  }
0xe7: {  	[sflag:s20] =	ssyncadd.s32 $0xFFFFE700  }
0xe8: {  	[spmem:s3] =	stream.indirect.scatter.add.f32 [tilespmem:s19], [sflag:$0x2], $0x10, s31, s14, $0xb8;
	[tilespmem:$0xF230] =	vst v63  }
0xe9: {  	_ =	swait.ge [sflag:s24], $0x1900  }
0xea: {  	[sflag:s24] =	ssyncset.done $0x0  }
0xeb: {  	[sflag:s24] =	ssyncadd.s32 $0xFFFFE700  }
0xec: {  	_ =	swait.ge [sflag:s20], $0x1900  }
0xed: {  	[sflag:s20] =	ssyncset.done $0x0  }
0xee: {  	[sflag:s20] =	ssyncadd.s32 $0xFFFFE700  }
0xef: {  	[spmem:s3] =	stream.indirect.scatter.add.f32 [tilespmem:s22], [sflag:$0x2], $0x10, s2, s14, $0xb8;
	[tilespmem:$0xF230] =	vst v63  }
0xf0: {  	_ =	swait.ge [sflag:s24], $0x1900  }
0xf1: {  	[sflag:s24] =	ssyncset.done $0x0  }
0xf2: {  	[sflag:s24] =	ssyncadd.s32 $0xFFFFE700  }
0xf3: {  	s16 =	sadd.s32 $0x1, s16;
	_ =	swait.ge [sflag:s24], $0x1900  }
0xf4: {  	p0 =	sne.s32 s16, s10;
	s18 =	stileid.u32;
	[sflag:s24] =	ssyncset.done $0x0  }
0xf5: {  	s0 =	sshll.u32 s18, $0x6;
	s18 =	sshrl.u32 s5, $0x3;
	[sflag:s24] =	ssyncadd.s32 $0xFFFFE700  }
.Ltmp1:
0xf6: {  	s0 =	sor.u32 $0x1C03, s0;
	[bflag:$0x0] =	sbarrier.arrive $0xFFFF;
	(pc) =	sbr.rel @p0 .LBB2_1-.Ltmp1, $4  }
0xf7: {  	[hbm:s9], [sflag:s0] =	dma.local [spmem:s18], $0x4E2  }
0xf8: {  	_ =	swait.ge [sflag:s12], $0x4E2  }
0xf9: {  	[sflag:s12] =	ssyncset.done $0x0  }
0xfa: {  	[sflag:s12] =	ssyncadd.s32 $0xFFFFFB1E  }
0xfb: {  	_ =	sfence.sel $0x180000  }
0xfc: {  	[bflag:$0x0] =	sbarrier.arrive $0xFFFF  }
0xfd: {  	_ =	strace $0x9000004D  }
0xfe: {  	s0 =	stileid.u32;
	[bflag:$0x2] =	sbarrier.arrive $0xFFFF  }
0xff: {  	p0 =	sne.s32 s0, $0x0;
	s0 =	rddreg [dreg:$0x3]  }
0x100: {  	s0 =	sadd.s32 @!p0 $0x100000, s0  }
0x101: {  	[sflag:s0] =	ssyncadd.tile.s32 @!p0 $0x1;
	_ =	shalt  }
.Lfunc_end2:
_tile_overlayer_lowered:
.L_overlay_start_2:
0x102: {  	(tag) =	ssettag $0x2  }
0x103: {  	s0 =	rddreg [dreg:$0x0];
	s2 =	stileid.u32  }
0x104: {  	s1 =	rddreg [dreg:$0x1];
	p0 =	sne.s32 s2, $0x0  }
0x105: {  	s3 =	rddreg [dreg:$0x2];
	[bflag:$0x3] =	sbarrier.arrive $0xFFFF;
	s2 =	simm.s32 @!p0 $0x1C03  }
0x106: {  	[timem:s3], [sflag:s2] =	dma.local @!p0 [hbm:s0], s1  }
0x107: {  	s0 =	simm.s32 @!p0 $0x3  }
0x108: {  	_ =	swait.ge @!p0 [sflag:s0], s1  }
0x109: {  	s1 =	ssub.s32 @!p0 $0x0, s1;
	[sflag:s0] =	ssyncset.done @!p0 $0x0  }
0x10a: {  	[sflag:s0] =	ssyncadd.s32 @!p0 s1  }
0x10b: {  	[bflag:$0x3] =	sbarrier.arrive $0xFFFF  }
0x10c: {  	_ =	shalt  }

// kernel: kernel.8.cloned.1.call-start
scs
__scs_entry_jumppad:
0x0: {  	(pc) =	sbr.rel $0x88, $3  }
0x1: {  	(tag) =	ssettag $0x0;
	lr =	simm.s32 $0x1  }
0x2: {  	[smem:$0x3F99] =	sst lr;
	_ =	strace $0xD0000000  }
0x3: {  	_ = 	snop  }
0x4: {  	_ = 	snop  }
0x5: {  	_ = 	snop  }
0x6: {  	_ = 	snop  }
0x7: {  	_ = 	snop  }
__scs_overlays_trampoline_lowered:
0x8: {  	[smem:$0x3FA8] =	sst s0  }
0x9: {  	[smem:$0x3FA9] =	sst s1  }
0xa: {  	[smem:$0x3FAA] =	sst s2  }
0xb: {  	[smem:$0x3FAB] =	sst s3  }
0xc: {  	[smem:$0x3FAC] =	sst s4  }
0xd: {  	[smem:$0x3FAD] =	sst s5  }
0xe: {  	[smem:$0x3FAE] =	sst s6  }
0xf: {  	[smem:$0x3FAF] =	sst s7  }
0x10: {  	[smem:$0x3FB0] =	sst s8  }
0x11: {  	[smem:$0x3FB1] =	sst s9;
	s0 =	simm.s32 @!p0 $0x0  }
0x12: {  	s1 =	sld [smem:$0x3F97];
	s0 =	simm.s32 @p0 $0x1  }
0x13: {  	[smem:$0x3FB2] =	sst s0;
	s0 =	simm.s32 @!p1 $0x0  }
0x14: {  	s2 =	sld [smem:$0x3F96];
	s0 =	simm.s32 @p1 $0x1  }
0x15: {  	[smem:$0x3FB3] =	sst s0;
	s0 =	simm.s32 @!p2 $0x0  }
0x16: {  	s3 =	sld [smem:$0x3FDB];
	s0 =	simm.s32 @p2 $0x1  }
0x17: {  	s4 =	simm.s32 $0x1BF5;
	[smem:$0x3FB5] =	sst s0  }
0x18: {  	s0 =	sld [smem:$0x3F98];
	_ =	swait.ge [sflag:s4], $0x0  }
0x19: {  	s7 =	sld [smem:$0x3F99]  }
0x1a: {  	s8 =	sadd.s32 $0xFFFFE003, lr  }
0x1b: {  	s9 =	sadd.s32 $0xFFFFFEF7, lr;
	s5 =	simm.s32 $0xFFFFFFFF;
	p2 =	slt.u32 s8, $0xFFFFF086  }
0x1c: {  	p1 =	slt.u32 s9, $0xF7A;
	s5 =	simm.s32 @!p2 $0x0  }
0x1d: {  	s5 =	simm.s32 @p1 $0x1;
	p0 =	seq.s32 s7, s2  }
0x1e: {  	s7 =	smul.u32 @!p0 $0xF7A, s2;
	p2 =	seq.s32 @!p0 s5, $0x0  }
0x1f: {  	s9 =	smul.u32 $0xF7A, s1;
	s8 =	simm.s32 @!p0 $0x1BF5;
	p2 =	por !p2, p0  }
0x20: {  	[sflag:s8] =	ssyncset.s32 @!p0 $0xFFFFF086;
	s6 =	sadd.s32 @!p0 s3, s7;
	s7 =	simm.s32 @!p0 $0x108  }
0x21: {  	s3 =	sadd.s32 s3, s9;
	s6 =	sadd.s32 @!p0 $0x88, s6;
	s7 =	simm.s32 @p2 $0x1082  }
0x22: {  	[simem:s7], [sflag:s8] =	dma.local @!p0 [hbm:s6], $0xF7A  }
0x23: {  	s9 =	sor.u32 $0xD0000000, s2;
	s6 =	simm.s32 $0x108;
	_ =	swait.ge @!p0 [sflag:s8], $0x0  }
0x24: {  	s3 =	sadd.s32 $0x88, s3;
	s6 =	simm.s32 @!p1 $0x1082;
	[sflag:s4] =	ssyncset.s32 $0xFFFFF086  }
0x25: {  	[simem:s6], [sflag:s4] =	dma.local [hbm:s3], $0xF7A  }
0x26: {  	[smem:$0x3F99] =	sst s1;
	(tag) =	ssettag s2;
	_ =	strace s9  }
0x27: {  	s1 =	sld [smem:$0x3FA9]  }
0x28: {  	s2 =	sld [smem:$0x3FAA]  }
0x29: {  	s4 =	sld [smem:$0x3FAC]  }
0x2a: {  	p0 =	seq.s32 s5, $0x0;
	s5 =	sld [smem:$0x3FAD]  }
0x2b: {  	s6 =	sld [smem:$0x3FAE]  }
0x2c: {  	s7 =	sld [smem:$0x3FAF]  }
0x2d: {  	s3 =	simm.s32 $0x108;
	s8 =	sld [smem:$0x3FB0]  }
0x2e: {  	s3 =	simm.s32 @!p0 $0x1082;
	s9 =	sld [smem:$0x3FB1]  }
0x2f: {  	lr =	sadd.s32 s0, s3;
	s0 =	sld [smem:$0x3FA8]  }
0x30: {  	s3 =	sld [smem:$0x3FAB]  }
0x31: {  	[smem:$0x3FB4] =	sst s10  }
0x32: {  	s10 =	sld [smem:$0x3FB2];
	_ =	sdelay $0x3  }
0x33: {  	p0 =	seq.s32 s10, $0x1;
	s10 =	sld [smem:$0x3FB4];
	_ =	sdelay $0x3  }
0x34: {  	[smem:$0x3FB4] =	sst s10  }
0x35: {  	s10 =	sld [smem:$0x3FB3];
	_ =	sdelay $0x3  }
0x36: {  	p1 =	seq.s32 s10, $0x1;
	s10 =	sld [smem:$0x3FB4];
	_ =	sdelay $0x3  }
0x37: {  	[smem:$0x3FB4] =	sst s10  }
0x38: {  	s10 =	sld [smem:$0x3FB5]  }
0x39: {  	_ = 	snop;
	(pc) =	sbr.ind lr, $3  }
0x3a: {  	_ = 	snop  }
0x3b: {  	_ = 	snop  }
0x3c: {  	p2 =	seq.s32 s10, $0x1;
	s10 =	sld [smem:$0x3FB4]  }
0x3d: {  	_ =	shalt  }
0x3e: {  	_ =	shalt  }
0x3f: {  	_ =	shalt  }
0x40: {  	_ =	shalt  }
0x41: {  	_ =	shalt  }
0x42: {  	_ =	shalt  }
0x43: {  	_ =	shalt  }
0x44: {  	_ =	shalt  }
0x45: {  	_ =	shalt  }
0x46: {  	_ =	shalt  }
0x47: {  	_ =	shalt  }
0x48: {  	_ =	shalt  }
0x49: {  	_ =	shalt  }
0x4a: {  	_ =	shalt  }
0x4b: {  	_ =	shalt  }
0x4c: {  	_ =	shalt  }
0x4d: {  	_ =	shalt  }
0x4e: {  	_ =	shalt  }
0x4f: {  	_ =	shalt  }
0x50: {  	_ =	shalt  }
0x51: {  	_ =	shalt  }
0x52: {  	_ =	shalt  }
0x53: {  	_ =	shalt  }
0x54: {  	_ =	shalt  }
0x55: {  	_ =	shalt  }
0x56: {  	_ =	shalt  }
0x57: {  	_ =	shalt  }
0x58: {  	_ =	shalt  }
0x59: {  	_ =	shalt  }
0x5a: {  	_ =	shalt  }
0x5b: {  	_ =	shalt  }
0x5c: {  	_ =	shalt  }
0x5d: {  	_ =	shalt  }
0x5e: {  	_ =	shalt  }
0x5f: {  	_ =	shalt  }
0x60: {  	_ =	shalt  }
0x61: {  	_ =	shalt  }
0x62: {  	_ =	shalt  }
0x63: {  	_ =	shalt  }
0x64: {  	_ =	shalt  }
0x65: {  	_ =	shalt  }
0x66: {  	_ =	shalt  }
0x67: {  	_ =	shalt  }
0x68: {  	_ =	shalt  }
0x69: {  	_ =	shalt  }
0x6a: {  	_ =	shalt  }
0x6b: {  	_ =	shalt  }
0x6c: {  	_ =	shalt  }
0x6d: {  	_ =	shalt  }
0x6e: {  	_ =	shalt  }
0x6f: {  	_ =	shalt  }
0x70: {  	_ =	shalt  }
0x71: {  	_ =	shalt  }
0x72: {  	_ =	shalt  }
0x73: {  	_ =	shalt  }
0x74: {  	_ =	shalt  }
0x75: {  	_ =	shalt  }
0x76: {  	_ =	shalt  }
0x77: {  	_ =	shalt  }
0x78: {  	_ =	shalt  }
0x79: {  	_ =	shalt  }
0x7a: {  	_ =	shalt  }
0x7b: {  	_ =	shalt  }
0x7c: {  	_ =	shalt  }
0x7d: {  	_ =	shalt  }
0x7e: {  	_ =	shalt  }
0x7f: {  	_ =	shalt  }
0x80: {  	_ =	shalt  }
0x81: {  	_ =	shalt  }
0x82: {  	_ =	shalt  }
0x83: {  	_ =	shalt  }
0x84: {  	_ =	shalt  }
0x85: {  	_ =	shalt  }
0x86: {  	_ =	shalt  }
0x87: {  	_ =	shalt  }
.Lfunc_end0:
.L_simem_size_0:
called_computation_lowered:
.L_overlay_start_0:
0x88: {  	s2 =	sld [smem:$0x3FD9]  }
0x89: {  	s3 =	sld [smem:$0x3FFE];
	_ =	sdelay $0x1  }
0x8a: {  	s1 =	srdreg.scid  }
0x8b: {  	s0 =	sand.u32 $0x1, s1  }
0x8c: {  	s16 =	sshll.u32 s0, $0xA;
	s2 =	sadd.s32 s3, s2  }
0x8d: {  	s2 =	sadd.s32 s2, s16  }
0x8e: {  	[smem:$0x3FC0] =	sst s2  }
0x8f: {  	_ = 	snop  }
0x90: {  	(tm) =	ssettm $0x1  }
0x91: {  	s17 =	sld [smem:$0x3FFB];
	_ =	sdelay $0x3  }
0x92: {  	_ =	strace s17  }
0x93: {  	s2 =	sld [smem:$0x3FFC];
	_ =	sdelay $0x3  }
0x94: {  	_ =	strace s2  }
0x95: {  	s2 =	sld [smem:$0x3FFD];
	_ =	sdelay $0x3  }
0x96: {  	_ =	strace s2  }
0x97: {  	_ =	strace $0x8FFFFFFF  }
0x98: {  	s18 =	sld [smem:$0x3FDB];
	_ =	sdelay $0x1  }
0x99: {  	s19 =	simm.s32 $_scs_section_size  }
0x9a: {  	s4 =	simm.s32 $_size__tile_overlayer_lowered;
	s5 =	simm.s32 $_tile_overlayer_lowered  }
0x9b: {  	s22 =	simm.s32 $0x1BFF;
	s21 =	sshll.u32 s5, $0x1;
	s2 =	sadd.s32 s19, s18  }
0x9c: {  	s6 =	simm.s32 $0x0;
	s20 =	sshll.u32 s4, $0x1;
	s4 =	sadd.s32 s21, s2  }
0x9d: {  	[timem:s6], [sflag:s22] =	dma.local [hbm:s4], s20  }
0x9e: {  	_ =	swait.ge [sflag:s22], s20  }
0x9f: {  	s3 =	ssub.s32 $0x0, s20;
	[sflag:s22] =	ssyncset.done $0x0  }
0xa0: {  	[sflag:s22] =	ssyncadd.s32 s3;
	_ =	sdelay $0x1  }
0xa1: {  	s23 =	simm.s32 $0x1B8B  }
0xa2: {  	_ =	swait.ge [sflag:s23], $0x1  }
0xa3: {  	[sflag:s23] =	ssyncset.done $0x0  }
0xa4: {  	s25 =	simm.s32 $0x1B8E;
	s24 =	sld [smem:$0x3FFE];
	[sflag:s23] =	ssyncadd.s32 $0xFFFFFFFF  }
0xa5: {  	s26 =	simm.s32 $execute0_lowered;
	[smem:$0x3FD2] =	sst s25  }
0xa6: {  	s4 =	sshll.u32 s26, $0x1;
	_ =	strace $0x80000046;
	[dreg:$0x1] =	wrdreg $0xFFFFFFFF  }
0xa7: {  	s28 =	simm.s32 $_size_execute0_lowered;
	s2 =	sadd.s32 s2, s4;
	[dreg:$0x0] =	wrdreg $0x0  }
0xa8: {  	s4 =	sshll.u32 s28, $0x1;
	[dreg:$0x2] =	wrdreg s2  }
0xa9: {  	[dreg:$0x3] =	wrdreg s4  }
0xaa: {  	[dreg:$0x4] =	wrdreg $0xC0  }
0xab: {  	_ =	task [dreg:s6], $0x5FFFF  }
0xac: {  	[dreg:$0x1] =	wrdreg $0xFFFFFFFF  }
0xad: {  	[dreg:$0x0] =	wrdreg $0x60  }
0xae: {  	[dreg:$0x2] =	wrdreg s24  }
0xaf: {  	[dreg:$0x3] =	wrdreg $0x31100  }
0xb0: {  	[dreg:$0x4] =	wrdreg $0x9  }
0xb1: {  	_ =	task.clear_ibuf [dreg:s6], $0x5FFFF;
	_ =	strace $0x90000046  }
0xb2: {  	s29 =	simm.s32 $0x9;
	_ =	strace $0x80000048  }
0xb3: {  	_ =	swait.ge [sflag:s29], $0x1  }
0xb4: {  	[sflag:s29] =	ssyncadd.s32 $0xFFFFFFFF  }
0xb5: {  	_ =	strace $0x90000048  }
0xb6: {  	_ =	sfence  }
0xb7: {  	s30 =	sld [smem:$0x0];
	_ =	sdelay $0x2  }
0xb8: {  	s31 =	sshll.u32 s1, $0xD;
	s1 =	sshrl.u32 s1, $0x2  }
0xb9: {  	s3 =	sand.u32 $0x4000, s31;
	s1 =	sadd.s32 s1, s30  }
0xba: {  	s0 =	sor.u32 s3, s0;
	s1 =	sshll.u32 s1, $0x11  }
0xbb: {  	s0 =	sor.u32 s1, s0  }
0xbc: {  	s0 =	sadd.s32 $0x8F2B, s0  }
0xbd: {  	[sflag:s0] =	ssyncadd.remote.s32 $0x1  }
0xbe: {  	_ =	sfence.sel $0xFFFF  }
0xbf: {  	[dreg:$0x0] =	wrdreg $0xFFFFFFFF;
	(pc) =	sbr.abs _section_cstart, $3  }
0xc0: {  	[dreg:$0x1] =	wrdreg $0xFFFFFFFF  }
0xc1: {  	_ =	task.clear_ibuf [dreg:s6], $0x2FFFF;
	_ =	strace $0x9FFFFFFF  }
0xc2: {  	(tm) =	ssettm $0x7FFFFFFF  }
0xc3: {  	_ =	shalt  }
tec
execute0_lowered:
.L_overlay_start_1:
0x0: {  	(tag) =	ssettag $0x1  }
0x1: {  	s12 =	rddreg [dreg:$0x0]  }
0x2: {  	s1 =	srdreg.scid;
	s0 =	stileid.u32  }
0x3: {  	s2 =	rddreg [dreg:$0x1];
	s3 =	simm.s32 $0x0;
	s16 =	simm.s32 $0x2  }
0x4: {  	s17 =	simm.s32 $0x50;
	s18 =	simm.s32 $0x2710;
	s19 =	simm.s32 $0x1  }
0x5: {  	s4 =	sand.u32 $0x1, s1;
	s5 =	smul.u32 $0x2710, s0;
	s1 =	rddreg [dreg:$0x2]  }
0x6: {  	s22 =	simm.s32 $0x0;
	[smem:$0x7FF] =	sst s3;
	s8 =	smul.u32 $0x9C40, s0  }
0x7: {  	s20 =	sshll.u32 s0, $0x6;
	s6 =	smul.u32 $0x27100, s4;
	_ =	strace $0x80000047  }
0x8: {  	s7 =	ssub.s32 $0x2, s4;
	s4 =	sshll.u32 s4, $0x4;
	s20 =	sor.u32 $0x1C02, s20  }
0x9: {  	s29 =	sshrl.u32 s7, $0x1;
	s30 =	sor.u32 s0, s4;
	s31 =	sshrl.u32 s8, $0x2  }
0xa: {  	s4 =	sadd.s32 s5, s2;
	s6 =	sadd.s32 s5, s6;
	s14 =	ssub.s32 s7, s29  }
0xb: {  	s11 =	sadd.s32 s31, s2;
	s10 =	smul.u32 $0x2710, s30;
	s21 =	sshrl.u32 s4, $0x3  }
0xc: {  	s6 =	sshrl.u32 s6, $0x3;
	s5 =	sadd.s32 $0x500, s11;
	s7 =	sadd.s32 $0xF00, s11  }
0xd: {  	s8 =	sadd.s32 $0x1400, s11;
	s9 =	sadd.s32 $0x1900, s11;
	s14 =	smax.u32 s14, $0x1  }
0xe: {  	s13 =	sadd.s32 s6, s12;
	s6 =	sadd.s32 $0xA00, s11;
	s15 =	sshrl.u32 s10, $0x3  }
0xf: {  	s10 =	sadd.s32 $0x1E00, s11;
	s11 =	sadd.s32 $0x2300, s11;
	s12 =	sadd.s32 s12, s15  }
0x10: {  	v0 =	vimm.f32 $0.0e+00;
	v1 =	vimm.f32 $1.000000000e+00;
	s13 =	sadd.s32 $0x16200, s13;
	s15 =	simm.s32 $0x2C10;
	s12 =	sadd.s32 $0xC440, s12  }
.LBB2_1:
0x11: {  	s23 =	simm.s32 $0x40;
	s24 =	simm.s32 $0x0  }
.LBB2_2:
0x12: {  	p0 =	sne.s32 s23, $0x13C0;
	[tilespmem:s24+$0x2C10] =	vst v0;
	s24 =	smov.u32 s23;
	s23 =	sadd.s32 $0x40, s23  }
.Ltmp0:
0x13: {  	(pc) =	sbr.rel @p0 .LBB2_2-.Ltmp0, $2  }
0x14: {  	_ =	sdelay $0x2  }
0x15: {  	s24 =	sshra.s32 s24, $0x2  }
0x16: {  	[tilespmem:s24+$0x2C10] =	vst v0  }
0x17: {  	[spmem:s4] =	stream.linear.scatter [tilespmem:s15], [sflag:$0x2], $0x500, $0x38;
	[tilespmem:$0x5820] =	vst v63  }
0x18: {  	_ =	swait.ge [sflag:s16], $0x500  }
0x19: {  	[sflag:s16] =	ssyncset.done $0x0  }
0x1a: {  	[sflag:s16] =	ssyncadd.s32 $0xFFFFFB00  }
0x1b: {  	[spmem:s5] =	stream.linear.scatter [tilespmem:s15], [sflag:$0x2], $0x500, $0x38;
	[tilespmem:$0x5820] =	vst v63  }
0x1c: {  	_ =	swait.ge [sflag:s16], $0x500  }
0x1d: {  	[sflag:s16] =	ssyncset.done $0x0  }
0x1e: {  	[sflag:s16] =	ssyncadd.s32 $0xFFFFFB00  }
0x1f: {  	[spmem:s6] =	stream.linear.scatter [tilespmem:s15], [sflag:$0x2], $0x500, $0x38;
	[tilespmem:$0x5820] =	vst v63  }
0x20: {  	_ =	swait.ge [sflag:s16], $0x500  }
0x21: {  	[sflag:s16] =	ssyncset.done $0x0  }
0x22: {  	[sflag:s16] =	ssyncadd.s32 $0xFFFFFB00  }
0x23: {  	[spmem:s7] =	stream.linear.scatter [tilespmem:s15], [sflag:$0x2], $0x500, $0x38;
	[tilespmem:$0x5820] =	vst v63  }
0x24: {  	_ =	swait.ge [sflag:s16], $0x500  }
0x25: {  	[sflag:s16] =	ssyncset.done $0x0  }
0x26: {  	[sflag:s16] =	ssyncadd.s32 $0xFFFFFB00  }
0x27: {  	[spmem:s8] =	stream.linear.scatter [tilespmem:s15], [sflag:$0x2], $0x500, $0x38;
	[tilespmem:$0x5820] =	vst v63  }
0x28: {  	_ =	swait.ge [sflag:s16], $0x500  }
0x29: {  	[sflag:s16] =	ssyncset.done $0x0  }
0x2a: {  	[sflag:s16] =	ssyncadd.s32 $0xFFFFFB00  }
0x2b: {  	[spmem:s9] =	stream.linear.scatter [tilespmem:s15], [sflag:$0x2], $0x500, $0x38;
	[tilespmem:$0x5820] =	vst v63  }
0x2c: {  	_ =	swait.ge [sflag:s16], $0x500  }
0x2d: {  	[sflag:s16] =	ssyncset.done $0x0  }
0x2e: {  	[sflag:s16] =	ssyncadd.s32 $0xFFFFFB00  }
0x2f: {  	[spmem:s10] =	stream.linear.scatter [tilespmem:s15], [sflag:$0x2], $0x500, $0x38;
	[tilespmem:$0x5820] =	vst v63  }
0x30: {  	_ =	swait.ge [sflag:s16], $0x500  }
0x31: {  	[sflag:s16] =	ssyncset.done $0x0  }
0x32: {  	[sflag:s16] =	ssyncadd.s32 $0xFFFFFB00  }
0x33: {  	[spmem:s11] =	stream.linear.scatter [tilespmem:s15], [sflag:$0x2], $0x410, $0x38;
	[tilespmem:$0x5820] =	vst v63  }
0x34: {  	_ =	swait.ge [sflag:s16], $0x410  }
0x35: {  	[sflag:s16] =	ssyncset.done $0x0  }
0x36: {  	s23 =	simm.s32 $0x40;
	s24 =	simm.s32 $0x0;
	[sflag:s16] =	ssyncadd.s32 $0xFFFFFBF0  }
.LBB2_4:
0x37: {  	p0 =	sne.s32 s23, $0x13C0;
	[tilespmem:s24+$0x2710] =	vst v1;
	s24 =	smov.u32 s23;
	s23 =	sadd.s32 $0x40, s23  }
.Ltmp1:
0x38: {  	(pc) =	sbr.rel @p0 .LBB2_4-.Ltmp1, $2  }
0x39: {  	_ =	sdelay $0x2  }
0x3a: {  	s24 =	sshra.s32 s24, $0x2  }
0x3b: {  	[tilespmem:s24+$0x2710] =	vst v1  }
0x3c: {  	[tilespmem:s3], [sflag:$0x2] =	stream.linear.gather [hbm4b:s12+s3], $0x2710, $0x38;
	[tilespmem:$0x5820] =	vst v63  }
0x3d: {  	_ =	swait.ge [sflag:s16], $0x2710  }
0x3e: {  	[sflag:s16] =	ssyncset.done $0x0  }
0x3f: {  	[sflag:s16] =	ssyncadd.s32 $0xFFFFD8F0  }
0x40: {  	[bflag:$0x0] =	sbarrier.arrive $0xFFFF  }
0x41: {  	[spmem:s2] =	stream.indirect.scatter.add.f32 [tilespmem:s18], [sflag:$0x1], $0x10, s3, s17, $0xb8;
	[tilespmem:$0x5820] =	vst v63  }
0x42: {  	_ = 	snop  }
0x43: {  	[spmem:s2] =	stream.indirect.scatter.add.f32 [tilespmem:s18], [sflag:$0x1], $0x10, s17, s17, $0xb8;
	[tilespmem:$0x5820] =	vst v63  }
0x44: {  	_ =	swait.ge [sflag:s19], $0x500  }
0x45: {  	[sflag:s19] =	ssyncset.done $0x0  }
0x46: {  	s23 =	simm.s32 $0x3C0;
	s24 =	simm.s32 $0xA0;
	[sflag:s19] =	ssyncadd.s32 $0xFFFFFB00  }
.LBB2_6:
0x47: {  	[spmem:s2] =	stream.indirect.scatter.add.f32 [tilespmem:s18], [sflag:$0x1], $0x10, s24, s17, $0xb8;
	[tilespmem:$0x5820] =	vst v63  }
0x48: {  	s24 =	smov.u32 s23;
	p0 =	sne.s32 s23, $0x9B00  }
.Ltmp2:
0x49: {  	s23 =	sadd.s32 $0x140, s23;
	(pc) =	sbr.rel @p0 .LBB2_6-.Ltmp2, $4  }
0x4a: {  	_ = 	snop  }
0x4b: {  	_ =	swait.ge [sflag:s19], $0x500  }
0x4c: {  	[sflag:s19] =	ssyncset.done $0x0  }
0x4d: {  	s24 =	sshra.s32 s24, $0x2;
	[sflag:s19] =	ssyncadd.s32 $0xFFFFFB00  }
0x4e: {  	[spmem:s2] =	stream.indirect.scatter.add.f32 [tilespmem:s18], [sflag:$0x1], $0x10, s24, s17, $0xb8;
	[tilespmem:$0x5820] =	vst v63  }
0x4f: {  	_ =	swait.ge [sflag:s19], $0x500  }
0x50: {  	[sflag:s19] =	ssyncset.done $0x0  }
0x51: {  	[sflag:s19] =	ssyncadd.s32 $0xFFFFFB00  }
0x52: {  	_ =	swait.ge [sflag:s19], $0x500  }
0x53: {  	s22 =	sadd.s32 $0x1, s22;
	[sflag:s19] =	ssyncset.done $0x0  }
0x54: {  	p0 =	sne.s32 s22, s14;
	[sflag:s19] =	ssyncadd.s32 $0xFFFFFB00  }
.Ltmp3:
0x55: {  	[bflag:$0x0] =	sbarrier.arrive $0xFFFF;
	(pc) =	sbr.rel @p0 .LBB2_1-.Ltmp3, $4  }
0x56: {  	[hbm:s13], [sflag:s20] =	dma.local [spmem:s21], $0x4E2  }
0x57: {  	_ =	swait.ge [sflag:s16], $0x4E2  }
0x58: {  	[sflag:s16] =	ssyncset.done $0x0  }
0x59: {  	[sflag:s16] =	ssyncadd.s32 $0xFFFFFB1E  }
0x5a: {  	_ =	sfence.sel $0x180000  }
0x5b: {  	[bflag:$0x0] =	sbarrier.arrive $0xFFFF  }
0x5c: {  	p0 =	sne.s32 s0, $0x0;
	_ =	strace $0x90000047  }
0x5d: {  	s0 =	sadd.s32 @!p0 $0x100000, s1;
	[bflag:$0x2] =	sbarrier.arrive $0xFFFF  }
0x5e: {  	[sflag:s0] =	ssyncadd.tile.s32 @!p0 $0x1;
	_ =	shalt  }
.Lfunc_end2:
_tile_overlayer_lowered:
.L_overlay_start_2:
0x5f: {  	(tag) =	ssettag $0x2  }
0x60: {  	s0 =	rddreg [dreg:$0x0];
	s2 =	stileid.u32  }
0x61: {  	s1 =	rddreg [dreg:$0x1];
	p0 =	sne.s32 s2, $0x0  }
0x62: {  	s3 =	rddreg [dreg:$0x2];
	[bflag:$0x3] =	sbarrier.arrive $0xFFFF;
	s2 =	simm.s32 @!p0 $0x1C02  }
0x63: {  	[timem:s3], [sflag:s2] =	dma.local @!p0 [hbm:s0], s1  }
0x64: {  	s0 =	simm.s32 @!p0 $0x2  }
0x65: {  	_ =	swait.ge @!p0 [sflag:s0], s1  }
0x66: {  	s1 =	ssub.s32 @!p0 $0x0, s1;
	[sflag:s0] =	ssyncset.done @!p0 $0x0  }
0x67: {  	[sflag:s0] =	ssyncadd.s32 @!p0 s1  }
0x68: {  	[bflag:$0x3] =	sbarrier.arrive $0xFFFF  }
0x69: {  	_ =	shalt  }

</sc_bundles>
